<compile_context>
chip_gen: v7x
topology: tpu7x:2x2x1
jax: 0.10.2.dev20260603
libtpu: 0.0.44.dev20260713+nightly
codegen_flags: <defaults>
</compile_context>

<pallas_src>
import functools

import jax
import jax.numpy as jnp
from jax import lax
from jax.experimental import pallas as pl
from jax.experimental.pallas import tpu as pltpu
from jax.experimental.pallas import tpu_sc as plsc

N_NODES = 10000
N_EDGES = 320000
D = 128
NUM_RELS = 8

NC = 2
NS = 16
NW = NC * NS
EPW = N_EDGES // NW
CH = 80
STEPS = EPW // CH
NB = 3
NI = 6
NPAD = 10240
ZR = NPAD // NS


def _node_transform_body(h_ref, op_ref, norm_ref, w_ref, t_ref):
    h = h_ref[...]
    op = op_ref[...]
    norm = norm_ref[...]
    acc = jnp.zeros_like(t_ref)
    for r in range(NUM_RELS):
        scale = jnp.where(op == r, norm, 0.0)
        acc += jnp.dot((h * scale).astype(jnp.bfloat16),
                       w_ref[r].astype(jnp.bfloat16),
                       preferred_element_type=jnp.float32)
    t_ref[...] = acc


def _node_transform(h, op2, norm2, weight):
    return pl.pallas_call(
        _node_transform_body,
        out_shape=jax.ShapeDtypeStruct((N_NODES, D), jnp.float32),
    )(h, op2, norm2, weight)


_sc_mesh = plsc.VectorSubcoreMesh(
    core_axis_name="c", subcore_axis_name="s", num_cores=NC, num_subcores=NS
)


@functools.partial(
    pl.kernel,
    out_type=jax.ShapeDtypeStruct((NC, NPAD, D), jnp.float32),
    mesh=_sc_mesh,
    scratch_types=[
        pltpu.VMEM((NI, CH), jnp.int32),
        pltpu.VMEM((STEPS, CH), jnp.int32),
        pltpu.VMEM((NB, CH, D), jnp.float32),
        pltpu.VMEM_SHARED((NPAD, D), jnp.float32),
        pltpu.SemaphoreType.DMA,
        pltpu.SemaphoreType.DMA,
        pltpu.SemaphoreType.DMA,
        pltpu.SemaphoreType.DMA,
        pltpu.SemaphoreType.DMA,
        pltpu.SemaphoreType.DMA,
        pltpu.SemaphoreType.DMA,
        pltpu.SemaphoreType.DMA,
        pltpu.SemaphoreType.DMA,
    ],
)
def _sc_scatter(t_hbm, src_hbm, dst_hbm, zeros_hbm, out_hbm,
                src_v, dst_v, rows_v, acc,
                g0, g1, g2, i0, i1, i2, i3, i4, i5):
    cid = lax.axis_index("c")
    sid = lax.axis_index("s")
    wid = sid * NC + cid
    gsem = (g0, g1, g2)
    isem = (i0, i1, i2, i3, i4, i5)

    pltpu.sync_copy(zeros_hbm, acc.at[pl.ds(sid * ZR, ZR)])
    pltpu.sync_copy(dst_hbm.at[wid], dst_v)
    plsc.subcore_barrier()

    def fetch_idx(s, k):
        pltpu.async_copy(src_hbm.at[pl.ds(wid * EPW + s * CH, CH)],
                         src_v.at[k], isem[k])

    def wait_idx(s, k):
        pltpu.make_async_copy(src_hbm.at[pl.ds(wid * EPW + s * CH, CH)],
                              src_v.at[k], isem[k]).wait()

    def fire_gather(b, k):
        pltpu.async_copy(t_hbm.at[src_v.at[k]], rows_v.at[b], gsem[b])

    def wait_gather(b, k):
        pltpu.make_async_copy(t_hbm.at[src_v.at[k]], rows_v.at[b],
                              gsem[b]).wait()

    def scatter(s, b):
        pltpu.sync_copy(rows_v.at[b], acc.at[dst_v.at[s]], add=True)

    pltpu.sync_copy(src_hbm.at[pl.ds(wid * EPW, CH)], src_v.at[0])
    pltpu.sync_copy(src_hbm.at[pl.ds(wid * EPW + CH, CH)], src_v.at[1])
    for k in range(2, NI):
        fetch_idx(k, k)
    fire_gather(0, 0)
    fire_gather(1, 1)

    @pl.loop(0, STEPS - 11, step=NI)
    def _slots(s):
        for j in range(NI):
            t = s + j
            wait_gather(j % NB, j % NI)
            scatter(t, j % NB)
            wait_idx(t + 2, (j + 2) % NI)
            fire_gather((j + 2) % NB, (j + 2) % NI)
            fetch_idx(t + NI, j % NI)

    for j in range(11):
        t = STEPS - 11 + j
        wait_gather(t % NB, t % NI)
        scatter(t, t % NB)
        if t + 2 < STEPS:
            wait_idx(t + 2, (t + 2) % NI)
            fire_gather((t + 2) % NB, (t + 2) % NI)
        if t + NI < STEPS:
            fetch_idx(t + NI, t % NI)

    plsc.subcore_barrier()
    pltpu.sync_copy(acc.at[pl.ds(sid * ZR, ZR)],
                    out_hbm.at[cid, pl.ds(sid * ZR, ZR)])


def _merge_body(p_ref, o_ref):
    o_ref[...] = p_ref[0, :N_NODES, :] + p_ref[1, :N_NODES, :]


def _merge(partials):
    return pl.pallas_call(
        _merge_body,
        out_shape=jax.ShapeDtypeStruct((N_NODES, D), jnp.float32),
    )(partials)


def kernel(h, edge_index, op_class_id, norm, weight):
    src = edge_index[0].astype(jnp.int32)
    dst = edge_index[1].astype(jnp.int32).reshape(NW, STEPS, CH)
    op2 = op_class_id.astype(jnp.int32).reshape(N_NODES, 1)
    norm2 = norm.astype(jnp.float32).reshape(N_NODES, 1)
    t = _node_transform(h, op2, norm2, weight)
    zeros = jnp.zeros((ZR, D), jnp.float32)
    partials = _sc_scatter(t, src, dst, zeros)
    return _merge(partials)

# --- scband reference (transcript-rebuilt; emitter-appended) ---
"""Pipeline reference for scband-goal-rgcnlayer-23699629539371 (READ-ONLY COPY).

The authoritative reference and input builder live on the scoring server;
editing this copy changes nothing except your own understanding.
"""

import jax, jax.numpy as jnp
import numpy as np

N_NODES = 10000
N_EDGES = 320000
D_IN = 128
D_OUT = 128
NUM_RELS = 8
W_GAIN = 10.0


def setup_inputs(seed: int = 0) -> dict:
    key = jax.random.key(seed)
    k1, k2, k3, k4, k5 = jax.random.split(key, 5)
    h = jax.random.normal(k1, (N_NODES, D_IN), dtype=jnp.float32)
    edge_index = jax.random.randint(k2, (2, N_EDGES), 0, N_NODES)
    op_class_id = jax.random.randint(k3, (N_NODES,), 0, NUM_RELS)
    norm = jax.random.uniform(k4, (N_NODES,), dtype=jnp.float32)
    # xavier_uniform with gain=w_gain for weight [num_rels, in_feat, out_feat]
    limit = W_GAIN * float(np.sqrt(6.0 / (D_IN + D_OUT)))
    weight = jax.random.uniform(k5, (NUM_RELS, D_IN, D_OUT), dtype=jnp.float32, minval=-limit, maxval=limit)
    return {"h": h, "edge_index": edge_index, "op_class_id": op_class_id, "norm": norm, "weight": weight}


def reference(h, edge_index, op_class_id, norm, weight):
    # num_bases == num_rels, so weight is used directly (no basis decomposition).
    # is_input_layer=False path: per-edge msg = (h_src[None,:] @ weight[op_class_id_src]).squeeze() * norm_src
    # Since op_class_id and norm live on source nodes, the per-edge bmm is
    # mathematically identical to a per-node transform followed by an edge gather.
    src = edge_index[0]
    dst = edge_index[1]
    w_n = weight[op_class_id]                      # [N, D_IN, D_OUT] gather per node
    t = jnp.einsum('ni,nio->no', h, w_n)           # per-node bmm
    t = t * norm[:, None]                          # src norm scaling
    msg = t[src]                                   # gather messages per edge
    out = jax.ops.segment_sum(msg, dst, num_segments=N_NODES)  # fn.sum(msg -> h)
    # bias=None, activation=None -> apply_func is identity
    return out

if __name__ == "__main__":
    import jax
    _d = setup_inputs()
    print(jax.jit(kernel)(*tuple(_d.values())))

</pallas_src>

<mosaic_0001>
#map = affine_map<(d0, d1) -> (0, 0)>
#map1 = affine_map<(d0, d1) -> (0)>
#map2 = affine_map<(d0, d1) -> (0, 0, 0)>
module attributes {stable_mosaic.version = 14 : i64} {
  func.func @_sc_scatter(%arg0: i32, %arg1: i32, %arg2: memref<10000x128xf32, #tpu.memory_space<hbm>>, %arg3: memref<320000xi32, #tpu.memory_space<hbm>>, %arg4: memref<32x125x80xi32, #tpu.memory_space<hbm>>, %arg5: memref<640x128xf32, #tpu.memory_space<hbm>>, %arg6: memref<2x10240x128xf32, #tpu.memory_space<hbm>>, %arg7: memref<6x80xi32, #tpu.memory_space<vmem>>, %arg8: memref<125x80xi32, #tpu.memory_space<vmem>>, %arg9: memref<3x80x128xf32, #tpu.memory_space<vmem>>, %arg10: memref<10240x128xf32, #tpu.memory_space<vmem_shared>>, %arg11: memref<!tpu.dma_semaphore, #tpu.memory_space<semaphore_mem>>, %arg12: memref<!tpu.dma_semaphore, #tpu.memory_space<semaphore_mem>>, %arg13: memref<!tpu.dma_semaphore, #tpu.memory_space<semaphore_mem>>, %arg14: memref<!tpu.dma_semaphore, #tpu.memory_space<semaphore_mem>>, %arg15: memref<!tpu.dma_semaphore, #tpu.memory_space<semaphore_mem>>, %arg16: memref<!tpu.dma_semaphore, #tpu.memory_space<semaphore_mem>>, %arg17: memref<!tpu.dma_semaphore, #tpu.memory_space<semaphore_mem>>, %arg18: memref<!tpu.dma_semaphore, #tpu.memory_space<semaphore_mem>>, %arg19: memref<!tpu.dma_semaphore, #tpu.memory_space<semaphore_mem>>) attributes {dimension_semantics = [#tpu.dimension_semantics<core_parallel>, #tpu.dimension_semantics<subcore_parallel>], iteration_bounds = array<i64: 2, 16>, scalar_prefetch = 0 : i64, scratch_operands = 13 : i64, tpu.core_type = #tpu.core_type<sc_vector_subcore>, window_params = [{transform_indices = #map}, {transform_indices = #map1}, {transform_indices = #map2}, {transform_indices = #map}, {transform_indices = #map2}]} {
    %mul3A = arith.constant 2 : i32
    %mul3A_0 = arith.muli %arg1, %mul3A : i32
    %add3A = arith.addi %mul3A_0, %arg0 : i32
    %mul3A_1 = arith.constant 640 : i32
    %mul3A_2 = arith.muli %arg1, %mul3A_1 : i32
    "tpu.region"() ({
      %run_scoped3A_537 = tpu.sem_alloc : memref<!tpu.dma_semaphore, #tpu.memory_space<semaphore_mem>>
      %dma_start3A_538 = arith.constant 0 : i32
      %dma_start3A_539 = tpu.memref_slice %arg10[%mul3A_2, %dma_start3A_538] : memref<10240x128xf32, #tpu.memory_space<vmem_shared>> -> memref<640x128xf32, #tpu.memory_space<vmem_shared>>
      tpu.enqueue_dma source(%arg5 : memref<640x128xf32, #tpu.memory_space<hbm>>) target(%dma_start3A_539 : memref<640x128xf32, #tpu.memory_space<vmem_shared>>) target_semaphore(%run_scoped3A_537 : memref<!tpu.dma_semaphore, #tpu.memory_space<semaphore_mem>>)
      %dma_wait3A_540 = arith.constant 0 : i32
      %dma_wait3A_541 = tpu.memref_slice %arg10[%mul3A_2, %dma_wait3A_540] : memref<10240x128xf32, #tpu.memory_space<vmem_shared>> -> memref<640x128xf32, #tpu.memory_space<vmem_shared>>
      tpu.wait_dma2 semaphore(%run_scoped3A_537 : memref<!tpu.dma_semaphore, #tpu.memory_space<semaphore_mem>>) src(%arg5 : memref<640x128xf32, #tpu.memory_space<hbm>>) dst(%dma_wait3A_541 : memref<640x128xf32, #tpu.memory_space<vmem_shared>>)
      tpu.yield
    }) : () -> ()
    "tpu.region"() ({
      %run_scoped3A_537 = tpu.sem_alloc : memref<!tpu.dma_semaphore, #tpu.memory_space<semaphore_mem>>
      %dma_start3A_538 = arith.constant 0 : i32
      %dma_start3A_539 = arith.constant 0 : i32
      %dma_start3A_540 = tpu.memref_slice %arg4[%add3A, %dma_start3A_538, %dma_start3A_539] : memref<32x125x80xi32, #tpu.memory_space<hbm>> -> memref<1x125x80xi32, #tpu.memory_space<hbm>>
      %dma_start3A_541 = tpu.memref_squeeze %dma_start3A_540 : memref<1x125x80xi32, #tpu.memory_space<hbm>> -> memref<125x80xi32, #tpu.memory_space<hbm>>
      %dma_start3A_542 = arith.constant 0 : i32
      %dma_start3A_543 = arith.constant 0 : i32
      %dma_start3A_544 = tpu.memref_slice %arg4[%add3A, %dma_start3A_542, %dma_start3A_543] : memref<32x125x80xi32, #tpu.memory_space<hbm>> -> memref<1x125x80xi32, #tpu.memory_space<hbm>>
      %dma_start3A_545 = tpu.memref_squeeze %dma_start3A_544 : memref<1x125x80xi32, #tpu.memory_space<hbm>> -> memref<125x80xi32, #tpu.memory_space<hbm>>
      tpu.enqueue_dma source(%dma_start3A_545 : memref<125x80xi32, #tpu.memory_space<hbm>>) target(%arg8 : memref<125x80xi32, #tpu.memory_space<vmem>>) target_semaphore(%run_scoped3A_537 : memref<!tpu.dma_semaphore, #tpu.memory_space<semaphore_mem>>)
      %dma_wait3A_546 = arith.constant 0 : i32
      %dma_wait3A_547 = arith.constant 0 : i32
      %dma_wait3A_548 = tpu.memref_slice %arg4[%add3A, %dma_wait3A_546, %dma_wait3A_547] : memref<32x125x80xi32, #tpu.memory_space<hbm>> -> memref<1x125x80xi32, #tpu.memory_space<hbm>>
      %dma_wait3A_549 = tpu.memref_squeeze %dma_wait3A_548 : memref<1x125x80xi32, #tpu.memory_space<hbm>> -> memref<125x80xi32, #tpu.memory_space<hbm>>
      %dma_wait3A_550 = arith.constant 0 : i32
      %dma_wait3A_551 = arith.constant 0 : i32
      %dma_wait3A_552 = tpu.memref_slice %arg4[%add3A, %dma_wait3A_550, %dma_wait3A_551] : memref<32x125x80xi32, #tpu.memory_space<hbm>> -> memref<1x125x80xi32, #tpu.memory_space<hbm>>
      %dma_wait3A_553 = tpu.memref_squeeze %dma_wait3A_552 : memref<1x125x80xi32, #tpu.memory_space<hbm>> -> memref<125x80xi32, #tpu.memory_space<hbm>>
      tpu.wait_dma2 semaphore(%run_scoped3A_537 : memref<!tpu.dma_semaphore, #tpu.memory_space<semaphore_mem>>) src(%dma_wait3A_553 : memref<125x80xi32, #tpu.memory_space<hbm>>) dst(%arg8 : memref<125x80xi32, #tpu.memory_space<vmem>>)
      tpu.yield
    }) : () -> ()
    %barrier3A = arith.constant 0 : index
    tpu.barrier barrier_id(%barrier3A)
    %mul3A_3 = arith.constant 10000 : i32
    %mul3A_4 = arith.muli %add3A, %mul3A_3 : i32
    %run_scoped3A = arith.constant 0 : i32
    "tpu.region"() ({
      %run_scoped3A_537 = tpu.sem_alloc : memref<!tpu.dma_semaphore, #tpu.memory_space<semaphore_mem>>
      %dma_start3A_538 = arith.constant 0 : i32
      %dma_start3A_539 = tpu.memref_slice %arg7[%run_scoped3A, %dma_start3A_538] : memref<6x80xi32, #tpu.memory_space<vmem>> -> memref<1x80xi32, #tpu.memory_space<vmem>>
      %dma_start3A_540 = tpu.memref_squeeze %dma_start3A_539 : memref<1x80xi32, #tpu.memory_space<vmem>> -> memref<80xi32, #tpu.memory_space<vmem>>
      %dma_start3A_541 = tpu.memref_slice %arg3[%mul3A_4] : memref<320000xi32, #tpu.memory_space<hbm>> -> memref<80xi32, #tpu.memory_space<hbm>>
      %dma_start3A_542 = arith.constant 0 : i32
      %dma_start3A_543 = tpu.memref_slice %arg7[%run_scoped3A, %dma_start3A_542] : memref<6x80xi32, #tpu.memory_space<vmem>> -> memref<1x80xi32, #tpu.memory_space<vmem>>
      %dma_start3A_544 = tpu.memref_squeeze %dma_start3A_543 : memref<1x80xi32, #tpu.memory_space<vmem>> -> memref<80xi32, #tpu.memory_space<vmem>>
      %dma_start3A_545 = tpu.memref_slice %arg3[%mul3A_4] : memref<320000xi32, #tpu.memory_space<hbm>> -> memref<80xi32, #tpu.memory_space<hbm>>
      tpu.enqueue_dma source(%dma_start3A_545 : memref<80xi32, #tpu.memory_space<hbm>>) target(%dma_start3A_544 : memref<80xi32, #tpu.memory_space<vmem>>) target_semaphore(%run_scoped3A_537 : memref<!tpu.dma_semaphore, #tpu.memory_space<semaphore_mem>>)
      %dma_wait3A_546 = arith.constant 0 : i32
      %dma_wait3A_547 = tpu.memref_slice %arg7[%run_scoped3A, %dma_wait3A_546] : memref<6x80xi32, #tpu.memory_space<vmem>> -> memref<1x80xi32, #tpu.memory_space<vmem>>
      %dma_wait3A_548 = tpu.memref_squeeze %dma_wait3A_547 : memref<1x80xi32, #tpu.memory_space<vmem>> -> memref<80xi32, #tpu.memory_space<vmem>>
      %dma_wait3A_549 = tpu.memref_slice %arg3[%mul3A_4] : memref<320000xi32, #tpu.memory_space<hbm>> -> memref<80xi32, #tpu.memory_space<hbm>>
      %dma_wait3A_550 = arith.constant 0 : i32
      %dma_wait3A_551 = tpu.memref_slice %arg7[%run_scoped3A, %dma_wait3A_550] : memref<6x80xi32, #tpu.memory_space<vmem>> -> memref<1x80xi32, #tpu.memory_space<vmem>>
      %dma_wait3A_552 = tpu.memref_squeeze %dma_wait3A_551 : memref<1x80xi32, #tpu.memory_space<vmem>> -> memref<80xi32, #tpu.memory_space<vmem>>
      %dma_wait3A_553 = tpu.memref_slice %arg3[%mul3A_4] : memref<320000xi32, #tpu.memory_space<hbm>> -> memref<80xi32, #tpu.memory_space<hbm>>
      tpu.wait_dma2 semaphore(%run_scoped3A_537 : memref<!tpu.dma_semaphore, #tpu.memory_space<semaphore_mem>>) src(%dma_wait3A_553 : memref<80xi32, #tpu.memory_space<hbm>>) dst(%dma_wait3A_552 : memref<80xi32, #tpu.memory_space<vmem>>)
      tpu.yield
    }) : () -> ()
    %mul3A_5 = arith.constant 10000 : i32
    %mul3A_6 = arith.muli %add3A, %mul3A_5 : i32
    %add3A_7 = arith.constant 80 : i32
    %add3A_8 = arith.addi %mul3A_6, %add3A_7 : i32
    %run_scoped3A_9 = arith.constant 1 : i32
    "tpu.region"() ({
      %run_scoped3A_537 = tpu.sem_alloc : memref<!tpu.dma_semaphore, #tpu.memory_space<semaphore_mem>>
      %dma_start3A_538 = arith.constant 0 : i32
      %dma_start3A_539 = tpu.memref_slice %arg7[%run_scoped3A_9, %dma_start3A_538] : memref<6x80xi32, #tpu.memory_space<vmem>> -> memref<1x80xi32, #tpu.memory_space<vmem>>
      %dma_start3A_540 = tpu.memref_squeeze %dma_start3A_539 : memref<1x80xi32, #tpu.memory_space<vmem>> -> memref<80xi32, #tpu.memory_space<vmem>>
      %dma_start3A_541 = tpu.memref_slice %arg3[%add3A_8] : memref<320000xi32, #tpu.memory_space<hbm>> -> memref<80xi32, #tpu.memory_space<hbm>>
      %dma_start3A_542 = arith.constant 0 : i32
      %dma_start3A_543 = tpu.memref_slice %arg7[%run_scoped3A_9, %dma_start3A_542] : memref<6x80xi32, #tpu.memory_space<vmem>> -> memref<1x80xi32, #tpu.memory_space<vmem>>
      %dma_start3A_544 = tpu.memref_squeeze %dma_start3A_543 : memref<1x80xi32, #tpu.memory_space<vmem>> -> memref<80xi32, #tpu.memory_space<vmem>>
      %dma_start3A_545 = tpu.memref_slice %arg3[%add3A_8] : memref<320000xi32, #tpu.memory_space<hbm>> -> memref<80xi32, #tpu.memory_space<hbm>>
      tpu.enqueue_dma source(%dma_start3A_545 : memref<80xi32, #tpu.memory_space<hbm>>) target(%dma_start3A_544 : memref<80xi32, #tpu.memory_space<vmem>>) target_semaphore(%run_scoped3A_537 : memref<!tpu.dma_semaphore, #tpu.memory_space<semaphore_mem>>)
      %dma_wait3A_546 = arith.constant 0 : i32
      %dma_wait3A_547 = tpu.memref_slice %arg7[%run_scoped3A_9, %dma_wait3A_546] : memref<6x80xi32, #tpu.memory_space<vmem>> -> memref<1x80xi32, #tpu.memory_space<vmem>>
      %dma_wait3A_548 = tpu.memref_squeeze %dma_wait3A_547 : memref<1x80xi32, #tpu.memory_space<vmem>> -> memref<80xi32, #tpu.memory_space<vmem>>
      %dma_wait3A_549 = tpu.memref_slice %arg3[%add3A_8] : memref<320000xi32, #tpu.memory_space<hbm>> -> memref<80xi32, #tpu.memory_space<hbm>>
      %dma_wait3A_550 = arith.constant 0 : i32
      %dma_wait3A_551 = tpu.memref_slice %arg7[%run_scoped3A_9, %dma_wait3A_550] : memref<6x80xi32, #tpu.memory_space<vmem>> -> memref<1x80xi32, #tpu.memory_space<vmem>>
      %dma_wait3A_552 = tpu.memref_squeeze %dma_wait3A_551 : memref<1x80xi32, #tpu.memory_space<vmem>> -> memref<80xi32, #tpu.memory_space<vmem>>
      %dma_wait3A_553 = tpu.memref_slice %arg3[%add3A_8] : memref<320000xi32, #tpu.memory_space<hbm>> -> memref<80xi32, #tpu.memory_space<hbm>>
      tpu.wait_dma2 semaphore(%run_scoped3A_537 : memref<!tpu.dma_semaphore, #tpu.memory_space<semaphore_mem>>) src(%dma_wait3A_553 : memref<80xi32, #tpu.memory_space<hbm>>) dst(%dma_wait3A_552 : memref<80xi32, #tpu.memory_space<vmem>>)
      tpu.yield
    }) : () -> ()
    %mul3A_10 = arith.constant 10000 : i32
    %mul3A_11 = arith.muli %add3A, %mul3A_10 : i32
    %add3A_12 = arith.constant 160 : i32
    %add3A_13 = arith.addi %mul3A_11, %add3A_12 : i32
    %dma_start3A = arith.constant 2 : i32
    %dma_start3A_14 = arith.constant 0 : i32
    %dma_start3A_15 = tpu.memref_slice %arg7[%dma_start3A, %dma_start3A_14] : memref<6x80xi32, #tpu.memory_space<vmem>> -> memref<1x80xi32, #tpu.memory_space<vmem>>
    %dma_start3A_16 = tpu.memref_squeeze %dma_start3A_15 : memref<1x80xi32, #tpu.memory_space<vmem>> -> memref<80xi32, #tpu.memory_space<vmem>>
    %dma_start3A_17 = tpu.memref_slice %arg3[%add3A_13] : memref<320000xi32, #tpu.memory_space<hbm>> -> memref<80xi32, #tpu.memory_space<hbm>>
    %dma_start3A_18 = arith.constant 0 : i32
    %dma_start3A_19 = tpu.memref_slice %arg7[%dma_start3A, %dma_start3A_18] : memref<6x80xi32, #tpu.memory_space<vmem>> -> memref<1x80xi32, #tpu.memory_space<vmem>>
    %dma_start3A_20 = tpu.memref_squeeze %dma_start3A_19 : memref<1x80xi32, #tpu.memory_space<vmem>> -> memref<80xi32, #tpu.memory_space<vmem>>
    %dma_start3A_21 = tpu.memref_slice %arg3[%add3A_13] : memref<320000xi32, #tpu.memory_space<hbm>> -> memref<80xi32, #tpu.memory_space<hbm>>
    tpu.enqueue_dma source(%dma_start3A_21 : memref<80xi32, #tpu.memory_space<hbm>>) target(%dma_start3A_20 : memref<80xi32, #tpu.memory_space<vmem>>) target_semaphore(%arg16 : memref<!tpu.dma_semaphore, #tpu.memory_space<semaphore_mem>>)
    %mul3A_22 = arith.constant 10000 : i32
    %mul3A_23 = arith.muli %add3A, %mul3A_22 : i32
    %add3A_24 = arith.constant 240 : i32
    %add3A_25 = arith.addi %mul3A_23, %add3A_24 : i32
    %dma_start3A_26 = arith.constant 3 : i32
    %dma_start3A_27 = arith.constant 0 : i32
    %dma_start3A_28 = tpu.memref_slice %arg7[%dma_start3A_26, %dma_start3A_27] : memref<6x80xi32, #tpu.memory_space<vmem>> -> memref<1x80xi32, #tpu.memory_space<vmem>>
    %dma_start3A_29 = tpu.memref_squeeze %dma_start3A_28 : memref<1x80xi32, #tpu.memory_space<vmem>> -> memref<80xi32, #tpu.memory_space<vmem>>
    %dma_start3A_30 = tpu.memref_slice %arg3[%add3A_25] : memref<320000xi32, #tpu.memory_space<hbm>> -> memref<80xi32, #tpu.memory_space<hbm>>
    %dma_start3A_31 = arith.constant 0 : i32
    %dma_start3A_32 = tpu.memref_slice %arg7[%dma_start3A_26, %dma_start3A_31] : memref<6x80xi32, #tpu.memory_space<vmem>> -> memref<1x80xi32, #tpu.memory_space<vmem>>
    %dma_start3A_33 = tpu.memref_squeeze %dma_start3A_32 : memref<1x80xi32, #tpu.memory_space<vmem>> -> memref<80xi32, #tpu.memory_space<vmem>>
    %dma_start3A_34 = tpu.memref_slice %arg3[%add3A_25] : memref<320000xi32, #tpu.memory_space<hbm>> -> memref<80xi32, #tpu.memory_space<hbm>>
    tpu.enqueue_dma source(%dma_start3A_34 : memref<80xi32, #tpu.memory_space<hbm>>) target(%dma_start3A_33 : memref<80xi32, #tpu.memory_space<vmem>>) target_semaphore(%arg17 : memref<!tpu.dma_semaphore, #tpu.memory_space<semaphore_mem>>)
    %mul3A_35 = arith.constant 10000 : i32
    %mul3A_36 = arith.muli %add3A, %mul3A_35 : i32
    %add3A_37 = arith.constant 320 : i32
    %add3A_38 = arith.addi %mul3A_36, %add3A_37 : i32
    %dma_start3A_39 = arith.constant 4 : i32
    %dma_start3A_40 = arith.constant 0 : i32
    %dma_start3A_41 = tpu.memref_slice %arg7[%dma_start3A_39, %dma_start3A_40] : memref<6x80xi32, #tpu.memory_space<vmem>> -> memref<1x80xi32, #tpu.memory_space<vmem>>
    %dma_start3A_42 = tpu.memref_squeeze %dma_start3A_41 : memref<1x80xi32, #tpu.memory_space<vmem>> -> memref<80xi32, #tpu.memory_space<vmem>>
    %dma_start3A_43 = tpu.memref_slice %arg3[%add3A_38] : memref<320000xi32, #tpu.memory_space<hbm>> -> memref<80xi32, #tpu.memory_space<hbm>>
    %dma_start3A_44 = arith.constant 0 : i32
    %dma_start3A_45 = tpu.memref_slice %arg7[%dma_start3A_39, %dma_start3A_44] : memref<6x80xi32, #tpu.memory_space<vmem>> -> memref<1x80xi32, #tpu.memory_space<vmem>>
    %dma_start3A_46 = tpu.memref_squeeze %dma_start3A_45 : memref<1x80xi32, #tpu.memory_space<vmem>> -> memref<80xi32, #tpu.memory_space<vmem>>
    %dma_start3A_47 = tpu.memref_slice %arg3[%add3A_38] : memref<320000xi32, #tpu.memory_space<hbm>> -> memref<80xi32, #tpu.memory_space<hbm>>
    tpu.enqueue_dma source(%dma_start3A_47 : memref<80xi32, #tpu.memory_space<hbm>>) target(%dma_start3A_46 : memref<80xi32, #tpu.memory_space<vmem>>) target_semaphore(%arg18 : memref<!tpu.dma_semaphore, #tpu.memory_space<semaphore_mem>>)
    %mul3A_48 = arith.constant 10000 : i32
    %mul3A_49 = arith.muli %add3A, %mul3A_48 : i32
    %add3A_50 = arith.constant 400 : i32
    %add3A_51 = arith.addi %mul3A_49, %add3A_50 : i32
    %dma_start3A_52 = arith.constant 5 : i32
    %dma_start3A_53 = arith.constant 0 : i32
    %dma_start3A_54 = tpu.memref_slice %arg7[%dma_start3A_52, %dma_start3A_53] : memref<6x80xi32, #tpu.memory_space<vmem>> -> memref<1x80xi32, #tpu.memory_space<vmem>>
    %dma_start3A_55 = tpu.memref_squeeze %dma_start3A_54 : memref<1x80xi32, #tpu.memory_space<vmem>> -> memref<80xi32, #tpu.memory_space<vmem>>
    %dma_start3A_56 = tpu.memref_slice %arg3[%add3A_51] : memref<320000xi32, #tpu.memory_space<hbm>> -> memref<80xi32, #tpu.memory_space<hbm>>
    %dma_start3A_57 = arith.constant 0 : i32
    %dma_start3A_58 = tpu.memref_slice %arg7[%dma_start3A_52, %dma_start3A_57] : memref<6x80xi32, #tpu.memory_space<vmem>> -> memref<1x80xi32, #tpu.memory_space<vmem>>
    %dma_start3A_59 = tpu.memref_squeeze %dma_start3A_58 : memref<1x80xi32, #tpu.memory_space<vmem>> -> memref<80xi32, #tpu.memory_space<vmem>>
    %dma_start3A_60 = tpu.memref_slice %arg3[%add3A_51] : memref<320000xi32, #tpu.memory_space<hbm>> -> memref<80xi32, #tpu.memory_space<hbm>>
    tpu.enqueue_dma source(%dma_start3A_60 : memref<80xi32, #tpu.memory_space<hbm>>) target(%dma_start3A_59 : memref<80xi32, #tpu.memory_space<vmem>>) target_semaphore(%arg19 : memref<!tpu.dma_semaphore, #tpu.memory_space<semaphore_mem>>)
    %dma_start3A_61 = arith.constant 0 : i32
    %dma_start3A_62 = arith.constant 0 : i32
    %dma_start3A_63 = arith.constant 0 : i32
    %dma_start3A_64 = arith.constant 0 : i32
    %dma_start3A_65 = tpu.memref_slice %arg9[%dma_start3A_62, %dma_start3A_63, %dma_start3A_64] : memref<3x80x128xf32, #tpu.memory_space<vmem>> -> memref<1x80x128xf32, #tpu.memory_space<vmem>>
    %dma_start3A_66 = tpu.memref_squeeze %dma_start3A_65 : memref<1x80x128xf32, #tpu.memory_space<vmem>> -> memref<80x128xf32, #tpu.memory_space<vmem>>
    %dma_start3A_67 = arith.constant 0 : i32
    %dma_start3A_68 = tpu.memref_slice %arg7[%dma_start3A_61, %dma_start3A_67] : memref<6x80xi32, #tpu.memory_space<vmem>> -> memref<1x80xi32, #tpu.memory_space<vmem>>
    %dma_start3A_69 = tpu.memref_squeeze %dma_start3A_68 : memref<1x80xi32, #tpu.memory_space<vmem>> -> memref<80xi32, #tpu.memory_space<vmem>>
    %dma_start3A_70 = arith.constant 0 : i32
    %dma_start3A_71 = arith.constant 0 : i32
    %dma_start3A_72 = tpu.memref_slice %arg2[%dma_start3A_70, %dma_start3A_71] : memref<10000x128xf32, #tpu.memory_space<hbm>> -> memref<10000x128xf32, #tpu.memory_space<hbm>>
    tpu.enqueue_indirect_dma source(%dma_start3A_72 : memref<10000x128xf32, #tpu.memory_space<hbm>>) target(%dma_start3A_66 : memref<80x128xf32, #tpu.memory_space<vmem>>) offsets(%dma_start3A_69 : memref<80xi32, #tpu.memory_space<vmem>>) semaphore(%arg11 : memref<!tpu.dma_semaphore, #tpu.memory_space<semaphore_mem>>)
    %dma_start3A_73 = arith.constant 1 : i32
    %dma_start3A_74 = arith.constant 1 : i32
    %dma_start3A_75 = arith.constant 0 : i32
    %dma_start3A_76 = arith.constant 0 : i32
    %dma_start3A_77 = tpu.memref_slice %arg9[%dma_start3A_74, %dma_start3A_75, %dma_start3A_76] : memref<3x80x128xf32, #tpu.memory_space<vmem>> -> memref<1x80x128xf32, #tpu.memory_space<vmem>>
    %dma_start3A_78 = tpu.memref_squeeze %dma_start3A_77 : memref<1x80x128xf32, #tpu.memory_space<vmem>> -> memref<80x128xf32, #tpu.memory_space<vmem>>
    %dma_start3A_79 = arith.constant 0 : i32
    %dma_start3A_80 = tpu.memref_slice %arg7[%dma_start3A_73, %dma_start3A_79] : memref<6x80xi32, #tpu.memory_space<vmem>> -> memref<1x80xi32, #tpu.memory_space<vmem>>
    %dma_start3A_81 = tpu.memref_squeeze %dma_start3A_80 : memref<1x80xi32, #tpu.memory_space<vmem>> -> memref<80xi32, #tpu.memory_space<vmem>>
    %dma_start3A_82 = arith.constant 0 : i32
    %dma_start3A_83 = arith.constant 0 : i32
    %dma_start3A_84 = tpu.memref_slice %arg2[%dma_start3A_82, %dma_start3A_83] : memref<10000x128xf32, #tpu.memory_space<hbm>> -> memref<10000x128xf32, #tpu.memory_space<hbm>>
    tpu.enqueue_indirect_dma source(%dma_start3A_84 : memref<10000x128xf32, #tpu.memory_space<hbm>>) target(%dma_start3A_78 : memref<80x128xf32, #tpu.memory_space<vmem>>) offsets(%dma_start3A_81 : memref<80xi32, #tpu.memory_space<vmem>>) semaphore(%arg12 : memref<!tpu.dma_semaphore, #tpu.memory_space<semaphore_mem>>)
    %scan3A = arith.constant 0 : i32
    %scan3A_85 = arith.constant 19 : i32
    %scan3A_86 = arith.addi %scan3A, %scan3A_85 : i32
    %scan3A_87 = arith.constant 1 : i32
    scf.for %scan3A_537 = %scan3A to %scan3A_86 step %scan3A_87  : i32 {
      %mul3A_538 = arith.constant 6 : i32
      %mul3A_539 = arith.muli %scan3A_537, %mul3A_538 : i32
      %add3A_540 = arith.constant 0 : i32
      %add3A_541 = arith.addi %add3A_540, %mul3A_539 : i32
      %add3A_542 = arith.constant 0 : i32
      %add3A_543 = arith.addi %add3A_541, %add3A_542 : i32
      %dma_wait3A_544 = arith.constant 0 : i32
      %dma_wait3A_545 = arith.constant 0 : i32
      %dma_wait3A_546 = arith.constant 0 : i32
      %dma_wait3A_547 = arith.constant 0 : i32
      %dma_wait3A_548 = tpu.memref_slice %arg9[%dma_wait3A_545, %dma_wait3A_546, %dma_wait3A_547] : memref<3x80x128xf32, #tpu.memory_space<vmem>> -> memref<1x80x128xf32, #tpu.memory_space<vmem>>
      %dma_wait3A_549 = tpu.memref_squeeze %dma_wait3A_548 : memref<1x80x128xf32, #tpu.memory_space<vmem>> -> memref<80x128xf32, #tpu.memory_space<vmem>>
      %dma_wait3A_550 = arith.constant 0 : i32
      %dma_wait3A_551 = tpu.memref_slice %arg7[%dma_wait3A_544, %dma_wait3A_550] : memref<6x80xi32, #tpu.memory_space<vmem>> -> memref<1x80xi32, #tpu.memory_space<vmem>>
      %dma_wait3A_552 = tpu.memref_squeeze %dma_wait3A_551 : memref<1x80xi32, #tpu.memory_space<vmem>> -> memref<80xi32, #tpu.memory_space<vmem>>
      %dma_wait3A_553 = arith.constant 0 : i32
      %dma_wait3A_554 = arith.constant 0 : i32
      %dma_wait3A_555 = tpu.memref_slice %arg2[%dma_wait3A_553, %dma_wait3A_554] : memref<10000x128xf32, #tpu.memory_space<hbm>> -> memref<10000x128xf32, #tpu.memory_space<hbm>>
      tpu.wait_indirect_dma semaphore(%arg11 : memref<!tpu.dma_semaphore, #tpu.memory_space<semaphore_mem>>) src(%dma_wait3A_555 : memref<10000x128xf32, #tpu.memory_space<hbm>>) dst(%dma_wait3A_549 : memref<80x128xf32, #tpu.memory_space<vmem>>)
      %run_scoped3A_556 = arith.constant 0 : i32
      "tpu.region"() ({
        %run_scoped3A_896 = tpu.sem_alloc : memref<!tpu.dma_semaphore, #tpu.memory_space<semaphore_mem>>
        %dma_start3A_897 = arith.constant 0 : i32
        %dma_start3A_898 = arith.constant 0 : i32
        %dma_start3A_899 = tpu.memref_slice %arg9[%run_scoped3A_556, %dma_start3A_897, %dma_start3A_898] : memref<3x80x128xf32, #tpu.memory_space<vmem>> -> memref<1x80x128xf32, #tpu.memory_space<vmem>>
        %dma_start3A_900 = tpu.memref_squeeze %dma_start3A_899 : memref<1x80x128xf32, #tpu.memory_space<vmem>> -> memref<80x128xf32, #tpu.memory_space<vmem>>
        %dma_start3A_901 = arith.constant 0 : i32
        %dma_start3A_902 = tpu.memref_slice %arg8[%add3A_543, %dma_start3A_901] : memref<125x80xi32, #tpu.memory_space<vmem>> -> memref<1x80xi32, #tpu.memory_space<vmem>>
        %dma_start3A_903 = tpu.memref_squeeze %dma_start3A_902 : memref<1x80xi32, #tpu.memory_space<vmem>> -> memref<80xi32, #tpu.memory_space<vmem>>
        %dma_start3A_904 = arith.constant 0 : i32
        %dma_start3A_905 = arith.constant 0 : i32
        %dma_start3A_906 = tpu.memref_slice %arg10[%dma_start3A_904, %dma_start3A_905] : memref<10240x128xf32, #tpu.memory_space<vmem_shared>> -> memref<10240x128xf32, #tpu.memory_space<vmem_shared>>
        tpu.enqueue_indirect_dma source(%dma_start3A_900 : memref<80x128xf32, #tpu.memory_space<vmem>>) target(%dma_start3A_906 : memref<10240x128xf32, #tpu.memory_space<vmem_shared>>) offsets(%dma_start3A_903 : memref<80xi32, #tpu.memory_space<vmem>>) semaphore(%run_scoped3A_896 : memref<!tpu.dma_semaphore, #tpu.memory_space<semaphore_mem>>) {add = true}
        %dma_wait3A_907 = arith.constant 0 : i32
        %dma_wait3A_908 = arith.constant 0 : i32
        %dma_wait3A_909 = tpu.memref_slice %arg9[%run_scoped3A_556, %dma_wait3A_907, %dma_wait3A_908] : memref<3x80x128xf32, #tpu.memory_space<vmem>> -> memref<1x80x128xf32, #tpu.memory_space<vmem>>
        %dma_wait3A_910 = tpu.memref_squeeze %dma_wait3A_909 : memref<1x80x128xf32, #tpu.memory_space<vmem>> -> memref<80x128xf32, #tpu.memory_space<vmem>>
        %dma_wait3A_911 = arith.constant 0 : i32
        %dma_wait3A_912 = tpu.memref_slice %arg8[%add3A_543, %dma_wait3A_911] : memref<125x80xi32, #tpu.memory_space<vmem>> -> memref<1x80xi32, #tpu.memory_space<vmem>>
        %dma_wait3A_913 = tpu.memref_squeeze %dma_wait3A_912 : memref<1x80xi32, #tpu.memory_space<vmem>> -> memref<80xi32, #tpu.memory_space<vmem>>
        %dma_wait3A_914 = arith.constant 0 : i32
        %dma_wait3A_915 = arith.constant 0 : i32
        %dma_wait3A_916 = tpu.memref_slice %arg10[%dma_wait3A_914, %dma_wait3A_915] : memref<10240x128xf32, #tpu.memory_space<vmem_shared>> -> memref<10240x128xf32, #tpu.memory_space<vmem_shared>>
        tpu.wait_indirect_dma semaphore(%run_scoped3A_896 : memref<!tpu.dma_semaphore, #tpu.memory_space<semaphore_mem>>) src(%dma_wait3A_910 : memref<80x128xf32, #tpu.memory_space<vmem>>) dst(%dma_wait3A_916 : memref<10240x128xf32, #tpu.memory_space<vmem_shared>>)
        tpu.yield
      }) : () -> ()
      %add3A_557 = arith.constant 2 : i32
      %add3A_558 = arith.addi %add3A_543, %add3A_557 : i32
      %mul3A_559 = arith.constant 10000 : i32
      %mul3A_560 = arith.muli %add3A, %mul3A_559 : i32
      %mul3A_561 = arith.constant 80 : i32
      %mul3A_562 = arith.muli %add3A_558, %mul3A_561 : i32
      %add3A_563 = arith.addi %mul3A_560, %mul3A_562 : i32
      %dma_wait3A_564 = arith.constant 2 : i32
      %dma_wait3A_565 = arith.constant 0 : i32
      %dma_wait3A_566 = tpu.memref_slice %arg7[%dma_wait3A_564, %dma_wait3A_565] : memref<6x80xi32, #tpu.memory_space<vmem>> -> memref<1x80xi32, #tpu.memory_space<vmem>>
      %dma_wait3A_567 = tpu.memref_squeeze %dma_wait3A_566 : memref<1x80xi32, #tpu.memory_space<vmem>> -> memref<80xi32, #tpu.memory_space<vmem>>
      %dma_wait3A_568 = tpu.memref_slice %arg3[%add3A_563] : memref<320000xi32, #tpu.memory_space<hbm>> -> memref<80xi32, #tpu.memory_space<hbm>>
      %dma_wait3A_569 = arith.constant 0 : i32
      %dma_wait3A_570 = tpu.memref_slice %arg7[%dma_wait3A_564, %dma_wait3A_569] : memref<6x80xi32, #tpu.memory_space<vmem>> -> memref<1x80xi32, #tpu.memory_space<vmem>>
      %dma_wait3A_571 = tpu.memref_squeeze %dma_wait3A_570 : memref<1x80xi32, #tpu.memory_space<vmem>> -> memref<80xi32, #tpu.memory_space<vmem>>
      %dma_wait3A_572 = tpu.memref_slice %arg3[%add3A_563] : memref<320000xi32, #tpu.memory_space<hbm>> -> memref<80xi32, #tpu.memory_space<hbm>>
      tpu.wait_dma2 semaphore(%arg16 : memref<!tpu.dma_semaphore, #tpu.memory_space<semaphore_mem>>) src(%dma_wait3A_572 : memref<80xi32, #tpu.memory_space<hbm>>) dst(%dma_wait3A_571 : memref<80xi32, #tpu.memory_space<vmem>>)
      %dma_start3A_573 = arith.constant 2 : i32
      %dma_start3A_574 = arith.constant 2 : i32
      %dma_start3A_575 = arith.constant 0 : i32
      %dma_start3A_576 = arith.constant 0 : i32
      %dma_start3A_577 = tpu.memref_slice %arg9[%dma_start3A_574, %dma_start3A_575, %dma_start3A_576] : memref<3x80x128xf32, #tpu.memory_space<vmem>> -> memref<1x80x128xf32, #tpu.memory_space<vmem>>
      %dma_start3A_578 = tpu.memref_squeeze %dma_start3A_577 : memref<1x80x128xf32, #tpu.memory_space<vmem>> -> memref<80x128xf32, #tpu.memory_space<vmem>>
      %dma_start3A_579 = arith.constant 0 : i32
      %dma_start3A_580 = tpu.memref_slice %arg7[%dma_start3A_573, %dma_start3A_579] : memref<6x80xi32, #tpu.memory_space<vmem>> -> memref<1x80xi32, #tpu.memory_space<vmem>>
      %dma_start3A_581 = tpu.memref_squeeze %dma_start3A_580 : memref<1x80xi32, #tpu.memory_space<vmem>> -> memref<80xi32, #tpu.memory_space<vmem>>
      %dma_start3A_582 = arith.constant 0 : i32
      %dma_start3A_583 = arith.constant 0 : i32
      %dma_start3A_584 = tpu.memref_slice %arg2[%dma_start3A_582, %dma_start3A_583] : memref<10000x128xf32, #tpu.memory_space<hbm>> -> memref<10000x128xf32, #tpu.memory_space<hbm>>
      tpu.enqueue_indirect_dma source(%dma_start3A_584 : memref<10000x128xf32, #tpu.memory_space<hbm>>) target(%dma_start3A_578 : memref<80x128xf32, #tpu.memory_space<vmem>>) offsets(%dma_start3A_581 : memref<80xi32, #tpu.memory_space<vmem>>) semaphore(%arg13 : memref<!tpu.dma_semaphore, #tpu.memory_space<semaphore_mem>>)
      %add3A_585 = arith.constant 6 : i32
      %add3A_586 = arith.addi %add3A_543, %add3A_585 : i32
      %mul3A_587 = arith.constant 10000 : i32
      %mul3A_588 = arith.muli %add3A, %mul3A_587 : i32
      %mul3A_589 = arith.constant 80 : i32
      %mul3A_590 = arith.muli %add3A_586, %mul3A_589 : i32
      %add3A_591 = arith.addi %mul3A_588, %mul3A_590 : i32
      %dma_start3A_592 = arith.constant 0 : i32
      %dma_start3A_593 = arith.constant 0 : i32
      %dma_start3A_594 = tpu.memref_slice %arg7[%dma_start3A_592, %dma_start3A_593] : memref<6x80xi32, #tpu.memory_space<vmem>> -> memref<1x80xi32, #tpu.memory_space<vmem>>
      %dma_start3A_595 = tpu.memref_squeeze %dma_start3A_594 : memref<1x80xi32, #tpu.memory_space<vmem>> -> memref<80xi32, #tpu.memory_space<vmem>>
      %dma_start3A_596 = tpu.memref_slice %arg3[%add3A_591] : memref<320000xi32, #tpu.memory_space<hbm>> -> memref<80xi32, #tpu.memory_space<hbm>>
      %dma_start3A_597 = arith.constant 0 : i32
      %dma_start3A_598 = tpu.memref_slice %arg7[%dma_start3A_592, %dma_start3A_597] : memref<6x80xi32, #tpu.memory_space<vmem>> -> memref<1x80xi32, #tpu.memory_space<vmem>>
      %dma_start3A_599 = tpu.memref_squeeze %dma_start3A_598 : memref<1x80xi32, #tpu.memory_space<vmem>> -> memref<80xi32, #tpu.memory_space<vmem>>
      %dma_start3A_600 = tpu.memref_slice %arg3[%add3A_591] : memref<320000xi32, #tpu.memory_space<hbm>> -> memref<80xi32, #tpu.memory_space<hbm>>
      tpu.enqueue_dma source(%dma_start3A_600 : memref<80xi32, #tpu.memory_space<hbm>>) target(%dma_start3A_599 : memref<80xi32, #tpu.memory_space<vmem>>) target_semaphore(%arg14 : memref<!tpu.dma_semaphore, #tpu.memory_space<semaphore_mem>>)
      %add3A_601 = arith.constant 1 : i32
      %add3A_602 = arith.addi %add3A_541, %add3A_601 : i32
      %dma_wait3A_603 = arith.constant 1 : i32
      %dma_wait3A_604 = arith.constant 1 : i32
      %dma_wait3A_605 = arith.constant 0 : i32
      %dma_wait3A_606 = arith.constant 0 : i32
      %dma_wait3A_607 = tpu.memref_slice %arg9[%dma_wait3A_604, %dma_wait3A_605, %dma_wait3A_606] : memref<3x80x128xf32, #tpu.memory_space<vmem>> -> memref<1x80x128xf32, #tpu.memory_space<vmem>>
      %dma_wait3A_608 = tpu.memref_squeeze %dma_wait3A_607 : memref<1x80x128xf32, #tpu.memory_space<vmem>> -> memref<80x128xf32, #tpu.memory_space<vmem>>
      %dma_wait3A_609 = arith.constant 0 : i32
      %dma_wait3A_610 = tpu.memref_slice %arg7[%dma_wait3A_603, %dma_wait3A_609] : memref<6x80xi32, #tpu.memory_space<vmem>> -> memref<1x80xi32, #tpu.memory_space<vmem>>
      %dma_wait3A_611 = tpu.memref_squeeze %dma_wait3A_610 : memref<1x80xi32, #tpu.memory_space<vmem>> -> memref<80xi32, #tpu.memory_space<vmem>>
      %dma_wait3A_612 = arith.constant 0 : i32
      %dma_wait3A_613 = arith.constant 0 : i32
      %dma_wait3A_614 = tpu.memref_slice %arg2[%dma_wait3A_612, %dma_wait3A_613] : memref<10000x128xf32, #tpu.memory_space<hbm>> -> memref<10000x128xf32, #tpu.memory_space<hbm>>
      tpu.wait_indirect_dma semaphore(%arg12 : memref<!tpu.dma_semaphore, #tpu.memory_space<semaphore_mem>>) src(%dma_wait3A_614 : memref<10000x128xf32, #tpu.memory_space<hbm>>) dst(%dma_wait3A_608 : memref<80x128xf32, #tpu.memory_space<vmem>>)
      %run_scoped3A_615 = arith.constant 1 : i32
      "tpu.region"() ({
        %run_scoped3A_896 = tpu.sem_alloc : memref<!tpu.dma_semaphore, #tpu.memory_space<semaphore_mem>>
        %dma_start3A_897 = arith.constant 0 : i32
        %dma_start3A_898 = arith.constant 0 : i32
        %dma_start3A_899 = tpu.memref_slice %arg9[%run_scoped3A_615, %dma_start3A_897, %dma_start3A_898] : memref<3x80x128xf32, #tpu.memory_space<vmem>> -> memref<1x80x128xf32, #tpu.memory_space<vmem>>
        %dma_start3A_900 = tpu.memref_squeeze %dma_start3A_899 : memref<1x80x128xf32, #tpu.memory_space<vmem>> -> memref<80x128xf32, #tpu.memory_space<vmem>>
        %dma_start3A_901 = arith.constant 0 : i32
        %dma_start3A_902 = tpu.memref_slice %arg8[%add3A_602, %dma_start3A_901] : memref<125x80xi32, #tpu.memory_space<vmem>> -> memref<1x80xi32, #tpu.memory_space<vmem>>
        %dma_start3A_903 = tpu.memref_squeeze %dma_start3A_902 : memref<1x80xi32, #tpu.memory_space<vmem>> -> memref<80xi32, #tpu.memory_space<vmem>>
        %dma_start3A_904 = arith.constant 0 : i32
        %dma_start3A_905 = arith.constant 0 : i32
        %dma_start3A_906 = tpu.memref_slice %arg10[%dma_start3A_904, %dma_start3A_905] : memref<10240x128xf32, #tpu.memory_space<vmem_shared>> -> memref<10240x128xf32, #tpu.memory_space<vmem_shared>>
        tpu.enqueue_indirect_dma source(%dma_start3A_900 : memref<80x128xf32, #tpu.memory_space<vmem>>) target(%dma_start3A_906 : memref<10240x128xf32, #tpu.memory_space<vmem_shared>>) offsets(%dma_start3A_903 : memref<80xi32, #tpu.memory_space<vmem>>) semaphore(%run_scoped3A_896 : memref<!tpu.dma_semaphore, #tpu.memory_space<semaphore_mem>>) {add = true}
        %dma_wait3A_907 = arith.constant 0 : i32
        %dma_wait3A_908 = arith.constant 0 : i32
        %dma_wait3A_909 = tpu.memref_slice %arg9[%run_scoped3A_615, %dma_wait3A_907, %dma_wait3A_908] : memref<3x80x128xf32, #tpu.memory_space<vmem>> -> memref<1x80x128xf32, #tpu.memory_space<vmem>>
        %dma_wait3A_910 = tpu.memref_squeeze %dma_wait3A_909 : memref<1x80x128xf32, #tpu.memory_space<vmem>> -> memref<80x128xf32, #tpu.memory_space<vmem>>
        %dma_wait3A_911 = arith.constant 0 : i32
        %dma_wait3A_912 = tpu.memref_slice %arg8[%add3A_602, %dma_wait3A_911] : memref<125x80xi32, #tpu.memory_space<vmem>> -> memref<1x80xi32, #tpu.memory_space<vmem>>
        %dma_wait3A_913 = tpu.memref_squeeze %dma_wait3A_912 : memref<1x80xi32, #tpu.memory_space<vmem>> -> memref<80xi32, #tpu.memory_space<vmem>>
        %dma_wait3A_914 = arith.constant 0 : i32
        %dma_wait3A_915 = arith.constant 0 : i32
        %dma_wait3A_916 = tpu.memref_slice %arg10[%dma_wait3A_914, %dma_wait3A_915] : memref<10240x128xf32, #tpu.memory_space<vmem_shared>> -> memref<10240x128xf32, #tpu.memory_space<vmem_shared>>
        tpu.wait_indirect_dma semaphore(%run_scoped3A_896 : memref<!tpu.dma_semaphore, #tpu.memory_space<semaphore_mem>>) src(%dma_wait3A_910 : memref<80x128xf32, #tpu.memory_space<vmem>>) dst(%dma_wait3A_916 : memref<10240x128xf32, #tpu.memory_space<vmem_shared>>)
        tpu.yield
      }) : () -> ()
      %add3A_616 = arith.constant 2 : i32
      %add3A_617 = arith.addi %add3A_602, %add3A_616 : i32
      %mul3A_618 = arith.constant 10000 : i32
      %mul3A_619 = arith.muli %add3A, %mul3A_618 : i32
      %mul3A_620 = arith.constant 80 : i32
      %mul3A_621 = arith.muli %add3A_617, %mul3A_620 : i32
      %add3A_622 = arith.addi %mul3A_619, %mul3A_621 : i32
      %dma_wait3A_623 = arith.constant 3 : i32
      %dma_wait3A_624 = arith.constant 0 : i32
      %dma_wait3A_625 = tpu.memref_slice %arg7[%dma_wait3A_623, %dma_wait3A_624] : memref<6x80xi32, #tpu.memory_space<vmem>> -> memref<1x80xi32, #tpu.memory_space<vmem>>
      %dma_wait3A_626 = tpu.memref_squeeze %dma_wait3A_625 : memref<1x80xi32, #tpu.memory_space<vmem>> -> memref<80xi32, #tpu.memory_space<vmem>>
      %dma_wait3A_627 = tpu.memref_slice %arg3[%add3A_622] : memref<320000xi32, #tpu.memory_space<hbm>> -> memref<80xi32, #tpu.memory_space<hbm>>
      %dma_wait3A_628 = arith.constant 0 : i32
      %dma_wait3A_629 = tpu.memref_slice %arg7[%dma_wait3A_623, %dma_wait3A_628] : memref<6x80xi32, #tpu.memory_space<vmem>> -> memref<1x80xi32, #tpu.memory_space<vmem>>
      %dma_wait3A_630 = tpu.memref_squeeze %dma_wait3A_629 : memref<1x80xi32, #tpu.memory_space<vmem>> -> memref<80xi32, #tpu.memory_space<vmem>>
      %dma_wait3A_631 = tpu.memref_slice %arg3[%add3A_622] : memref<320000xi32, #tpu.memory_space<hbm>> -> memref<80xi32, #tpu.memory_space<hbm>>
      tpu.wait_dma2 semaphore(%arg17 : memref<!tpu.dma_semaphore, #tpu.memory_space<semaphore_mem>>) src(%dma_wait3A_631 : memref<80xi32, #tpu.memory_space<hbm>>) dst(%dma_wait3A_630 : memref<80xi32, #tpu.memory_space<vmem>>)
      %dma_start3A_632 = arith.constant 3 : i32
      %dma_start3A_633 = arith.constant 0 : i32
      %dma_start3A_634 = arith.constant 0 : i32
      %dma_start3A_635 = arith.constant 0 : i32
      %dma_start3A_636 = tpu.memref_slice %arg9[%dma_start3A_633, %dma_start3A_634, %dma_start3A_635] : memref<3x80x128xf32, #tpu.memory_space<vmem>> -> memref<1x80x128xf32, #tpu.memory_space<vmem>>
      %dma_start3A_637 = tpu.memref_squeeze %dma_start3A_636 : memref<1x80x128xf32, #tpu.memory_space<vmem>> -> memref<80x128xf32, #tpu.memory_space<vmem>>
      %dma_start3A_638 = arith.constant 0 : i32
      %dma_start3A_639 = tpu.memref_slice %arg7[%dma_start3A_632, %dma_start3A_638] : memref<6x80xi32, #tpu.memory_space<vmem>> -> memref<1x80xi32, #tpu.memory_space<vmem>>
      %dma_start3A_640 = tpu.memref_squeeze %dma_start3A_639 : memref<1x80xi32, #tpu.memory_space<vmem>> -> memref<80xi32, #tpu.memory_space<vmem>>
      %dma_start3A_641 = arith.constant 0 : i32
      %dma_start3A_642 = arith.constant 0 : i32
      %dma_start3A_643 = tpu.memref_slice %arg2[%dma_start3A_641, %dma_start3A_642] : memref<10000x128xf32, #tpu.memory_space<hbm>> -> memref<10000x128xf32, #tpu.memory_space<hbm>>
      tpu.enqueue_indirect_dma source(%dma_start3A_643 : memref<10000x128xf32, #tpu.memory_space<hbm>>) target(%dma_start3A_637 : memref<80x128xf32, #tpu.memory_space<vmem>>) offsets(%dma_start3A_640 : memref<80xi32, #tpu.memory_space<vmem>>) semaphore(%arg11 : memref<!tpu.dma_semaphore, #tpu.memory_space<semaphore_mem>>)
      %add3A_644 = arith.constant 6 : i32
      %add3A_645 = arith.addi %add3A_602, %add3A_644 : i32
      %mul3A_646 = arith.constant 10000 : i32
      %mul3A_647 = arith.muli %add3A, %mul3A_646 : i32
      %mul3A_648 = arith.constant 80 : i32
      %mul3A_649 = arith.muli %add3A_645, %mul3A_648 : i32
      %add3A_650 = arith.addi %mul3A_647, %mul3A_649 : i32
      %dma_start3A_651 = arith.constant 1 : i32
      %dma_start3A_652 = arith.constant 0 : i32
      %dma_start3A_653 = tpu.memref_slice %arg7[%dma_start3A_651, %dma_start3A_652] : memref<6x80xi32, #tpu.memory_space<vmem>> -> memref<1x80xi32, #tpu.memory_space<vmem>>
      %dma_start3A_654 = tpu.memref_squeeze %dma_start3A_653 : memref<1x80xi32, #tpu.memory_space<vmem>> -> memref<80xi32, #tpu.memory_space<vmem>>
      %dma_start3A_655 = tpu.memref_slice %arg3[%add3A_650] : memref<320000xi32, #tpu.memory_space<hbm>> -> memref<80xi32, #tpu.memory_space<hbm>>
      %dma_start3A_656 = arith.constant 0 : i32
      %dma_start3A_657 = tpu.memref_slice %arg7[%dma_start3A_651, %dma_start3A_656] : memref<6x80xi32, #tpu.memory_space<vmem>> -> memref<1x80xi32, #tpu.memory_space<vmem>>
      %dma_start3A_658 = tpu.memref_squeeze %dma_start3A_657 : memref<1x80xi32, #tpu.memory_space<vmem>> -> memref<80xi32, #tpu.memory_space<vmem>>
      %dma_start3A_659 = tpu.memref_slice %arg3[%add3A_650] : memref<320000xi32, #tpu.memory_space<hbm>> -> memref<80xi32, #tpu.memory_space<hbm>>
      tpu.enqueue_dma source(%dma_start3A_659 : memref<80xi32, #tpu.memory_space<hbm>>) target(%dma_start3A_658 : memref<80xi32, #tpu.memory_space<vmem>>) target_semaphore(%arg15 : memref<!tpu.dma_semaphore, #tpu.memory_space<semaphore_mem>>)
      %add3A_660 = arith.constant 2 : i32
      %add3A_661 = arith.addi %add3A_541, %add3A_660 : i32
      %dma_wait3A_662 = arith.constant 2 : i32
      %dma_wait3A_663 = arith.constant 2 : i32
      %dma_wait3A_664 = arith.constant 0 : i32
      %dma_wait3A_665 = arith.constant 0 : i32
      %dma_wait3A_666 = tpu.memref_slice %arg9[%dma_wait3A_663, %dma_wait3A_664, %dma_wait3A_665] : memref<3x80x128xf32, #tpu.memory_space<vmem>> -> memref<1x80x128xf32, #tpu.memory_space<vmem>>
      %dma_wait3A_667 = tpu.memref_squeeze %dma_wait3A_666 : memref<1x80x128xf32, #tpu.memory_space<vmem>> -> memref<80x128xf32, #tpu.memory_space<vmem>>
      %dma_wait3A_668 = arith.constant 0 : i32
      %dma_wait3A_669 = tpu.memref_slice %arg7[%dma_wait3A_662, %dma_wait3A_668] : memref<6x80xi32, #tpu.memory_space<vmem>> -> memref<1x80xi32, #tpu.memory_space<vmem>>
      %dma_wait3A_670 = tpu.memref_squeeze %dma_wait3A_669 : memref<1x80xi32, #tpu.memory_space<vmem>> -> memref<80xi32, #tpu.memory_space<vmem>>
      %dma_wait3A_671 = arith.constant 0 : i32
      %dma_wait3A_672 = arith.constant 0 : i32
      %dma_wait3A_673 = tpu.memref_slice %arg2[%dma_wait3A_671, %dma_wait3A_672] : memref<10000x128xf32, #tpu.memory_space<hbm>> -> memref<10000x128xf32, #tpu.memory_space<hbm>>
      tpu.wait_indirect_dma semaphore(%arg13 : memref<!tpu.dma_semaphore, #tpu.memory_space<semaphore_mem>>) src(%dma_wait3A_673 : memref<10000x128xf32, #tpu.memory_space<hbm>>) dst(%dma_wait3A_667 : memref<80x128xf32, #tpu.memory_space<vmem>>)
      %run_scoped3A_674 = arith.constant 2 : i32
      "tpu.region"() ({
        %run_scoped3A_896 = tpu.sem_alloc : memref<!tpu.dma_semaphore, #tpu.memory_space<semaphore_mem>>
        %dma_start3A_897 = arith.constant 0 : i32
        %dma_start3A_898 = arith.constant 0 : i32
        %dma_start3A_899 = tpu.memref_slice %arg9[%run_scoped3A_674, %dma_start3A_897, %dma_start3A_898] : memref<3x80x128xf32, #tpu.memory_space<vmem>> -> memref<1x80x128xf32, #tpu.memory_space<vmem>>
        %dma_start3A_900 = tpu.memref_squeeze %dma_start3A_899 : memref<1x80x128xf32, #tpu.memory_space<vmem>> -> memref<80x128xf32, #tpu.memory_space<vmem>>
        %dma_start3A_901 = arith.constant 0 : i32
        %dma_start3A_902 = tpu.memref_slice %arg8[%add3A_661, %dma_start3A_901] : memref<125x80xi32, #tpu.memory_space<vmem>> -> memref<1x80xi32, #tpu.memory_space<vmem>>
        %dma_start3A_903 = tpu.memref_squeeze %dma_start3A_902 : memref<1x80xi32, #tpu.memory_space<vmem>> -> memref<80xi32, #tpu.memory_space<vmem>>
        %dma_start3A_904 = arith.constant 0 : i32
        %dma_start3A_905 = arith.constant 0 : i32
        %dma_start3A_906 = tpu.memref_slice %arg10[%dma_start3A_904, %dma_start3A_905] : memref<10240x128xf32, #tpu.memory_space<vmem_shared>> -> memref<10240x128xf32, #tpu.memory_space<vmem_shared>>
        tpu.enqueue_indirect_dma source(%dma_start3A_900 : memref<80x128xf32, #tpu.memory_space<vmem>>) target(%dma_start3A_906 : memref<10240x128xf32, #tpu.memory_space<vmem_shared>>) offsets(%dma_start3A_903 : memref<80xi32, #tpu.memory_space<vmem>>) semaphore(%run_scoped3A_896 : memref<!tpu.dma_semaphore, #tpu.memory_space<semaphore_mem>>) {add = true}
        %dma_wait3A_907 = arith.constant 0 : i32
        %dma_wait3A_908 = arith.constant 0 : i32
        %dma_wait3A_909 = tpu.memref_slice %arg9[%run_scoped3A_674, %dma_wait3A_907, %dma_wait3A_908] : memref<3x80x128xf32, #tpu.memory_space<vmem>> -> memref<1x80x128xf32, #tpu.memory_space<vmem>>
        %dma_wait3A_910 = tpu.memref_squeeze %dma_wait3A_909 : memref<1x80x128xf32, #tpu.memory_space<vmem>> -> memref<80x128xf32, #tpu.memory_space<vmem>>
        %dma_wait3A_911 = arith.constant 0 : i32
        %dma_wait3A_912 = tpu.memref_slice %arg8[%add3A_661, %dma_wait3A_911] : memref<125x80xi32, #tpu.memory_space<vmem>> -> memref<1x80xi32, #tpu.memory_space<vmem>>
        %dma_wait3A_913 = tpu.memref_squeeze %dma_wait3A_912 : memref<1x80xi32, #tpu.memory_space<vmem>> -> memref<80xi32, #tpu.memory_space<vmem>>
        %dma_wait3A_914 = arith.constant 0 : i32
        %dma_wait3A_915 = arith.constant 0 : i32
        %dma_wait3A_916 = tpu.memref_slice %arg10[%dma_wait3A_914, %dma_wait3A_915] : memref<10240x128xf32, #tpu.memory_space<vmem_shared>> -> memref<10240x128xf32, #tpu.memory_space<vmem_shared>>
        tpu.wait_indirect_dma semaphore(%run_scoped3A_896 : memref<!tpu.dma_semaphore, #tpu.memory_space<semaphore_mem>>) src(%dma_wait3A_910 : memref<80x128xf32, #tpu.memory_space<vmem>>) dst(%dma_wait3A_916 : memref<10240x128xf32, #tpu.memory_space<vmem_shared>>)
        tpu.yield
      }) : () -> ()
      %add3A_675 = arith.constant 2 : i32
      %add3A_676 = arith.addi %add3A_661, %add3A_675 : i32
      %mul3A_677 = arith.constant 10000 : i32
      %mul3A_678 = arith.muli %add3A, %mul3A_677 : i32
      %mul3A_679 = arith.constant 80 : i32
      %mul3A_680 = arith.muli %add3A_676, %mul3A_679 : i32
      %add3A_681 = arith.addi %mul3A_678, %mul3A_680 : i32
      %dma_wait3A_682 = arith.constant 4 : i32
      %dma_wait3A_683 = arith.constant 0 : i32
      %dma_wait3A_684 = tpu.memref_slice %arg7[%dma_wait3A_682, %dma_wait3A_683] : memref<6x80xi32, #tpu.memory_space<vmem>> -> memref<1x80xi32, #tpu.memory_space<vmem>>
      %dma_wait3A_685 = tpu.memref_squeeze %dma_wait3A_684 : memref<1x80xi32, #tpu.memory_space<vmem>> -> memref<80xi32, #tpu.memory_space<vmem>>
      %dma_wait3A_686 = tpu.memref_slice %arg3[%add3A_681] : memref<320000xi32, #tpu.memory_space<hbm>> -> memref<80xi32, #tpu.memory_space<hbm>>
      %dma_wait3A_687 = arith.constant 0 : i32
      %dma_wait3A_688 = tpu.memref_slice %arg7[%dma_wait3A_682, %dma_wait3A_687] : memref<6x80xi32, #tpu.memory_space<vmem>> -> memref<1x80xi32, #tpu.memory_space<vmem>>
      %dma_wait3A_689 = tpu.memref_squeeze %dma_wait3A_688 : memref<1x80xi32, #tpu.memory_space<vmem>> -> memref<80xi32, #tpu.memory_space<vmem>>
      %dma_wait3A_690 = tpu.memref_slice %arg3[%add3A_681] : memref<320000xi32, #tpu.memory_space<hbm>> -> memref<80xi32, #tpu.memory_space<hbm>>
      tpu.wait_dma2 semaphore(%arg18 : memref<!tpu.dma_semaphore, #tpu.memory_space<semaphore_mem>>) src(%dma_wait3A_690 : memref<80xi32, #tpu.memory_space<hbm>>) dst(%dma_wait3A_689 : memref<80xi32, #tpu.memory_space<vmem>>)
      %dma_start3A_691 = arith.constant 4 : i32
      %dma_start3A_692 = arith.constant 1 : i32
      %dma_start3A_693 = arith.constant 0 : i32
      %dma_start3A_694 = arith.constant 0 : i32
      %dma_start3A_695 = tpu.memref_slice %arg9[%dma_start3A_692, %dma_start3A_693, %dma_start3A_694] : memref<3x80x128xf32, #tpu.memory_space<vmem>> -> memref<1x80x128xf32, #tpu.memory_space<vmem>>
      %dma_start3A_696 = tpu.memref_squeeze %dma_start3A_695 : memref<1x80x128xf32, #tpu.memory_space<vmem>> -> memref<80x128xf32, #tpu.memory_space<vmem>>
      %dma_start3A_697 = arith.constant 0 : i32
      %dma_start3A_698 = tpu.memref_slice %arg7[%dma_start3A_691, %dma_start3A_697] : memref<6x80xi32, #tpu.memory_space<vmem>> -> memref<1x80xi32, #tpu.memory_space<vmem>>
      %dma_start3A_699 = tpu.memref_squeeze %dma_start3A_698 : memref<1x80xi32, #tpu.memory_space<vmem>> -> memref<80xi32, #tpu.memory_space<vmem>>
      %dma_start3A_700 = arith.constant 0 : i32
      %dma_start3A_701 = arith.constant 0 : i32
      %dma_start3A_702 = tpu.memref_slice %arg2[%dma_start3A_700, %dma_start3A_701] : memref<10000x128xf32, #tpu.memory_space<hbm>> -> memref<10000x128xf32, #tpu.memory_space<hbm>>
      tpu.enqueue_indirect_dma source(%dma_start3A_702 : memref<10000x128xf32, #tpu.memory_space<hbm>>) target(%dma_start3A_696 : memref<80x128xf32, #tpu.memory_space<vmem>>) offsets(%dma_start3A_699 : memref<80xi32, #tpu.memory_space<vmem>>) semaphore(%arg12 : memref<!tpu.dma_semaphore, #tpu.memory_space<semaphore_mem>>)
      %add3A_703 = arith.constant 6 : i32
      %add3A_704 = arith.addi %add3A_661, %add3A_703 : i32
      %mul3A_705 = arith.constant 10000 : i32
      %mul3A_706 = arith.muli %add3A, %mul3A_705 : i32
      %mul3A_707 = arith.constant 80 : i32
      %mul3A_708 = arith.muli %add3A_704, %mul3A_707 : i32
      %add3A_709 = arith.addi %mul3A_706, %mul3A_708 : i32
      %dma_start3A_710 = arith.constant 2 : i32
      %dma_start3A_711 = arith.constant 0 : i32
      %dma_start3A_712 = tpu.memref_slice %arg7[%dma_start3A_710, %dma_start3A_711] : memref<6x80xi32, #tpu.memory_space<vmem>> -> memref<1x80xi32, #tpu.memory_space<vmem>>
      %dma_start3A_713 = tpu.memref_squeeze %dma_start3A_712 : memref<1x80xi32, #tpu.memory_space<vmem>> -> memref<80xi32, #tpu.memory_space<vmem>>
      %dma_start3A_714 = tpu.memref_slice %arg3[%add3A_709] : memref<320000xi32, #tpu.memory_space<hbm>> -> memref<80xi32, #tpu.memory_space<hbm>>
      %dma_start3A_715 = arith.constant 0 : i32
      %dma_start3A_716 = tpu.memref_slice %arg7[%dma_start3A_710, %dma_start3A_715] : memref<6x80xi32, #tpu.memory_space<vmem>> -> memref<1x80xi32, #tpu.memory_space<vmem>>
      %dma_start3A_717 = tpu.memref_squeeze %dma_start3A_716 : memref<1x80xi32, #tpu.memory_space<vmem>> -> memref<80xi32, #tpu.memory_space<vmem>>
      %dma_start3A_718 = tpu.memref_slice %arg3[%add3A_709] : memref<320000xi32, #tpu.memory_space<hbm>> -> memref<80xi32, #tpu.memory_space<hbm>>
      tpu.enqueue_dma source(%dma_start3A_718 : memref<80xi32, #tpu.memory_space<hbm>>) target(%dma_start3A_717 : memref<80xi32, #tpu.memory_space<vmem>>) target_semaphore(%arg16 : memref<!tpu.dma_semaphore, #tpu.memory_space<semaphore_mem>>)
      %add3A_719 = arith.constant 3 : i32
      %add3A_720 = arith.addi %add3A_541, %add3A_719 : i32
      %dma_wait3A_721 = arith.constant 3 : i32
      %dma_wait3A_722 = arith.constant 0 : i32
      %dma_wait3A_723 = arith.constant 0 : i32
      %dma_wait3A_724 = arith.constant 0 : i32
      %dma_wait3A_725 = tpu.memref_slice %arg9[%dma_wait3A_722, %dma_wait3A_723, %dma_wait3A_724] : memref<3x80x128xf32, #tpu.memory_space<vmem>> -> memref<1x80x128xf32, #tpu.memory_space<vmem>>
      %dma_wait3A_726 = tpu.memref_squeeze %dma_wait3A_725 : memref<1x80x128xf32, #tpu.memory_space<vmem>> -> memref<80x128xf32, #tpu.memory_space<vmem>>
      %dma_wait3A_727 = arith.constant 0 : i32
      %dma_wait3A_728 = tpu.memref_slice %arg7[%dma_wait3A_721, %dma_wait3A_727] : memref<6x80xi32, #tpu.memory_space<vmem>> -> memref<1x80xi32, #tpu.memory_space<vmem>>
      %dma_wait3A_729 = tpu.memref_squeeze %dma_wait3A_728 : memref<1x80xi32, #tpu.memory_space<vmem>> -> memref<80xi32, #tpu.memory_space<vmem>>
      %dma_wait3A_730 = arith.constant 0 : i32
      %dma_wait3A_731 = arith.constant 0 : i32
      %dma_wait3A_732 = tpu.memref_slice %arg2[%dma_wait3A_730, %dma_wait3A_731] : memref<10000x128xf32, #tpu.memory_space<hbm>> -> memref<10000x128xf32, #tpu.memory_space<hbm>>
      tpu.wait_indirect_dma semaphore(%arg11 : memref<!tpu.dma_semaphore, #tpu.memory_space<semaphore_mem>>) src(%dma_wait3A_732 : memref<10000x128xf32, #tpu.memory_space<hbm>>) dst(%dma_wait3A_726 : memref<80x128xf32, #tpu.memory_space<vmem>>)
      %run_scoped3A_733 = arith.constant 0 : i32
      "tpu.region"() ({
        %run_scoped3A_896 = tpu.sem_alloc : memref<!tpu.dma_semaphore, #tpu.memory_space<semaphore_mem>>
        %dma_start3A_897 = arith.constant 0 : i32
        %dma_start3A_898 = arith.constant 0 : i32
        %dma_start3A_899 = tpu.memref_slice %arg9[%run_scoped3A_733, %dma_start3A_897, %dma_start3A_898] : memref<3x80x128xf32, #tpu.memory_space<vmem>> -> memref<1x80x128xf32, #tpu.memory_space<vmem>>
        %dma_start3A_900 = tpu.memref_squeeze %dma_start3A_899 : memref<1x80x128xf32, #tpu.memory_space<vmem>> -> memref<80x128xf32, #tpu.memory_space<vmem>>
        %dma_start3A_901 = arith.constant 0 : i32
        %dma_start3A_902 = tpu.memref_slice %arg8[%add3A_720, %dma_start3A_901] : memref<125x80xi32, #tpu.memory_space<vmem>> -> memref<1x80xi32, #tpu.memory_space<vmem>>
        %dma_start3A_903 = tpu.memref_squeeze %dma_start3A_902 : memref<1x80xi32, #tpu.memory_space<vmem>> -> memref<80xi32, #tpu.memory_space<vmem>>
        %dma_start3A_904 = arith.constant 0 : i32
        %dma_start3A_905 = arith.constant 0 : i32
        %dma_start3A_906 = tpu.memref_slice %arg10[%dma_start3A_904, %dma_start3A_905] : memref<10240x128xf32, #tpu.memory_space<vmem_shared>> -> memref<10240x128xf32, #tpu.memory_space<vmem_shared>>
        tpu.enqueue_indirect_dma source(%dma_start3A_900 : memref<80x128xf32, #tpu.memory_space<vmem>>) target(%dma_start3A_906 : memref<10240x128xf32, #tpu.memory_space<vmem_shared>>) offsets(%dma_start3A_903 : memref<80xi32, #tpu.memory_space<vmem>>) semaphore(%run_scoped3A_896 : memref<!tpu.dma_semaphore, #tpu.memory_space<semaphore_mem>>) {add = true}
        %dma_wait3A_907 = arith.constant 0 : i32
        %dma_wait3A_908 = arith.constant 0 : i32
        %dma_wait3A_909 = tpu.memref_slice %arg9[%run_scoped3A_733, %dma_wait3A_907, %dma_wait3A_908] : memref<3x80x128xf32, #tpu.memory_space<vmem>> -> memref<1x80x128xf32, #tpu.memory_space<vmem>>
        %dma_wait3A_910 = tpu.memref_squeeze %dma_wait3A_909 : memref<1x80x128xf32, #tpu.memory_space<vmem>> -> memref<80x128xf32, #tpu.memory_space<vmem>>
        %dma_wait3A_911 = arith.constant 0 : i32
        %dma_wait3A_912 = tpu.memref_slice %arg8[%add3A_720, %dma_wait3A_911] : memref<125x80xi32, #tpu.memory_space<vmem>> -> memref<1x80xi32, #tpu.memory_space<vmem>>
        %dma_wait3A_913 = tpu.memref_squeeze %dma_wait3A_912 : memref<1x80xi32, #tpu.memory_space<vmem>> -> memref<80xi32, #tpu.memory_space<vmem>>
        %dma_wait3A_914 = arith.constant 0 : i32
        %dma_wait3A_915 = arith.constant 0 : i32
        %dma_wait3A_916 = tpu.memref_slice %arg10[%dma_wait3A_914, %dma_wait3A_915] : memref<10240x128xf32, #tpu.memory_space<vmem_shared>> -> memref<10240x128xf32, #tpu.memory_space<vmem_shared>>
        tpu.wait_indirect_dma semaphore(%run_scoped3A_896 : memref<!tpu.dma_semaphore, #tpu.memory_space<semaphore_mem>>) src(%dma_wait3A_910 : memref<80x128xf32, #tpu.memory_space<vmem>>) dst(%dma_wait3A_916 : memref<10240x128xf32, #tpu.memory_space<vmem_shared>>)
        tpu.yield
      }) : () -> ()
      %add3A_734 = arith.constant 2 : i32
      %add3A_735 = arith.addi %add3A_720, %add3A_734 : i32
      %mul3A_736 = arith.constant 10000 : i32
      %mul3A_737 = arith.muli %add3A, %mul3A_736 : i32
      %mul3A_738 = arith.constant 80 : i32
      %mul3A_739 = arith.muli %add3A_735, %mul3A_738 : i32
      %add3A_740 = arith.addi %mul3A_737, %mul3A_739 : i32
      %dma_wait3A_741 = arith.constant 5 : i32
      %dma_wait3A_742 = arith.constant 0 : i32
      %dma_wait3A_743 = tpu.memref_slice %arg7[%dma_wait3A_741, %dma_wait3A_742] : memref<6x80xi32, #tpu.memory_space<vmem>> -> memref<1x80xi32, #tpu.memory_space<vmem>>
      %dma_wait3A_744 = tpu.memref_squeeze %dma_wait3A_743 : memref<1x80xi32, #tpu.memory_space<vmem>> -> memref<80xi32, #tpu.memory_space<vmem>>
      %dma_wait3A_745 = tpu.memref_slice %arg3[%add3A_740] : memref<320000xi32, #tpu.memory_space<hbm>> -> memref<80xi32, #tpu.memory_space<hbm>>
      %dma_wait3A_746 = arith.constant 0 : i32
      %dma_wait3A_747 = tpu.memref_slice %arg7[%dma_wait3A_741, %dma_wait3A_746] : memref<6x80xi32, #tpu.memory_space<vmem>> -> memref<1x80xi32, #tpu.memory_space<vmem>>
      %dma_wait3A_748 = tpu.memref_squeeze %dma_wait3A_747 : memref<1x80xi32, #tpu.memory_space<vmem>> -> memref<80xi32, #tpu.memory_space<vmem>>
      %dma_wait3A_749 = tpu.memref_slice %arg3[%add3A_740] : memref<320000xi32, #tpu.memory_space<hbm>> -> memref<80xi32, #tpu.memory_space<hbm>>
      tpu.wait_dma2 semaphore(%arg19 : memref<!tpu.dma_semaphore, #tpu.memory_space<semaphore_mem>>) src(%dma_wait3A_749 : memref<80xi32, #tpu.memory_space<hbm>>) dst(%dma_wait3A_748 : memref<80xi32, #tpu.memory_space<vmem>>)
      %dma_start3A_750 = arith.constant 5 : i32
      %dma_start3A_751 = arith.constant 2 : i32
      %dma_start3A_752 = arith.constant 0 : i32
      %dma_start3A_753 = arith.constant 0 : i32
      %dma_start3A_754 = tpu.memref_slice %arg9[%dma_start3A_751, %dma_start3A_752, %dma_start3A_753] : memref<3x80x128xf32, #tpu.memory_space<vmem>> -> memref<1x80x128xf32, #tpu.memory_space<vmem>>
      %dma_start3A_755 = tpu.memref_squeeze %dma_start3A_754 : memref<1x80x128xf32, #tpu.memory_space<vmem>> -> memref<80x128xf32, #tpu.memory_space<vmem>>
      %dma_start3A_756 = arith.constant 0 : i32
      %dma_start3A_757 = tpu.memref_slice %arg7[%dma_start3A_750, %dma_start3A_756] : memref<6x80xi32, #tpu.memory_space<vmem>> -> memref<1x80xi32, #tpu.memory_space<vmem>>
      %dma_start3A_758 = tpu.memref_squeeze %dma_start3A_757 : memref<1x80xi32, #tpu.memory_space<vmem>> -> memref<80xi32, #tpu.memory_space<vmem>>
      %dma_start3A_759 = arith.constant 0 : i32
      %dma_start3A_760 = arith.constant 0 : i32
      %dma_start3A_761 = tpu.memref_slice %arg2[%dma_start3A_759, %dma_start3A_760] : memref<10000x128xf32, #tpu.memory_space<hbm>> -> memref<10000x128xf32, #tpu.memory_space<hbm>>
      tpu.enqueue_indirect_dma source(%dma_start3A_761 : memref<10000x128xf32, #tpu.memory_space<hbm>>) target(%dma_start3A_755 : memref<80x128xf32, #tpu.memory_space<vmem>>) offsets(%dma_start3A_758 : memref<80xi32, #tpu.memory_space<vmem>>) semaphore(%arg13 : memref<!tpu.dma_semaphore, #tpu.memory_space<semaphore_mem>>)
      %add3A_762 = arith.constant 6 : i32
      %add3A_763 = arith.addi %add3A_720, %add3A_762 : i32
      %mul3A_764 = arith.constant 10000 : i32
      %mul3A_765 = arith.muli %add3A, %mul3A_764 : i32
      %mul3A_766 = arith.constant 80 : i32
      %mul3A_767 = arith.muli %add3A_763, %mul3A_766 : i32
      %add3A_768 = arith.addi %mul3A_765, %mul3A_767 : i32
      %dma_start3A_769 = arith.constant 3 : i32
      %dma_start3A_770 = arith.constant 0 : i32
      %dma_start3A_771 = tpu.memref_slice %arg7[%dma_start3A_769, %dma_start3A_770] : memref<6x80xi32, #tpu.memory_space<vmem>> -> memref<1x80xi32, #tpu.memory_space<vmem>>
      %dma_start3A_772 = tpu.memref_squeeze %dma_start3A_771 : memref<1x80xi32, #tpu.memory_space<vmem>> -> memref<80xi32, #tpu.memory_space<vmem>>
      %dma_start3A_773 = tpu.memref_slice %arg3[%add3A_768] : memref<320000xi32, #tpu.memory_space<hbm>> -> memref<80xi32, #tpu.memory_space<hbm>>
      %dma_start3A_774 = arith.constant 0 : i32
      %dma_start3A_775 = tpu.memref_slice %arg7[%dma_start3A_769, %dma_start3A_774] : memref<6x80xi32, #tpu.memory_space<vmem>> -> memref<1x80xi32, #tpu.memory_space<vmem>>
      %dma_start3A_776 = tpu.memref_squeeze %dma_start3A_775 : memref<1x80xi32, #tpu.memory_space<vmem>> -> memref<80xi32, #tpu.memory_space<vmem>>
      %dma_start3A_777 = tpu.memref_slice %arg3[%add3A_768] : memref<320000xi32, #tpu.memory_space<hbm>> -> memref<80xi32, #tpu.memory_space<hbm>>
      tpu.enqueue_dma source(%dma_start3A_777 : memref<80xi32, #tpu.memory_space<hbm>>) target(%dma_start3A_776 : memref<80xi32, #tpu.memory_space<vmem>>) target_semaphore(%arg17 : memref<!tpu.dma_semaphore, #tpu.memory_space<semaphore_mem>>)
      %add3A_778 = arith.constant 4 : i32
      %add3A_779 = arith.addi %add3A_541, %add3A_778 : i32
      %dma_wait3A_780 = arith.constant 4 : i32
      %dma_wait3A_781 = arith.constant 1 : i32
      %dma_wait3A_782 = arith.constant 0 : i32
      %dma_wait3A_783 = arith.constant 0 : i32
      %dma_wait3A_784 = tpu.memref_slice %arg9[%dma_wait3A_781, %dma_wait3A_782, %dma_wait3A_783] : memref<3x80x128xf32, #tpu.memory_space<vmem>> -> memref<1x80x128xf32, #tpu.memory_space<vmem>>
      %dma_wait3A_785 = tpu.memref_squeeze %dma_wait3A_784 : memref<1x80x128xf32, #tpu.memory_space<vmem>> -> memref<80x128xf32, #tpu.memory_space<vmem>>
      %dma_wait3A_786 = arith.constant 0 : i32
      %dma_wait3A_787 = tpu.memref_slice %arg7[%dma_wait3A_780, %dma_wait3A_786] : memref<6x80xi32, #tpu.memory_space<vmem>> -> memref<1x80xi32, #tpu.memory_space<vmem>>
      %dma_wait3A_788 = tpu.memref_squeeze %dma_wait3A_787 : memref<1x80xi32, #tpu.memory_space<vmem>> -> memref<80xi32, #tpu.memory_space<vmem>>
      %dma_wait3A_789 = arith.constant 0 : i32
      %dma_wait3A_790 = arith.constant 0 : i32
      %dma_wait3A_791 = tpu.memref_slice %arg2[%dma_wait3A_789, %dma_wait3A_790] : memref<10000x128xf32, #tpu.memory_space<hbm>> -> memref<10000x128xf32, #tpu.memory_space<hbm>>
      tpu.wait_indirect_dma semaphore(%arg12 : memref<!tpu.dma_semaphore, #tpu.memory_space<semaphore_mem>>) src(%dma_wait3A_791 : memref<10000x128xf32, #tpu.memory_space<hbm>>) dst(%dma_wait3A_785 : memref<80x128xf32, #tpu.memory_space<vmem>>)
      %run_scoped3A_792 = arith.constant 1 : i32
      "tpu.region"() ({
        %run_scoped3A_896 = tpu.sem_alloc : memref<!tpu.dma_semaphore, #tpu.memory_space<semaphore_mem>>
        %dma_start3A_897 = arith.constant 0 : i32
        %dma_start3A_898 = arith.constant 0 : i32
        %dma_start3A_899 = tpu.memref_slice %arg9[%run_scoped3A_792, %dma_start3A_897, %dma_start3A_898] : memref<3x80x128xf32, #tpu.memory_space<vmem>> -> memref<1x80x128xf32, #tpu.memory_space<vmem>>
        %dma_start3A_900 = tpu.memref_squeeze %dma_start3A_899 : memref<1x80x128xf32, #tpu.memory_space<vmem>> -> memref<80x128xf32, #tpu.memory_space<vmem>>
        %dma_start3A_901 = arith.constant 0 : i32
        %dma_start3A_902 = tpu.memref_slice %arg8[%add3A_779, %dma_start3A_901] : memref<125x80xi32, #tpu.memory_space<vmem>> -> memref<1x80xi32, #tpu.memory_space<vmem>>
        %dma_start3A_903 = tpu.memref_squeeze %dma_start3A_902 : memref<1x80xi32, #tpu.memory_space<vmem>> -> memref<80xi32, #tpu.memory_space<vmem>>
        %dma_start3A_904 = arith.constant 0 : i32
        %dma_start3A_905 = arith.constant 0 : i32
        %dma_start3A_906 = tpu.memref_slice %arg10[%dma_start3A_904, %dma_start3A_905] : memref<10240x128xf32, #tpu.memory_space<vmem_shared>> -> memref<10240x128xf32, #tpu.memory_space<vmem_shared>>
        tpu.enqueue_indirect_dma source(%dma_start3A_900 : memref<80x128xf32, #tpu.memory_space<vmem>>) target(%dma_start3A_906 : memref<10240x128xf32, #tpu.memory_space<vmem_shared>>) offsets(%dma_start3A_903 : memref<80xi32, #tpu.memory_space<vmem>>) semaphore(%run_scoped3A_896 : memref<!tpu.dma_semaphore, #tpu.memory_space<semaphore_mem>>) {add = true}
        %dma_wait3A_907 = arith.constant 0 : i32
        %dma_wait3A_908 = arith.constant 0 : i32
        %dma_wait3A_909 = tpu.memref_slice %arg9[%run_scoped3A_792, %dma_wait3A_907, %dma_wait3A_908] : memref<3x80x128xf32, #tpu.memory_space<vmem>> -> memref<1x80x128xf32, #tpu.memory_space<vmem>>
        %dma_wait3A_910 = tpu.memref_squeeze %dma_wait3A_909 : memref<1x80x128xf32, #tpu.memory_space<vmem>> -> memref<80x128xf32, #tpu.memory_space<vmem>>
        %dma_wait3A_911 = arith.constant 0 : i32
        %dma_wait3A_912 = tpu.memref_slice %arg8[%add3A_779, %dma_wait3A_911] : memref<125x80xi32, #tpu.memory_space<vmem>> -> memref<1x80xi32, #tpu.memory_space<vmem>>
        %dma_wait3A_913 = tpu.memref_squeeze %dma_wait3A_912 : memref<1x80xi32, #tpu.memory_space<vmem>> -> memref<80xi32, #tpu.memory_space<vmem>>
        %dma_wait3A_914 = arith.constant 0 : i32
        %dma_wait3A_915 = arith.constant 0 : i32
        %dma_wait3A_916 = tpu.memref_slice %arg10[%dma_wait3A_914, %dma_wait3A_915] : memref<10240x128xf32, #tpu.memory_space<vmem_shared>> -> memref<10240x128xf32, #tpu.memory_space<vmem_shared>>
        tpu.wait_indirect_dma semaphore(%run_scoped3A_896 : memref<!tpu.dma_semaphore, #tpu.memory_space<semaphore_mem>>) src(%dma_wait3A_910 : memref<80x128xf32, #tpu.memory_space<vmem>>) dst(%dma_wait3A_916 : memref<10240x128xf32, #tpu.memory_space<vmem_shared>>)
        tpu.yield
      }) : () -> ()
      %add3A_793 = arith.constant 2 : i32
      %add3A_794 = arith.addi %add3A_779, %add3A_793 : i32
      %mul3A_795 = arith.constant 10000 : i32
      %mul3A_796 = arith.muli %add3A, %mul3A_795 : i32
      %mul3A_797 = arith.constant 80 : i32
      %mul3A_798 = arith.muli %add3A_794, %mul3A_797 : i32
      %add3A_799 = arith.addi %mul3A_796, %mul3A_798 : i32
      %dma_wait3A_800 = arith.constant 0 : i32
      %dma_wait3A_801 = arith.constant 0 : i32
      %dma_wait3A_802 = tpu.memref_slice %arg7[%dma_wait3A_800, %dma_wait3A_801] : memref<6x80xi32, #tpu.memory_space<vmem>> -> memref<1x80xi32, #tpu.memory_space<vmem>>
      %dma_wait3A_803 = tpu.memref_squeeze %dma_wait3A_802 : memref<1x80xi32, #tpu.memory_space<vmem>> -> memref<80xi32, #tpu.memory_space<vmem>>
      %dma_wait3A_804 = tpu.memref_slice %arg3[%add3A_799] : memref<320000xi32, #tpu.memory_space<hbm>> -> memref<80xi32, #tpu.memory_space<hbm>>
      %dma_wait3A_805 = arith.constant 0 : i32
      %dma_wait3A_806 = tpu.memref_slice %arg7[%dma_wait3A_800, %dma_wait3A_805] : memref<6x80xi32, #tpu.memory_space<vmem>> -> memref<1x80xi32, #tpu.memory_space<vmem>>
      %dma_wait3A_807 = tpu.memref_squeeze %dma_wait3A_806 : memref<1x80xi32, #tpu.memory_space<vmem>> -> memref<80xi32, #tpu.memory_space<vmem>>
      %dma_wait3A_808 = tpu.memref_slice %arg3[%add3A_799] : memref<320000xi32, #tpu.memory_space<hbm>> -> memref<80xi32, #tpu.memory_space<hbm>>
      tpu.wait_dma2 semaphore(%arg14 : memref<!tpu.dma_semaphore, #tpu.memory_space<semaphore_mem>>) src(%dma_wait3A_808 : memref<80xi32, #tpu.memory_space<hbm>>) dst(%dma_wait3A_807 : memref<80xi32, #tpu.memory_space<vmem>>)
      %dma_start3A_809 = arith.constant 0 : i32
      %dma_start3A_810 = arith.constant 0 : i32
      %dma_start3A_811 = arith.constant 0 : i32
      %dma_start3A_812 = arith.constant 0 : i32
      %dma_start3A_813 = tpu.memref_slice %arg9[%dma_start3A_810, %dma_start3A_811, %dma_start3A_812] : memref<3x80x128xf32, #tpu.memory_space<vmem>> -> memref<1x80x128xf32, #tpu.memory_space<vmem>>
      %dma_start3A_814 = tpu.memref_squeeze %dma_start3A_813 : memref<1x80x128xf32, #tpu.memory_space<vmem>> -> memref<80x128xf32, #tpu.memory_space<vmem>>
      %dma_start3A_815 = arith.constant 0 : i32
      %dma_start3A_816 = tpu.memref_slice %arg7[%dma_start3A_809, %dma_start3A_815] : memref<6x80xi32, #tpu.memory_space<vmem>> -> memref<1x80xi32, #tpu.memory_space<vmem>>
      %dma_start3A_817 = tpu.memref_squeeze %dma_start3A_816 : memref<1x80xi32, #tpu.memory_space<vmem>> -> memref<80xi32, #tpu.memory_space<vmem>>
      %dma_start3A_818 = arith.constant 0 : i32
      %dma_start3A_819 = arith.constant 0 : i32
      %dma_start3A_820 = tpu.memref_slice %arg2[%dma_start3A_818, %dma_start3A_819] : memref<10000x128xf32, #tpu.memory_space<hbm>> -> memref<10000x128xf32, #tpu.memory_space<hbm>>
      tpu.enqueue_indirect_dma source(%dma_start3A_820 : memref<10000x128xf32, #tpu.memory_space<hbm>>) target(%dma_start3A_814 : memref<80x128xf32, #tpu.memory_space<vmem>>) offsets(%dma_start3A_817 : memref<80xi32, #tpu.memory_space<vmem>>) semaphore(%arg11 : memref<!tpu.dma_semaphore, #tpu.memory_space<semaphore_mem>>)
      %add3A_821 = arith.constant 6 : i32
      %add3A_822 = arith.addi %add3A_779, %add3A_821 : i32
      %mul3A_823 = arith.constant 10000 : i32
      %mul3A_824 = arith.muli %add3A, %mul3A_823 : i32
      %mul3A_825 = arith.constant 80 : i32
      %mul3A_826 = arith.muli %add3A_822, %mul3A_825 : i32
      %add3A_827 = arith.addi %mul3A_824, %mul3A_826 : i32
      %dma_start3A_828 = arith.constant 4 : i32
      %dma_start3A_829 = arith.constant 0 : i32
      %dma_start3A_830 = tpu.memref_slice %arg7[%dma_start3A_828, %dma_start3A_829] : memref<6x80xi32, #tpu.memory_space<vmem>> -> memref<1x80xi32, #tpu.memory_space<vmem>>
      %dma_start3A_831 = tpu.memref_squeeze %dma_start3A_830 : memref<1x80xi32, #tpu.memory_space<vmem>> -> memref<80xi32, #tpu.memory_space<vmem>>
      %dma_start3A_832 = tpu.memref_slice %arg3[%add3A_827] : memref<320000xi32, #tpu.memory_space<hbm>> -> memref<80xi32, #tpu.memory_space<hbm>>
      %dma_start3A_833 = arith.constant 0 : i32
      %dma_start3A_834 = tpu.memref_slice %arg7[%dma_start3A_828, %dma_start3A_833] : memref<6x80xi32, #tpu.memory_space<vmem>> -> memref<1x80xi32, #tpu.memory_space<vmem>>
      %dma_start3A_835 = tpu.memref_squeeze %dma_start3A_834 : memref<1x80xi32, #tpu.memory_space<vmem>> -> memref<80xi32, #tpu.memory_space<vmem>>
      %dma_start3A_836 = tpu.memref_slice %arg3[%add3A_827] : memref<320000xi32, #tpu.memory_space<hbm>> -> memref<80xi32, #tpu.memory_space<hbm>>
      tpu.enqueue_dma source(%dma_start3A_836 : memref<80xi32, #tpu.memory_space<hbm>>) target(%dma_start3A_835 : memref<80xi32, #tpu.memory_space<vmem>>) target_semaphore(%arg18 : memref<!tpu.dma_semaphore, #tpu.memory_space<semaphore_mem>>)
      %add3A_837 = arith.constant 5 : i32
      %add3A_838 = arith.addi %add3A_541, %add3A_837 : i32
      %dma_wait3A_839 = arith.constant 5 : i32
      %dma_wait3A_840 = arith.constant 2 : i32
      %dma_wait3A_841 = arith.constant 0 : i32
      %dma_wait3A_842 = arith.constant 0 : i32
      %dma_wait3A_843 = tpu.memref_slice %arg9[%dma_wait3A_840, %dma_wait3A_841, %dma_wait3A_842] : memref<3x80x128xf32, #tpu.memory_space<vmem>> -> memref<1x80x128xf32, #tpu.memory_space<vmem>>
      %dma_wait3A_844 = tpu.memref_squeeze %dma_wait3A_843 : memref<1x80x128xf32, #tpu.memory_space<vmem>> -> memref<80x128xf32, #tpu.memory_space<vmem>>
      %dma_wait3A_845 = arith.constant 0 : i32
      %dma_wait3A_846 = tpu.memref_slice %arg7[%dma_wait3A_839, %dma_wait3A_845] : memref<6x80xi32, #tpu.memory_space<vmem>> -> memref<1x80xi32, #tpu.memory_space<vmem>>
      %dma_wait3A_847 = tpu.memref_squeeze %dma_wait3A_846 : memref<1x80xi32, #tpu.memory_space<vmem>> -> memref<80xi32, #tpu.memory_space<vmem>>
      %dma_wait3A_848 = arith.constant 0 : i32
      %dma_wait3A_849 = arith.constant 0 : i32
      %dma_wait3A_850 = tpu.memref_slice %arg2[%dma_wait3A_848, %dma_wait3A_849] : memref<10000x128xf32, #tpu.memory_space<hbm>> -> memref<10000x128xf32, #tpu.memory_space<hbm>>
      tpu.wait_indirect_dma semaphore(%arg13 : memref<!tpu.dma_semaphore, #tpu.memory_space<semaphore_mem>>) src(%dma_wait3A_850 : memref<10000x128xf32, #tpu.memory_space<hbm>>) dst(%dma_wait3A_844 : memref<80x128xf32, #tpu.memory_space<vmem>>)
      %run_scoped3A_851 = arith.constant 2 : i32
      "tpu.region"() ({
        %run_scoped3A_896 = tpu.sem_alloc : memref<!tpu.dma_semaphore, #tpu.memory_space<semaphore_mem>>
        %dma_start3A_897 = arith.constant 0 : i32
        %dma_start3A_898 = arith.constant 0 : i32
        %dma_start3A_899 = tpu.memref_slice %arg9[%run_scoped3A_851, %dma_start3A_897, %dma_start3A_898] : memref<3x80x128xf32, #tpu.memory_space<vmem>> -> memref<1x80x128xf32, #tpu.memory_space<vmem>>
        %dma_start3A_900 = tpu.memref_squeeze %dma_start3A_899 : memref<1x80x128xf32, #tpu.memory_space<vmem>> -> memref<80x128xf32, #tpu.memory_space<vmem>>
        %dma_start3A_901 = arith.constant 0 : i32
        %dma_start3A_902 = tpu.memref_slice %arg8[%add3A_838, %dma_start3A_901] : memref<125x80xi32, #tpu.memory_space<vmem>> -> memref<1x80xi32, #tpu.memory_space<vmem>>
        %dma_start3A_903 = tpu.memref_squeeze %dma_start3A_902 : memref<1x80xi32, #tpu.memory_space<vmem>> -> memref<80xi32, #tpu.memory_space<vmem>>
        %dma_start3A_904 = arith.constant 0 : i32
        %dma_start3A_905 = arith.constant 0 : i32
        %dma_start3A_906 = tpu.memref_slice %arg10[%dma_start3A_904, %dma_start3A_905] : memref<10240x128xf32, #tpu.memory_space<vmem_shared>> -> memref<10240x128xf32, #tpu.memory_space<vmem_shared>>
        tpu.enqueue_indirect_dma source(%dma_start3A_900 : memref<80x128xf32, #tpu.memory_space<vmem>>) target(%dma_start3A_906 : memref<10240x128xf32, #tpu.memory_space<vmem_shared>>) offsets(%dma_start3A_903 : memref<80xi32, #tpu.memory_space<vmem>>) semaphore(%run_scoped3A_896 : memref<!tpu.dma_semaphore, #tpu.memory_space<semaphore_mem>>) {add = true}
        %dma_wait3A_907 = arith.constant 0 : i32
        %dma_wait3A_908 = arith.constant 0 : i32
        %dma_wait3A_909 = tpu.memref_slice %arg9[%run_scoped3A_851, %dma_wait3A_907, %dma_wait3A_908] : memref<3x80x128xf32, #tpu.memory_space<vmem>> -> memref<1x80x128xf32, #tpu.memory_space<vmem>>
        %dma_wait3A_910 = tpu.memref_squeeze %dma_wait3A_909 : memref<1x80x128xf32, #tpu.memory_space<vmem>> -> memref<80x128xf32, #tpu.memory_space<vmem>>
        %dma_wait3A_911 = arith.constant 0 : i32
        %dma_wait3A_912 = tpu.memref_slice %arg8[%add3A_838, %dma_wait3A_911] : memref<125x80xi32, #tpu.memory_space<vmem>> -> memref<1x80xi32, #tpu.memory_space<vmem>>
        %dma_wait3A_913 = tpu.memref_squeeze %dma_wait3A_912 : memref<1x80xi32, #tpu.memory_space<vmem>> -> memref<80xi32, #tpu.memory_space<vmem>>
        %dma_wait3A_914 = arith.constant 0 : i32
        %dma_wait3A_915 = arith.constant 0 : i32
        %dma_wait3A_916 = tpu.memref_slice %arg10[%dma_wait3A_914, %dma_wait3A_915] : memref<10240x128xf32, #tpu.memory_space<vmem_shared>> -> memref<10240x128xf32, #tpu.memory_space<vmem_shared>>
        tpu.wait_indirect_dma semaphore(%run_scoped3A_896 : memref<!tpu.dma_semaphore, #tpu.memory_space<semaphore_mem>>) src(%dma_wait3A_910 : memref<80x128xf32, #tpu.memory_space<vmem>>) dst(%dma_wait3A_916 : memref<10240x128xf32, #tpu.memory_space<vmem_shared>>)
        tpu.yield
      }) : () -> ()
      %add3A_852 = arith.constant 2 : i32
      %add3A_853 = arith.addi %add3A_838, %add3A_852 : i32
      %mul3A_854 = arith.constant 10000 : i32
      %mul3A_855 = arith.muli %add3A, %mul3A_854 : i32
      %mul3A_856 = arith.constant 80 : i32
      %mul3A_857 = arith.muli %add3A_853, %mul3A_856 : i32
      %add3A_858 = arith.addi %mul3A_855, %mul3A_857 : i32
      %dma_wait3A_859 = arith.constant 1 : i32
      %dma_wait3A_860 = arith.constant 0 : i32
      %dma_wait3A_861 = tpu.memref_slice %arg7[%dma_wait3A_859, %dma_wait3A_860] : memref<6x80xi32, #tpu.memory_space<vmem>> -> memref<1x80xi32, #tpu.memory_space<vmem>>
      %dma_wait3A_862 = tpu.memref_squeeze %dma_wait3A_861 : memref<1x80xi32, #tpu.memory_space<vmem>> -> memref<80xi32, #tpu.memory_space<vmem>>
      %dma_wait3A_863 = tpu.memref_slice %arg3[%add3A_858] : memref<320000xi32, #tpu.memory_space<hbm>> -> memref<80xi32, #tpu.memory_space<hbm>>
      %dma_wait3A_864 = arith.constant 0 : i32
      %dma_wait3A_865 = tpu.memref_slice %arg7[%dma_wait3A_859, %dma_wait3A_864] : memref<6x80xi32, #tpu.memory_space<vmem>> -> memref<1x80xi32, #tpu.memory_space<vmem>>
      %dma_wait3A_866 = tpu.memref_squeeze %dma_wait3A_865 : memref<1x80xi32, #tpu.memory_space<vmem>> -> memref<80xi32, #tpu.memory_space<vmem>>
      %dma_wait3A_867 = tpu.memref_slice %arg3[%add3A_858] : memref<320000xi32, #tpu.memory_space<hbm>> -> memref<80xi32, #tpu.memory_space<hbm>>
      tpu.wait_dma2 semaphore(%arg15 : memref<!tpu.dma_semaphore, #tpu.memory_space<semaphore_mem>>) src(%dma_wait3A_867 : memref<80xi32, #tpu.memory_space<hbm>>) dst(%dma_wait3A_866 : memref<80xi32, #tpu.memory_space<vmem>>)
      %dma_start3A_868 = arith.constant 1 : i32
      %dma_start3A_869 = arith.constant 1 : i32
      %dma_start3A_870 = arith.constant 0 : i32
      %dma_start3A_871 = arith.constant 0 : i32
      %dma_start3A_872 = tpu.memref_slice %arg9[%dma_start3A_869, %dma_start3A_870, %dma_start3A_871] : memref<3x80x128xf32, #tpu.memory_space<vmem>> -> memref<1x80x128xf32, #tpu.memory_space<vmem>>
      %dma_start3A_873 = tpu.memref_squeeze %dma_start3A_872 : memref<1x80x128xf32, #tpu.memory_space<vmem>> -> memref<80x128xf32, #tpu.memory_space<vmem>>
      %dma_start3A_874 = arith.constant 0 : i32
      %dma_start3A_875 = tpu.memref_slice %arg7[%dma_start3A_868, %dma_start3A_874] : memref<6x80xi32, #tpu.memory_space<vmem>> -> memref<1x80xi32, #tpu.memory_space<vmem>>
      %dma_start3A_876 = tpu.memref_squeeze %dma_start3A_875 : memref<1x80xi32, #tpu.memory_space<vmem>> -> memref<80xi32, #tpu.memory_space<vmem>>
      %dma_start3A_877 = arith.constant 0 : i32
      %dma_start3A_878 = arith.constant 0 : i32
      %dma_start3A_879 = tpu.memref_slice %arg2[%dma_start3A_877, %dma_start3A_878] : memref<10000x128xf32, #tpu.memory_space<hbm>> -> memref<10000x128xf32, #tpu.memory_space<hbm>>
      tpu.enqueue_indirect_dma source(%dma_start3A_879 : memref<10000x128xf32, #tpu.memory_space<hbm>>) target(%dma_start3A_873 : memref<80x128xf32, #tpu.memory_space<vmem>>) offsets(%dma_start3A_876 : memref<80xi32, #tpu.memory_space<vmem>>) semaphore(%arg12 : memref<!tpu.dma_semaphore, #tpu.memory_space<semaphore_mem>>)
      %add3A_880 = arith.constant 6 : i32
      %add3A_881 = arith.addi %add3A_838, %add3A_880 : i32
      %mul3A_882 = arith.constant 10000 : i32
      %mul3A_883 = arith.muli %add3A, %mul3A_882 : i32
      %mul3A_884 = arith.constant 80 : i32
      %mul3A_885 = arith.muli %add3A_881, %mul3A_884 : i32
      %add3A_886 = arith.addi %mul3A_883, %mul3A_885 : i32
      %dma_start3A_887 = arith.constant 5 : i32
      %dma_start3A_888 = arith.constant 0 : i32
      %dma_start3A_889 = tpu.memref_slice %arg7[%dma_start3A_887, %dma_start3A_888] : memref<6x80xi32, #tpu.memory_space<vmem>> -> memref<1x80xi32, #tpu.memory_space<vmem>>
      %dma_start3A_890 = tpu.memref_squeeze %dma_start3A_889 : memref<1x80xi32, #tpu.memory_space<vmem>> -> memref<80xi32, #tpu.memory_space<vmem>>
      %dma_start3A_891 = tpu.memref_slice %arg3[%add3A_886] : memref<320000xi32, #tpu.memory_space<hbm>> -> memref<80xi32, #tpu.memory_space<hbm>>
      %dma_start3A_892 = arith.constant 0 : i32
      %dma_start3A_893 = tpu.memref_slice %arg7[%dma_start3A_887, %dma_start3A_892] : memref<6x80xi32, #tpu.memory_space<vmem>> -> memref<1x80xi32, #tpu.memory_space<vmem>>
      %dma_start3A_894 = tpu.memref_squeeze %dma_start3A_893 : memref<1x80xi32, #tpu.memory_space<vmem>> -> memref<80xi32, #tpu.memory_space<vmem>>
      %dma_start3A_895 = tpu.memref_slice %arg3[%add3A_886] : memref<320000xi32, #tpu.memory_space<hbm>> -> memref<80xi32, #tpu.memory_space<hbm>>
      tpu.enqueue_dma source(%dma_start3A_895 : memref<80xi32, #tpu.memory_space<hbm>>) target(%dma_start3A_894 : memref<80xi32, #tpu.memory_space<vmem>>) target_semaphore(%arg19 : memref<!tpu.dma_semaphore, #tpu.memory_space<semaphore_mem>>)
    }
    %scan3A_88 = arith.constant 19 : i32
    %dma_wait3A = arith.constant 0 : i32
    %dma_wait3A_89 = arith.constant 0 : i32
    %dma_wait3A_90 = arith.constant 0 : i32
    %dma_wait3A_91 = arith.constant 0 : i32
    %dma_wait3A_92 = tpu.memref_slice %arg9[%dma_wait3A_89, %dma_wait3A_90, %dma_wait3A_91] : memref<3x80x128xf32, #tpu.memory_space<vmem>> -> memref<1x80x128xf32, #tpu.memory_space<vmem>>
    %dma_wait3A_93 = tpu.memref_squeeze %dma_wait3A_92 : memref<1x80x128xf32, #tpu.memory_space<vmem>> -> memref<80x128xf32, #tpu.memory_space<vmem>>
    %dma_wait3A_94 = arith.constant 0 : i32
    %dma_wait3A_95 = tpu.memref_slice %arg7[%dma_wait3A, %dma_wait3A_94] : memref<6x80xi32, #tpu.memory_space<vmem>> -> memref<1x80xi32, #tpu.memory_space<vmem>>
    %dma_wait3A_96 = tpu.memref_squeeze %dma_wait3A_95 : memref<1x80xi32, #tpu.memory_space<vmem>> -> memref<80xi32, #tpu.memory_space<vmem>>
    %dma_wait3A_97 = arith.constant 0 : i32
    %dma_wait3A_98 = arith.constant 0 : i32
    %dma_wait3A_99 = tpu.memref_slice %arg2[%dma_wait3A_97, %dma_wait3A_98] : memref<10000x128xf32, #tpu.memory_space<hbm>> -> memref<10000x128xf32, #tpu.memory_space<hbm>>
    tpu.wait_indirect_dma semaphore(%arg11 : memref<!tpu.dma_semaphore, #tpu.memory_space<semaphore_mem>>) src(%dma_wait3A_99 : memref<10000x128xf32, #tpu.memory_space<hbm>>) dst(%dma_wait3A_93 : memref<80x128xf32, #tpu.memory_space<vmem>>)
    %run_scoped3A_100 = arith.constant 0 : i32
    %run_scoped3A_101 = arith.constant 114 : i32
    "tpu.region"() ({
      %run_scoped3A_537 = tpu.sem_alloc : memref<!tpu.dma_semaphore, #tpu.memory_space<semaphore_mem>>
      %dma_start3A_538 = arith.constant 0 : i32
      %dma_start3A_539 = arith.constant 0 : i32
      %dma_start3A_540 = tpu.memref_slice %arg9[%run_scoped3A_100, %dma_start3A_538, %dma_start3A_539] : memref<3x80x128xf32, #tpu.memory_space<vmem>> -> memref<1x80x128xf32, #tpu.memory_space<vmem>>
      %dma_start3A_541 = tpu.memref_squeeze %dma_start3A_540 : memref<1x80x128xf32, #tpu.memory_space<vmem>> -> memref<80x128xf32, #tpu.memory_space<vmem>>
      %dma_start3A_542 = arith.constant 0 : i32
      %dma_start3A_543 = tpu.memref_slice %arg8[%run_scoped3A_101, %dma_start3A_542] : memref<125x80xi32, #tpu.memory_space<vmem>> -> memref<1x80xi32, #tpu.memory_space<vmem>>
      %dma_start3A_544 = tpu.memref_squeeze %dma_start3A_543 : memref<1x80xi32, #tpu.memory_space<vmem>> -> memref<80xi32, #tpu.memory_space<vmem>>
      %dma_start3A_545 = arith.constant 0 : i32
      %dma_start3A_546 = arith.constant 0 : i32
      %dma_start3A_547 = tpu.memref_slice %arg10[%dma_start3A_545, %dma_start3A_546] : memref<10240x128xf32, #tpu.memory_space<vmem_shared>> -> memref<10240x128xf32, #tpu.memory_space<vmem_shared>>
      tpu.enqueue_indirect_dma source(%dma_start3A_541 : memref<80x128xf32, #tpu.memory_space<vmem>>) target(%dma_start3A_547 : memref<10240x128xf32, #tpu.memory_space<vmem_shared>>) offsets(%dma_start3A_544 : memref<80xi32, #tpu.memory_space<vmem>>) semaphore(%run_scoped3A_537 : memref<!tpu.dma_semaphore, #tpu.memory_space<semaphore_mem>>) {add = true}
      %dma_wait3A_548 = arith.constant 0 : i32
      %dma_wait3A_549 = arith.constant 0 : i32
      %dma_wait3A_550 = tpu.memref_slice %arg9[%run_scoped3A_100, %dma_wait3A_548, %dma_wait3A_549] : memref<3x80x128xf32, #tpu.memory_space<vmem>> -> memref<1x80x128xf32, #tpu.memory_space<vmem>>
      %dma_wait3A_551 = tpu.memref_squeeze %dma_wait3A_550 : memref<1x80x128xf32, #tpu.memory_space<vmem>> -> memref<80x128xf32, #tpu.memory_space<vmem>>
      %dma_wait3A_552 = arith.constant 0 : i32
      %dma_wait3A_553 = tpu.memref_slice %arg8[%run_scoped3A_101, %dma_wait3A_552] : memref<125x80xi32, #tpu.memory_space<vmem>> -> memref<1x80xi32, #tpu.memory_space<vmem>>
      %dma_wait3A_554 = tpu.memref_squeeze %dma_wait3A_553 : memref<1x80xi32, #tpu.memory_space<vmem>> -> memref<80xi32, #tpu.memory_space<vmem>>
      %dma_wait3A_555 = arith.constant 0 : i32
      %dma_wait3A_556 = arith.constant 0 : i32
      %dma_wait3A_557 = tpu.memref_slice %arg10[%dma_wait3A_555, %dma_wait3A_556] : memref<10240x128xf32, #tpu.memory_space<vmem_shared>> -> memref<10240x128xf32, #tpu.memory_space<vmem_shared>>
      tpu.wait_indirect_dma semaphore(%run_scoped3A_537 : memref<!tpu.dma_semaphore, #tpu.memory_space<semaphore_mem>>) src(%dma_wait3A_551 : memref<80x128xf32, #tpu.memory_space<vmem>>) dst(%dma_wait3A_557 : memref<10240x128xf32, #tpu.memory_space<vmem_shared>>)
      tpu.yield
    }) : () -> ()
    %mul3A_102 = arith.constant 10000 : i32
    %mul3A_103 = arith.muli %add3A, %mul3A_102 : i32
    %add3A_104 = arith.constant 9280 : i32
    %add3A_105 = arith.addi %mul3A_103, %add3A_104 : i32
    %dma_wait3A_106 = arith.constant 2 : i32
    %dma_wait3A_107 = arith.constant 0 : i32
    %dma_wait3A_108 = tpu.memref_slice %arg7[%dma_wait3A_106, %dma_wait3A_107] : memref<6x80xi32, #tpu.memory_space<vmem>> -> memref<1x80xi32, #tpu.memory_space<vmem>>
    %dma_wait3A_109 = tpu.memref_squeeze %dma_wait3A_108 : memref<1x80xi32, #tpu.memory_space<vmem>> -> memref<80xi32, #tpu.memory_space<vmem>>
    %dma_wait3A_110 = tpu.memref_slice %arg3[%add3A_105] : memref<320000xi32, #tpu.memory_space<hbm>> -> memref<80xi32, #tpu.memory_space<hbm>>
    %dma_wait3A_111 = arith.constant 0 : i32
    %dma_wait3A_112 = tpu.memref_slice %arg7[%dma_wait3A_106, %dma_wait3A_111] : memref<6x80xi32, #tpu.memory_space<vmem>> -> memref<1x80xi32, #tpu.memory_space<vmem>>
    %dma_wait3A_113 = tpu.memref_squeeze %dma_wait3A_112 : memref<1x80xi32, #tpu.memory_space<vmem>> -> memref<80xi32, #tpu.memory_space<vmem>>
    %dma_wait3A_114 = tpu.memref_slice %arg3[%add3A_105] : memref<320000xi32, #tpu.memory_space<hbm>> -> memref<80xi32, #tpu.memory_space<hbm>>
    tpu.wait_dma2 semaphore(%arg16 : memref<!tpu.dma_semaphore, #tpu.memory_space<semaphore_mem>>) src(%dma_wait3A_114 : memref<80xi32, #tpu.memory_space<hbm>>) dst(%dma_wait3A_113 : memref<80xi32, #tpu.memory_space<vmem>>)
    %dma_start3A_115 = arith.constant 2 : i32
    %dma_start3A_116 = arith.constant 2 : i32
    %dma_start3A_117 = arith.constant 0 : i32
    %dma_start3A_118 = arith.constant 0 : i32
    %dma_start3A_119 = tpu.memref_slice %arg9[%dma_start3A_116, %dma_start3A_117, %dma_start3A_118] : memref<3x80x128xf32, #tpu.memory_space<vmem>> -> memref<1x80x128xf32, #tpu.memory_space<vmem>>
    %dma_start3A_120 = tpu.memref_squeeze %dma_start3A_119 : memref<1x80x128xf32, #tpu.memory_space<vmem>> -> memref<80x128xf32, #tpu.memory_space<vmem>>
    %dma_start3A_121 = arith.constant 0 : i32
    %dma_start3A_122 = tpu.memref_slice %arg7[%dma_start3A_115, %dma_start3A_121] : memref<6x80xi32, #tpu.memory_space<vmem>> -> memref<1x80xi32, #tpu.memory_space<vmem>>
    %dma_start3A_123 = tpu.memref_squeeze %dma_start3A_122 : memref<1x80xi32, #tpu.memory_space<vmem>> -> memref<80xi32, #tpu.memory_space<vmem>>
    %dma_start3A_124 = arith.constant 0 : i32
    %dma_start3A_125 = arith.constant 0 : i32
    %dma_start3A_126 = tpu.memref_slice %arg2[%dma_start3A_124, %dma_start3A_125] : memref<10000x128xf32, #tpu.memory_space<hbm>> -> memref<10000x128xf32, #tpu.memory_space<hbm>>
    tpu.enqueue_indirect_dma source(%dma_start3A_126 : memref<10000x128xf32, #tpu.memory_space<hbm>>) target(%dma_start3A_120 : memref<80x128xf32, #tpu.memory_space<vmem>>) offsets(%dma_start3A_123 : memref<80xi32, #tpu.memory_space<vmem>>) semaphore(%arg13 : memref<!tpu.dma_semaphore, #tpu.memory_space<semaphore_mem>>)
    %mul3A_127 = arith.constant 10000 : i32
    %mul3A_128 = arith.muli %add3A, %mul3A_127 : i32
    %add3A_129 = arith.constant 9600 : i32
    %add3A_130 = arith.addi %mul3A_128, %add3A_129 : i32
    %dma_start3A_131 = arith.constant 0 : i32
    %dma_start3A_132 = arith.constant 0 : i32
    %dma_start3A_133 = tpu.memref_slice %arg7[%dma_start3A_131, %dma_start3A_132] : memref<6x80xi32, #tpu.memory_space<vmem>> -> memref<1x80xi32, #tpu.memory_space<vmem>>
    %dma_start3A_134 = tpu.memref_squeeze %dma_start3A_133 : memref<1x80xi32, #tpu.memory_space<vmem>> -> memref<80xi32, #tpu.memory_space<vmem>>
    %dma_start3A_135 = tpu.memref_slice %arg3[%add3A_130] : memref<320000xi32, #tpu.memory_space<hbm>> -> memref<80xi32, #tpu.memory_space<hbm>>
    %dma_start3A_136 = arith.constant 0 : i32
    %dma_start3A_137 = tpu.memref_slice %arg7[%dma_start3A_131, %dma_start3A_136] : memref<6x80xi32, #tpu.memory_space<vmem>> -> memref<1x80xi32, #tpu.memory_space<vmem>>
    %dma_start3A_138 = tpu.memref_squeeze %dma_start3A_137 : memref<1x80xi32, #tpu.memory_space<vmem>> -> memref<80xi32, #tpu.memory_space<vmem>>
    %dma_start3A_139 = tpu.memref_slice %arg3[%add3A_130] : memref<320000xi32, #tpu.memory_space<hbm>> -> memref<80xi32, #tpu.memory_space<hbm>>
    tpu.enqueue_dma source(%dma_start3A_139 : memref<80xi32, #tpu.memory_space<hbm>>) target(%dma_start3A_138 : memref<80xi32, #tpu.memory_space<vmem>>) target_semaphore(%arg14 : memref<!tpu.dma_semaphore, #tpu.memory_space<semaphore_mem>>)
    %dma_wait3A_140 = arith.constant 1 : i32
    %dma_wait3A_141 = arith.constant 1 : i32
    %dma_wait3A_142 = arith.constant 0 : i32
    %dma_wait3A_143 = arith.constant 0 : i32
    %dma_wait3A_144 = tpu.memref_slice %arg9[%dma_wait3A_141, %dma_wait3A_142, %dma_wait3A_143] : memref<3x80x128xf32, #tpu.memory_space<vmem>> -> memref<1x80x128xf32, #tpu.memory_space<vmem>>
    %dma_wait3A_145 = tpu.memref_squeeze %dma_wait3A_144 : memref<1x80x128xf32, #tpu.memory_space<vmem>> -> memref<80x128xf32, #tpu.memory_space<vmem>>
    %dma_wait3A_146 = arith.constant 0 : i32
    %dma_wait3A_147 = tpu.memref_slice %arg7[%dma_wait3A_140, %dma_wait3A_146] : memref<6x80xi32, #tpu.memory_space<vmem>> -> memref<1x80xi32, #tpu.memory_space<vmem>>
    %dma_wait3A_148 = tpu.memref_squeeze %dma_wait3A_147 : memref<1x80xi32, #tpu.memory_space<vmem>> -> memref<80xi32, #tpu.memory_space<vmem>>
    %dma_wait3A_149 = arith.constant 0 : i32
    %dma_wait3A_150 = arith.constant 0 : i32
    %dma_wait3A_151 = tpu.memref_slice %arg2[%dma_wait3A_149, %dma_wait3A_150] : memref<10000x128xf32, #tpu.memory_space<hbm>> -> memref<10000x128xf32, #tpu.memory_space<hbm>>
    tpu.wait_indirect_dma semaphore(%arg12 : memref<!tpu.dma_semaphore, #tpu.memory_space<semaphore_mem>>) src(%dma_wait3A_151 : memref<10000x128xf32, #tpu.memory_space<hbm>>) dst(%dma_wait3A_145 : memref<80x128xf32, #tpu.memory_space<vmem>>)
    %run_scoped3A_152 = arith.constant 1 : i32
    %run_scoped3A_153 = arith.constant 115 : i32
    "tpu.region"() ({
      %run_scoped3A_537 = tpu.sem_alloc : memref<!tpu.dma_semaphore, #tpu.memory_space<semaphore_mem>>
      %dma_start3A_538 = arith.constant 0 : i32
      %dma_start3A_539 = arith.constant 0 : i32
      %dma_start3A_540 = tpu.memref_slice %arg9[%run_scoped3A_152, %dma_start3A_538, %dma_start3A_539] : memref<3x80x128xf32, #tpu.memory_space<vmem>> -> memref<1x80x128xf32, #tpu.memory_space<vmem>>
      %dma_start3A_541 = tpu.memref_squeeze %dma_start3A_540 : memref<1x80x128xf32, #tpu.memory_space<vmem>> -> memref<80x128xf32, #tpu.memory_space<vmem>>
      %dma_start3A_542 = arith.constant 0 : i32
      %dma_start3A_543 = tpu.memref_slice %arg8[%run_scoped3A_153, %dma_start3A_542] : memref<125x80xi32, #tpu.memory_space<vmem>> -> memref<1x80xi32, #tpu.memory_space<vmem>>
      %dma_start3A_544 = tpu.memref_squeeze %dma_start3A_543 : memref<1x80xi32, #tpu.memory_space<vmem>> -> memref<80xi32, #tpu.memory_space<vmem>>
      %dma_start3A_545 = arith.constant 0 : i32
      %dma_start3A_546 = arith.constant 0 : i32
      %dma_start3A_547 = tpu.memref_slice %arg10[%dma_start3A_545, %dma_start3A_546] : memref<10240x128xf32, #tpu.memory_space<vmem_shared>> -> memref<10240x128xf32, #tpu.memory_space<vmem_shared>>
      tpu.enqueue_indirect_dma source(%dma_start3A_541 : memref<80x128xf32, #tpu.memory_space<vmem>>) target(%dma_start3A_547 : memref<10240x128xf32, #tpu.memory_space<vmem_shared>>) offsets(%dma_start3A_544 : memref<80xi32, #tpu.memory_space<vmem>>) semaphore(%run_scoped3A_537 : memref<!tpu.dma_semaphore, #tpu.memory_space<semaphore_mem>>) {add = true}
      %dma_wait3A_548 = arith.constant 0 : i32
      %dma_wait3A_549 = arith.constant 0 : i32
      %dma_wait3A_550 = tpu.memref_slice %arg9[%run_scoped3A_152, %dma_wait3A_548, %dma_wait3A_549] : memref<3x80x128xf32, #tpu.memory_space<vmem>> -> memref<1x80x128xf32, #tpu.memory_space<vmem>>
      %dma_wait3A_551 = tpu.memref_squeeze %dma_wait3A_550 : memref<1x80x128xf32, #tpu.memory_space<vmem>> -> memref<80x128xf32, #tpu.memory_space<vmem>>
      %dma_wait3A_552 = arith.constant 0 : i32
      %dma_wait3A_553 = tpu.memref_slice %arg8[%run_scoped3A_153, %dma_wait3A_552] : memref<125x80xi32, #tpu.memory_space<vmem>> -> memref<1x80xi32, #tpu.memory_space<vmem>>
      %dma_wait3A_554 = tpu.memref_squeeze %dma_wait3A_553 : memref<1x80xi32, #tpu.memory_space<vmem>> -> memref<80xi32, #tpu.memory_space<vmem>>
      %dma_wait3A_555 = arith.constant 0 : i32
      %dma_wait3A_556 = arith.constant 0 : i32
      %dma_wait3A_557 = tpu.memref_slice %arg10[%dma_wait3A_555, %dma_wait3A_556] : memref<10240x128xf32, #tpu.memory_space<vmem_shared>> -> memref<10240x128xf32, #tpu.memory_space<vmem_shared>>
      tpu.wait_indirect_dma semaphore(%run_scoped3A_537 : memref<!tpu.dma_semaphore, #tpu.memory_space<semaphore_mem>>) src(%dma_wait3A_551 : memref<80x128xf32, #tpu.memory_space<vmem>>) dst(%dma_wait3A_557 : memref<10240x128xf32, #tpu.memory_space<vmem_shared>>)
      tpu.yield
    }) : () -> ()
    %mul3A_154 = arith.constant 10000 : i32
    %mul3A_155 = arith.muli %add3A, %mul3A_154 : i32
    %add3A_156 = arith.constant 9360 : i32
    %add3A_157 = arith.addi %mul3A_155, %add3A_156 : i32
    %dma_wait3A_158 = arith.constant 3 : i32
    %dma_wait3A_159 = arith.constant 0 : i32
    %dma_wait3A_160 = tpu.memref_slice %arg7[%dma_wait3A_158, %dma_wait3A_159] : memref<6x80xi32, #tpu.memory_space<vmem>> -> memref<1x80xi32, #tpu.memory_space<vmem>>
    %dma_wait3A_161 = tpu.memref_squeeze %dma_wait3A_160 : memref<1x80xi32, #tpu.memory_space<vmem>> -> memref<80xi32, #tpu.memory_space<vmem>>
    %dma_wait3A_162 = tpu.memref_slice %arg3[%add3A_157] : memref<320000xi32, #tpu.memory_space<hbm>> -> memref<80xi32, #tpu.memory_space<hbm>>
    %dma_wait3A_163 = arith.constant 0 : i32
    %dma_wait3A_164 = tpu.memref_slice %arg7[%dma_wait3A_158, %dma_wait3A_163] : memref<6x80xi32, #tpu.memory_space<vmem>> -> memref<1x80xi32, #tpu.memory_space<vmem>>
    %dma_wait3A_165 = tpu.memref_squeeze %dma_wait3A_164 : memref<1x80xi32, #tpu.memory_space<vmem>> -> memref<80xi32, #tpu.memory_space<vmem>>
    %dma_wait3A_166 = tpu.memref_slice %arg3[%add3A_157] : memref<320000xi32, #tpu.memory_space<hbm>> -> memref<80xi32, #tpu.memory_space<hbm>>
    tpu.wait_dma2 semaphore(%arg17 : memref<!tpu.dma_semaphore, #tpu.memory_space<semaphore_mem>>) src(%dma_wait3A_166 : memref<80xi32, #tpu.memory_space<hbm>>) dst(%dma_wait3A_165 : memref<80xi32, #tpu.memory_space<vmem>>)
    %dma_start3A_167 = arith.constant 3 : i32
    %dma_start3A_168 = arith.constant 0 : i32
    %dma_start3A_169 = arith.constant 0 : i32
    %dma_start3A_170 = arith.constant 0 : i32
    %dma_start3A_171 = tpu.memref_slice %arg9[%dma_start3A_168, %dma_start3A_169, %dma_start3A_170] : memref<3x80x128xf32, #tpu.memory_space<vmem>> -> memref<1x80x128xf32, #tpu.memory_space<vmem>>
    %dma_start3A_172 = tpu.memref_squeeze %dma_start3A_171 : memref<1x80x128xf32, #tpu.memory_space<vmem>> -> memref<80x128xf32, #tpu.memory_space<vmem>>
    %dma_start3A_173 = arith.constant 0 : i32
    %dma_start3A_174 = tpu.memref_slice %arg7[%dma_start3A_167, %dma_start3A_173] : memref<6x80xi32, #tpu.memory_space<vmem>> -> memref<1x80xi32, #tpu.memory_space<vmem>>
    %dma_start3A_175 = tpu.memref_squeeze %dma_start3A_174 : memref<1x80xi32, #tpu.memory_space<vmem>> -> memref<80xi32, #tpu.memory_space<vmem>>
    %dma_start3A_176 = arith.constant 0 : i32
    %dma_start3A_177 = arith.constant 0 : i32
    %dma_start3A_178 = tpu.memref_slice %arg2[%dma_start3A_176, %dma_start3A_177] : memref<10000x128xf32, #tpu.memory_space<hbm>> -> memref<10000x128xf32, #tpu.memory_space<hbm>>
    tpu.enqueue_indirect_dma source(%dma_start3A_178 : memref<10000x128xf32, #tpu.memory_space<hbm>>) target(%dma_start3A_172 : memref<80x128xf32, #tpu.memory_space<vmem>>) offsets(%dma_start3A_175 : memref<80xi32, #tpu.memory_space<vmem>>) semaphore(%arg11 : memref<!tpu.dma_semaphore, #tpu.memory_space<semaphore_mem>>)
    %mul3A_179 = arith.constant 10000 : i32
    %mul3A_180 = arith.muli %add3A, %mul3A_179 : i32
    %add3A_181 = arith.constant 9680 : i32
    %add3A_182 = arith.addi %mul3A_180, %add3A_181 : i32
    %dma_start3A_183 = arith.constant 1 : i32
    %dma_start3A_184 = arith.constant 0 : i32
    %dma_start3A_185 = tpu.memref_slice %arg7[%dma_start3A_183, %dma_start3A_184] : memref<6x80xi32, #tpu.memory_space<vmem>> -> memref<1x80xi32, #tpu.memory_space<vmem>>
    %dma_start3A_186 = tpu.memref_squeeze %dma_start3A_185 : memref<1x80xi32, #tpu.memory_space<vmem>> -> memref<80xi32, #tpu.memory_space<vmem>>
    %dma_start3A_187 = tpu.memref_slice %arg3[%add3A_182] : memref<320000xi32, #tpu.memory_space<hbm>> -> memref<80xi32, #tpu.memory_space<hbm>>
    %dma_start3A_188 = arith.constant 0 : i32
    %dma_start3A_189 = tpu.memref_slice %arg7[%dma_start3A_183, %dma_start3A_188] : memref<6x80xi32, #tpu.memory_space<vmem>> -> memref<1x80xi32, #tpu.memory_space<vmem>>
    %dma_start3A_190 = tpu.memref_squeeze %dma_start3A_189 : memref<1x80xi32, #tpu.memory_space<vmem>> -> memref<80xi32, #tpu.memory_space<vmem>>
    %dma_start3A_191 = tpu.memref_slice %arg3[%add3A_182] : memref<320000xi32, #tpu.memory_space<hbm>> -> memref<80xi32, #tpu.memory_space<hbm>>
    tpu.enqueue_dma source(%dma_start3A_191 : memref<80xi32, #tpu.memory_space<hbm>>) target(%dma_start3A_190 : memref<80xi32, #tpu.memory_space<vmem>>) target_semaphore(%arg15 : memref<!tpu.dma_semaphore, #tpu.memory_space<semaphore_mem>>)
    %dma_wait3A_192 = arith.constant 2 : i32
    %dma_wait3A_193 = arith.constant 2 : i32
    %dma_wait3A_194 = arith.constant 0 : i32
    %dma_wait3A_195 = arith.constant 0 : i32
    %dma_wait3A_196 = tpu.memref_slice %arg9[%dma_wait3A_193, %dma_wait3A_194, %dma_wait3A_195] : memref<3x80x128xf32, #tpu.memory_space<vmem>> -> memref<1x80x128xf32, #tpu.memory_space<vmem>>
    %dma_wait3A_197 = tpu.memref_squeeze %dma_wait3A_196 : memref<1x80x128xf32, #tpu.memory_space<vmem>> -> memref<80x128xf32, #tpu.memory_space<vmem>>
    %dma_wait3A_198 = arith.constant 0 : i32
    %dma_wait3A_199 = tpu.memref_slice %arg7[%dma_wait3A_192, %dma_wait3A_198] : memref<6x80xi32, #tpu.memory_space<vmem>> -> memref<1x80xi32, #tpu.memory_space<vmem>>
    %dma_wait3A_200 = tpu.memref_squeeze %dma_wait3A_199 : memref<1x80xi32, #tpu.memory_space<vmem>> -> memref<80xi32, #tpu.memory_space<vmem>>
    %dma_wait3A_201 = arith.constant 0 : i32
    %dma_wait3A_202 = arith.constant 0 : i32
    %dma_wait3A_203 = tpu.memref_slice %arg2[%dma_wait3A_201, %dma_wait3A_202] : memref<10000x128xf32, #tpu.memory_space<hbm>> -> memref<10000x128xf32, #tpu.memory_space<hbm>>
    tpu.wait_indirect_dma semaphore(%arg13 : memref<!tpu.dma_semaphore, #tpu.memory_space<semaphore_mem>>) src(%dma_wait3A_203 : memref<10000x128xf32, #tpu.memory_space<hbm>>) dst(%dma_wait3A_197 : memref<80x128xf32, #tpu.memory_space<vmem>>)
    %run_scoped3A_204 = arith.constant 2 : i32
    %run_scoped3A_205 = arith.constant 116 : i32
    "tpu.region"() ({
      %run_scoped3A_537 = tpu.sem_alloc : memref<!tpu.dma_semaphore, #tpu.memory_space<semaphore_mem>>
      %dma_start3A_538 = arith.constant 0 : i32
      %dma_start3A_539 = arith.constant 0 : i32
      %dma_start3A_540 = tpu.memref_slice %arg9[%run_scoped3A_204, %dma_start3A_538, %dma_start3A_539] : memref<3x80x128xf32, #tpu.memory_space<vmem>> -> memref<1x80x128xf32, #tpu.memory_space<vmem>>
      %dma_start3A_541 = tpu.memref_squeeze %dma_start3A_540 : memref<1x80x128xf32, #tpu.memory_space<vmem>> -> memref<80x128xf32, #tpu.memory_space<vmem>>
      %dma_start3A_542 = arith.constant 0 : i32
      %dma_start3A_543 = tpu.memref_slice %arg8[%run_scoped3A_205, %dma_start3A_542] : memref<125x80xi32, #tpu.memory_space<vmem>> -> memref<1x80xi32, #tpu.memory_space<vmem>>
      %dma_start3A_544 = tpu.memref_squeeze %dma_start3A_543 : memref<1x80xi32, #tpu.memory_space<vmem>> -> memref<80xi32, #tpu.memory_space<vmem>>
      %dma_start3A_545 = arith.constant 0 : i32
      %dma_start3A_546 = arith.constant 0 : i32
      %dma_start3A_547 = tpu.memref_slice %arg10[%dma_start3A_545, %dma_start3A_546] : memref<10240x128xf32, #tpu.memory_space<vmem_shared>> -> memref<10240x128xf32, #tpu.memory_space<vmem_shared>>
      tpu.enqueue_indirect_dma source(%dma_start3A_541 : memref<80x128xf32, #tpu.memory_space<vmem>>) target(%dma_start3A_547 : memref<10240x128xf32, #tpu.memory_space<vmem_shared>>) offsets(%dma_start3A_544 : memref<80xi32, #tpu.memory_space<vmem>>) semaphore(%run_scoped3A_537 : memref<!tpu.dma_semaphore, #tpu.memory_space<semaphore_mem>>) {add = true}
      %dma_wait3A_548 = arith.constant 0 : i32
      %dma_wait3A_549 = arith.constant 0 : i32
      %dma_wait3A_550 = tpu.memref_slice %arg9[%run_scoped3A_204, %dma_wait3A_548, %dma_wait3A_549] : memref<3x80x128xf32, #tpu.memory_space<vmem>> -> memref<1x80x128xf32, #tpu.memory_space<vmem>>
      %dma_wait3A_551 = tpu.memref_squeeze %dma_wait3A_550 : memref<1x80x128xf32, #tpu.memory_space<vmem>> -> memref<80x128xf32, #tpu.memory_space<vmem>>
      %dma_wait3A_552 = arith.constant 0 : i32
      %dma_wait3A_553 = tpu.memref_slice %arg8[%run_scoped3A_205, %dma_wait3A_552] : memref<125x80xi32, #tpu.memory_space<vmem>> -> memref<1x80xi32, #tpu.memory_space<vmem>>
      %dma_wait3A_554 = tpu.memref_squeeze %dma_wait3A_553 : memref<1x80xi32, #tpu.memory_space<vmem>> -> memref<80xi32, #tpu.memory_space<vmem>>
      %dma_wait3A_555 = arith.constant 0 : i32
      %dma_wait3A_556 = arith.constant 0 : i32
      %dma_wait3A_557 = tpu.memref_slice %arg10[%dma_wait3A_555, %dma_wait3A_556] : memref<10240x128xf32, #tpu.memory_space<vmem_shared>> -> memref<10240x128xf32, #tpu.memory_space<vmem_shared>>
      tpu.wait_indirect_dma semaphore(%run_scoped3A_537 : memref<!tpu.dma_semaphore, #tpu.memory_space<semaphore_mem>>) src(%dma_wait3A_551 : memref<80x128xf32, #tpu.memory_space<vmem>>) dst(%dma_wait3A_557 : memref<10240x128xf32, #tpu.memory_space<vmem_shared>>)
      tpu.yield
    }) : () -> ()
    %mul3A_206 = arith.constant 10000 : i32
    %mul3A_207 = arith.muli %add3A, %mul3A_206 : i32
    %add3A_208 = arith.constant 9440 : i32
    %add3A_209 = arith.addi %mul3A_207, %add3A_208 : i32
    %dma_wait3A_210 = arith.constant 4 : i32
    %dma_wait3A_211 = arith.constant 0 : i32
    %dma_wait3A_212 = tpu.memref_slice %arg7[%dma_wait3A_210, %dma_wait3A_211] : memref<6x80xi32, #tpu.memory_space<vmem>> -> memref<1x80xi32, #tpu.memory_space<vmem>>
    %dma_wait3A_213 = tpu.memref_squeeze %dma_wait3A_212 : memref<1x80xi32, #tpu.memory_space<vmem>> -> memref<80xi32, #tpu.memory_space<vmem>>
    %dma_wait3A_214 = tpu.memref_slice %arg3[%add3A_209] : memref<320000xi32, #tpu.memory_space<hbm>> -> memref<80xi32, #tpu.memory_space<hbm>>
    %dma_wait3A_215 = arith.constant 0 : i32
    %dma_wait3A_216 = tpu.memref_slice %arg7[%dma_wait3A_210, %dma_wait3A_215] : memref<6x80xi32, #tpu.memory_space<vmem>> -> memref<1x80xi32, #tpu.memory_space<vmem>>
    %dma_wait3A_217 = tpu.memref_squeeze %dma_wait3A_216 : memref<1x80xi32, #tpu.memory_space<vmem>> -> memref<80xi32, #tpu.memory_space<vmem>>
    %dma_wait3A_218 = tpu.memref_slice %arg3[%add3A_209] : memref<320000xi32, #tpu.memory_space<hbm>> -> memref<80xi32, #tpu.memory_space<hbm>>
    tpu.wait_dma2 semaphore(%arg18 : memref<!tpu.dma_semaphore, #tpu.memory_space<semaphore_mem>>) src(%dma_wait3A_218 : memref<80xi32, #tpu.memory_space<hbm>>) dst(%dma_wait3A_217 : memref<80xi32, #tpu.memory_space<vmem>>)
    %dma_start3A_219 = arith.constant 4 : i32
    %dma_start3A_220 = arith.constant 1 : i32
    %dma_start3A_221 = arith.constant 0 : i32
    %dma_start3A_222 = arith.constant 0 : i32
    %dma_start3A_223 = tpu.memref_slice %arg9[%dma_start3A_220, %dma_start3A_221, %dma_start3A_222] : memref<3x80x128xf32, #tpu.memory_space<vmem>> -> memref<1x80x128xf32, #tpu.memory_space<vmem>>
    %dma_start3A_224 = tpu.memref_squeeze %dma_start3A_223 : memref<1x80x128xf32, #tpu.memory_space<vmem>> -> memref<80x128xf32, #tpu.memory_space<vmem>>
    %dma_start3A_225 = arith.constant 0 : i32
    %dma_start3A_226 = tpu.memref_slice %arg7[%dma_start3A_219, %dma_start3A_225] : memref<6x80xi32, #tpu.memory_space<vmem>> -> memref<1x80xi32, #tpu.memory_space<vmem>>
    %dma_start3A_227 = tpu.memref_squeeze %dma_start3A_226 : memref<1x80xi32, #tpu.memory_space<vmem>> -> memref<80xi32, #tpu.memory_space<vmem>>
    %dma_start3A_228 = arith.constant 0 : i32
    %dma_start3A_229 = arith.constant 0 : i32
    %dma_start3A_230 = tpu.memref_slice %arg2[%dma_start3A_228, %dma_start3A_229] : memref<10000x128xf32, #tpu.memory_space<hbm>> -> memref<10000x128xf32, #tpu.memory_space<hbm>>
    tpu.enqueue_indirect_dma source(%dma_start3A_230 : memref<10000x128xf32, #tpu.memory_space<hbm>>) target(%dma_start3A_224 : memref<80x128xf32, #tpu.memory_space<vmem>>) offsets(%dma_start3A_227 : memref<80xi32, #tpu.memory_space<vmem>>) semaphore(%arg12 : memref<!tpu.dma_semaphore, #tpu.memory_space<semaphore_mem>>)
    %mul3A_231 = arith.constant 10000 : i32
    %mul3A_232 = arith.muli %add3A, %mul3A_231 : i32
    %add3A_233 = arith.constant 9760 : i32
    %add3A_234 = arith.addi %mul3A_232, %add3A_233 : i32
    %dma_start3A_235 = arith.constant 2 : i32
    %dma_start3A_236 = arith.constant 0 : i32
    %dma_start3A_237 = tpu.memref_slice %arg7[%dma_start3A_235, %dma_start3A_236] : memref<6x80xi32, #tpu.memory_space<vmem>> -> memref<1x80xi32, #tpu.memory_space<vmem>>
    %dma_start3A_238 = tpu.memref_squeeze %dma_start3A_237 : memref<1x80xi32, #tpu.memory_space<vmem>> -> memref<80xi32, #tpu.memory_space<vmem>>
    %dma_start3A_239 = tpu.memref_slice %arg3[%add3A_234] : memref<320000xi32, #tpu.memory_space<hbm>> -> memref<80xi32, #tpu.memory_space<hbm>>
    %dma_start3A_240 = arith.constant 0 : i32
    %dma_start3A_241 = tpu.memref_slice %arg7[%dma_start3A_235, %dma_start3A_240] : memref<6x80xi32, #tpu.memory_space<vmem>> -> memref<1x80xi32, #tpu.memory_space<vmem>>
    %dma_start3A_242 = tpu.memref_squeeze %dma_start3A_241 : memref<1x80xi32, #tpu.memory_space<vmem>> -> memref<80xi32, #tpu.memory_space<vmem>>
    %dma_start3A_243 = tpu.memref_slice %arg3[%add3A_234] : memref<320000xi32, #tpu.memory_space<hbm>> -> memref<80xi32, #tpu.memory_space<hbm>>
    tpu.enqueue_dma source(%dma_start3A_243 : memref<80xi32, #tpu.memory_space<hbm>>) target(%dma_start3A_242 : memref<80xi32, #tpu.memory_space<vmem>>) target_semaphore(%arg16 : memref<!tpu.dma_semaphore, #tpu.memory_space<semaphore_mem>>)
    %dma_wait3A_244 = arith.constant 3 : i32
    %dma_wait3A_245 = arith.constant 0 : i32
    %dma_wait3A_246 = arith.constant 0 : i32
    %dma_wait3A_247 = arith.constant 0 : i32
    %dma_wait3A_248 = tpu.memref_slice %arg9[%dma_wait3A_245, %dma_wait3A_246, %dma_wait3A_247] : memref<3x80x128xf32, #tpu.memory_space<vmem>> -> memref<1x80x128xf32, #tpu.memory_space<vmem>>
    %dma_wait3A_249 = tpu.memref_squeeze %dma_wait3A_248 : memref<1x80x128xf32, #tpu.memory_space<vmem>> -> memref<80x128xf32, #tpu.memory_space<vmem>>
    %dma_wait3A_250 = arith.constant 0 : i32
    %dma_wait3A_251 = tpu.memref_slice %arg7[%dma_wait3A_244, %dma_wait3A_250] : memref<6x80xi32, #tpu.memory_space<vmem>> -> memref<1x80xi32, #tpu.memory_space<vmem>>
    %dma_wait3A_252 = tpu.memref_squeeze %dma_wait3A_251 : memref<1x80xi32, #tpu.memory_space<vmem>> -> memref<80xi32, #tpu.memory_space<vmem>>
    %dma_wait3A_253 = arith.constant 0 : i32
    %dma_wait3A_254 = arith.constant 0 : i32
    %dma_wait3A_255 = tpu.memref_slice %arg2[%dma_wait3A_253, %dma_wait3A_254] : memref<10000x128xf32, #tpu.memory_space<hbm>> -> memref<10000x128xf32, #tpu.memory_space<hbm>>
    tpu.wait_indirect_dma semaphore(%arg11 : memref<!tpu.dma_semaphore, #tpu.memory_space<semaphore_mem>>) src(%dma_wait3A_255 : memref<10000x128xf32, #tpu.memory_space<hbm>>) dst(%dma_wait3A_249 : memref<80x128xf32, #tpu.memory_space<vmem>>)
    %run_scoped3A_256 = arith.constant 0 : i32
    %run_scoped3A_257 = arith.constant 117 : i32
    "tpu.region"() ({
      %run_scoped3A_537 = tpu.sem_alloc : memref<!tpu.dma_semaphore, #tpu.memory_space<semaphore_mem>>
      %dma_start3A_538 = arith.constant 0 : i32
      %dma_start3A_539 = arith.constant 0 : i32
      %dma_start3A_540 = tpu.memref_slice %arg9[%run_scoped3A_256, %dma_start3A_538, %dma_start3A_539] : memref<3x80x128xf32, #tpu.memory_space<vmem>> -> memref<1x80x128xf32, #tpu.memory_space<vmem>>
      %dma_start3A_541 = tpu.memref_squeeze %dma_start3A_540 : memref<1x80x128xf32, #tpu.memory_space<vmem>> -> memref<80x128xf32, #tpu.memory_space<vmem>>
      %dma_start3A_542 = arith.constant 0 : i32
      %dma_start3A_543 = tpu.memref_slice %arg8[%run_scoped3A_257, %dma_start3A_542] : memref<125x80xi32, #tpu.memory_space<vmem>> -> memref<1x80xi32, #tpu.memory_space<vmem>>
      %dma_start3A_544 = tpu.memref_squeeze %dma_start3A_543 : memref<1x80xi32, #tpu.memory_space<vmem>> -> memref<80xi32, #tpu.memory_space<vmem>>
      %dma_start3A_545 = arith.constant 0 : i32
      %dma_start3A_546 = arith.constant 0 : i32
      %dma_start3A_547 = tpu.memref_slice %arg10[%dma_start3A_545, %dma_start3A_546] : memref<10240x128xf32, #tpu.memory_space<vmem_shared>> -> memref<10240x128xf32, #tpu.memory_space<vmem_shared>>
      tpu.enqueue_indirect_dma source(%dma_start3A_541 : memref<80x128xf32, #tpu.memory_space<vmem>>) target(%dma_start3A_547 : memref<10240x128xf32, #tpu.memory_space<vmem_shared>>) offsets(%dma_start3A_544 : memref<80xi32, #tpu.memory_space<vmem>>) semaphore(%run_scoped3A_537 : memref<!tpu.dma_semaphore, #tpu.memory_space<semaphore_mem>>) {add = true}
      %dma_wait3A_548 = arith.constant 0 : i32
      %dma_wait3A_549 = arith.constant 0 : i32
      %dma_wait3A_550 = tpu.memref_slice %arg9[%run_scoped3A_256, %dma_wait3A_548, %dma_wait3A_549] : memref<3x80x128xf32, #tpu.memory_space<vmem>> -> memref<1x80x128xf32, #tpu.memory_space<vmem>>
      %dma_wait3A_551 = tpu.memref_squeeze %dma_wait3A_550 : memref<1x80x128xf32, #tpu.memory_space<vmem>> -> memref<80x128xf32, #tpu.memory_space<vmem>>
      %dma_wait3A_552 = arith.constant 0 : i32
      %dma_wait3A_553 = tpu.memref_slice %arg8[%run_scoped3A_257, %dma_wait3A_552] : memref<125x80xi32, #tpu.memory_space<vmem>> -> memref<1x80xi32, #tpu.memory_space<vmem>>
      %dma_wait3A_554 = tpu.memref_squeeze %dma_wait3A_553 : memref<1x80xi32, #tpu.memory_space<vmem>> -> memref<80xi32, #tpu.memory_space<vmem>>
      %dma_wait3A_555 = arith.constant 0 : i32
      %dma_wait3A_556 = arith.constant 0 : i32
      %dma_wait3A_557 = tpu.memref_slice %arg10[%dma_wait3A_555, %dma_wait3A_556] : memref<10240x128xf32, #tpu.memory_space<vmem_shared>> -> memref<10240x128xf32, #tpu.memory_space<vmem_shared>>
      tpu.wait_indirect_dma semaphore(%run_scoped3A_537 : memref<!tpu.dma_semaphore, #tpu.memory_space<semaphore_mem>>) src(%dma_wait3A_551 : memref<80x128xf32, #tpu.memory_space<vmem>>) dst(%dma_wait3A_557 : memref<10240x128xf32, #tpu.memory_space<vmem_shared>>)
      tpu.yield
    }) : () -> ()
    %mul3A_258 = arith.constant 10000 : i32
    %mul3A_259 = arith.muli %add3A, %mul3A_258 : i32
    %add3A_260 = arith.constant 9520 : i32
    %add3A_261 = arith.addi %mul3A_259, %add3A_260 : i32
    %dma_wait3A_262 = arith.constant 5 : i32
    %dma_wait3A_263 = arith.constant 0 : i32
    %dma_wait3A_264 = tpu.memref_slice %arg7[%dma_wait3A_262, %dma_wait3A_263] : memref<6x80xi32, #tpu.memory_space<vmem>> -> memref<1x80xi32, #tpu.memory_space<vmem>>
    %dma_wait3A_265 = tpu.memref_squeeze %dma_wait3A_264 : memref<1x80xi32, #tpu.memory_space<vmem>> -> memref<80xi32, #tpu.memory_space<vmem>>
    %dma_wait3A_266 = tpu.memref_slice %arg3[%add3A_261] : memref<320000xi32, #tpu.memory_space<hbm>> -> memref<80xi32, #tpu.memory_space<hbm>>
    %dma_wait3A_267 = arith.constant 0 : i32
    %dma_wait3A_268 = tpu.memref_slice %arg7[%dma_wait3A_262, %dma_wait3A_267] : memref<6x80xi32, #tpu.memory_space<vmem>> -> memref<1x80xi32, #tpu.memory_space<vmem>>
    %dma_wait3A_269 = tpu.memref_squeeze %dma_wait3A_268 : memref<1x80xi32, #tpu.memory_space<vmem>> -> memref<80xi32, #tpu.memory_space<vmem>>
    %dma_wait3A_270 = tpu.memref_slice %arg3[%add3A_261] : memref<320000xi32, #tpu.memory_space<hbm>> -> memref<80xi32, #tpu.memory_space<hbm>>
    tpu.wait_dma2 semaphore(%arg19 : memref<!tpu.dma_semaphore, #tpu.memory_space<semaphore_mem>>) src(%dma_wait3A_270 : memref<80xi32, #tpu.memory_space<hbm>>) dst(%dma_wait3A_269 : memref<80xi32, #tpu.memory_space<vmem>>)
    %dma_start3A_271 = arith.constant 5 : i32
    %dma_start3A_272 = arith.constant 2 : i32
    %dma_start3A_273 = arith.constant 0 : i32
    %dma_start3A_274 = arith.constant 0 : i32
    %dma_start3A_275 = tpu.memref_slice %arg9[%dma_start3A_272, %dma_start3A_273, %dma_start3A_274] : memref<3x80x128xf32, #tpu.memory_space<vmem>> -> memref<1x80x128xf32, #tpu.memory_space<vmem>>
    %dma_start3A_276 = tpu.memref_squeeze %dma_start3A_275 : memref<1x80x128xf32, #tpu.memory_space<vmem>> -> memref<80x128xf32, #tpu.memory_space<vmem>>
    %dma_start3A_277 = arith.constant 0 : i32
    %dma_start3A_278 = tpu.memref_slice %arg7[%dma_start3A_271, %dma_start3A_277] : memref<6x80xi32, #tpu.memory_space<vmem>> -> memref<1x80xi32, #tpu.memory_space<vmem>>
    %dma_start3A_279 = tpu.memref_squeeze %dma_start3A_278 : memref<1x80xi32, #tpu.memory_space<vmem>> -> memref<80xi32, #tpu.memory_space<vmem>>
    %dma_start3A_280 = arith.constant 0 : i32
    %dma_start3A_281 = arith.constant 0 : i32
    %dma_start3A_282 = tpu.memref_slice %arg2[%dma_start3A_280, %dma_start3A_281] : memref<10000x128xf32, #tpu.memory_space<hbm>> -> memref<10000x128xf32, #tpu.memory_space<hbm>>
    tpu.enqueue_indirect_dma source(%dma_start3A_282 : memref<10000x128xf32, #tpu.memory_space<hbm>>) target(%dma_start3A_276 : memref<80x128xf32, #tpu.memory_space<vmem>>) offsets(%dma_start3A_279 : memref<80xi32, #tpu.memory_space<vmem>>) semaphore(%arg13 : memref<!tpu.dma_semaphore, #tpu.memory_space<semaphore_mem>>)
    %mul3A_283 = arith.constant 10000 : i32
    %mul3A_284 = arith.muli %add3A, %mul3A_283 : i32
    %add3A_285 = arith.constant 9840 : i32
    %add3A_286 = arith.addi %mul3A_284, %add3A_285 : i32
    %dma_start3A_287 = arith.constant 3 : i32
    %dma_start3A_288 = arith.constant 0 : i32
    %dma_start3A_289 = tpu.memref_slice %arg7[%dma_start3A_287, %dma_start3A_288] : memref<6x80xi32, #tpu.memory_space<vmem>> -> memref<1x80xi32, #tpu.memory_space<vmem>>
    %dma_start3A_290 = tpu.memref_squeeze %dma_start3A_289 : memref<1x80xi32, #tpu.memory_space<vmem>> -> memref<80xi32, #tpu.memory_space<vmem>>
    %dma_start3A_291 = tpu.memref_slice %arg3[%add3A_286] : memref<320000xi32, #tpu.memory_space<hbm>> -> memref<80xi32, #tpu.memory_space<hbm>>
    %dma_start3A_292 = arith.constant 0 : i32
    %dma_start3A_293 = tpu.memref_slice %arg7[%dma_start3A_287, %dma_start3A_292] : memref<6x80xi32, #tpu.memory_space<vmem>> -> memref<1x80xi32, #tpu.memory_space<vmem>>
    %dma_start3A_294 = tpu.memref_squeeze %dma_start3A_293 : memref<1x80xi32, #tpu.memory_space<vmem>> -> memref<80xi32, #tpu.memory_space<vmem>>
    %dma_start3A_295 = tpu.memref_slice %arg3[%add3A_286] : memref<320000xi32, #tpu.memory_space<hbm>> -> memref<80xi32, #tpu.memory_space<hbm>>
    tpu.enqueue_dma source(%dma_start3A_295 : memref<80xi32, #tpu.memory_space<hbm>>) target(%dma_start3A_294 : memref<80xi32, #tpu.memory_space<vmem>>) target_semaphore(%arg17 : memref<!tpu.dma_semaphore, #tpu.memory_space<semaphore_mem>>)
    %dma_wait3A_296 = arith.constant 4 : i32
    %dma_wait3A_297 = arith.constant 1 : i32
    %dma_wait3A_298 = arith.constant 0 : i32
    %dma_wait3A_299 = arith.constant 0 : i32
    %dma_wait3A_300 = tpu.memref_slice %arg9[%dma_wait3A_297, %dma_wait3A_298, %dma_wait3A_299] : memref<3x80x128xf32, #tpu.memory_space<vmem>> -> memref<1x80x128xf32, #tpu.memory_space<vmem>>
    %dma_wait3A_301 = tpu.memref_squeeze %dma_wait3A_300 : memref<1x80x128xf32, #tpu.memory_space<vmem>> -> memref<80x128xf32, #tpu.memory_space<vmem>>
    %dma_wait3A_302 = arith.constant 0 : i32
    %dma_wait3A_303 = tpu.memref_slice %arg7[%dma_wait3A_296, %dma_wait3A_302] : memref<6x80xi32, #tpu.memory_space<vmem>> -> memref<1x80xi32, #tpu.memory_space<vmem>>
    %dma_wait3A_304 = tpu.memref_squeeze %dma_wait3A_303 : memref<1x80xi32, #tpu.memory_space<vmem>> -> memref<80xi32, #tpu.memory_space<vmem>>
    %dma_wait3A_305 = arith.constant 0 : i32
    %dma_wait3A_306 = arith.constant 0 : i32
    %dma_wait3A_307 = tpu.memref_slice %arg2[%dma_wait3A_305, %dma_wait3A_306] : memref<10000x128xf32, #tpu.memory_space<hbm>> -> memref<10000x128xf32, #tpu.memory_space<hbm>>
    tpu.wait_indirect_dma semaphore(%arg12 : memref<!tpu.dma_semaphore, #tpu.memory_space<semaphore_mem>>) src(%dma_wait3A_307 : memref<10000x128xf32, #tpu.memory_space<hbm>>) dst(%dma_wait3A_301 : memref<80x128xf32, #tpu.memory_space<vmem>>)
    %run_scoped3A_308 = arith.constant 1 : i32
    %run_scoped3A_309 = arith.constant 118 : i32
    "tpu.region"() ({
      %run_scoped3A_537 = tpu.sem_alloc : memref<!tpu.dma_semaphore, #tpu.memory_space<semaphore_mem>>
      %dma_start3A_538 = arith.constant 0 : i32
      %dma_start3A_539 = arith.constant 0 : i32
      %dma_start3A_540 = tpu.memref_slice %arg9[%run_scoped3A_308, %dma_start3A_538, %dma_start3A_539] : memref<3x80x128xf32, #tpu.memory_space<vmem>> -> memref<1x80x128xf32, #tpu.memory_space<vmem>>
      %dma_start3A_541 = tpu.memref_squeeze %dma_start3A_540 : memref<1x80x128xf32, #tpu.memory_space<vmem>> -> memref<80x128xf32, #tpu.memory_space<vmem>>
      %dma_start3A_542 = arith.constant 0 : i32
      %dma_start3A_543 = tpu.memref_slice %arg8[%run_scoped3A_309, %dma_start3A_542] : memref<125x80xi32, #tpu.memory_space<vmem>> -> memref<1x80xi32, #tpu.memory_space<vmem>>
      %dma_start3A_544 = tpu.memref_squeeze %dma_start3A_543 : memref<1x80xi32, #tpu.memory_space<vmem>> -> memref<80xi32, #tpu.memory_space<vmem>>
      %dma_start3A_545 = arith.constant 0 : i32
      %dma_start3A_546 = arith.constant 0 : i32
      %dma_start3A_547 = tpu.memref_slice %arg10[%dma_start3A_545, %dma_start3A_546] : memref<10240x128xf32, #tpu.memory_space<vmem_shared>> -> memref<10240x128xf32, #tpu.memory_space<vmem_shared>>
      tpu.enqueue_indirect_dma source(%dma_start3A_541 : memref<80x128xf32, #tpu.memory_space<vmem>>) target(%dma_start3A_547 : memref<10240x128xf32, #tpu.memory_space<vmem_shared>>) offsets(%dma_start3A_544 : memref<80xi32, #tpu.memory_space<vmem>>) semaphore(%run_scoped3A_537 : memref<!tpu.dma_semaphore, #tpu.memory_space<semaphore_mem>>) {add = true}
      %dma_wait3A_548 = arith.constant 0 : i32
      %dma_wait3A_549 = arith.constant 0 : i32
      %dma_wait3A_550 = tpu.memref_slice %arg9[%run_scoped3A_308, %dma_wait3A_548, %dma_wait3A_549] : memref<3x80x128xf32, #tpu.memory_space<vmem>> -> memref<1x80x128xf32, #tpu.memory_space<vmem>>
      %dma_wait3A_551 = tpu.memref_squeeze %dma_wait3A_550 : memref<1x80x128xf32, #tpu.memory_space<vmem>> -> memref<80x128xf32, #tpu.memory_space<vmem>>
      %dma_wait3A_552 = arith.constant 0 : i32
      %dma_wait3A_553 = tpu.memref_slice %arg8[%run_scoped3A_309, %dma_wait3A_552] : memref<125x80xi32, #tpu.memory_space<vmem>> -> memref<1x80xi32, #tpu.memory_space<vmem>>
      %dma_wait3A_554 = tpu.memref_squeeze %dma_wait3A_553 : memref<1x80xi32, #tpu.memory_space<vmem>> -> memref<80xi32, #tpu.memory_space<vmem>>
      %dma_wait3A_555 = arith.constant 0 : i32
      %dma_wait3A_556 = arith.constant 0 : i32
      %dma_wait3A_557 = tpu.memref_slice %arg10[%dma_wait3A_555, %dma_wait3A_556] : memref<10240x128xf32, #tpu.memory_space<vmem_shared>> -> memref<10240x128xf32, #tpu.memory_space<vmem_shared>>
      tpu.wait_indirect_dma semaphore(%run_scoped3A_537 : memref<!tpu.dma_semaphore, #tpu.memory_space<semaphore_mem>>) src(%dma_wait3A_551 : memref<80x128xf32, #tpu.memory_space<vmem>>) dst(%dma_wait3A_557 : memref<10240x128xf32, #tpu.memory_space<vmem_shared>>)
      tpu.yield
    }) : () -> ()
    %mul3A_310 = arith.constant 10000 : i32
    %mul3A_311 = arith.muli %add3A, %mul3A_310 : i32
    %add3A_312 = arith.constant 9600 : i32
    %add3A_313 = arith.addi %mul3A_311, %add3A_312 : i32
    %dma_wait3A_314 = arith.constant 0 : i32
    %dma_wait3A_315 = arith.constant 0 : i32
    %dma_wait3A_316 = tpu.memref_slice %arg7[%dma_wait3A_314, %dma_wait3A_315] : memref<6x80xi32, #tpu.memory_space<vmem>> -> memref<1x80xi32, #tpu.memory_space<vmem>>
    %dma_wait3A_317 = tpu.memref_squeeze %dma_wait3A_316 : memref<1x80xi32, #tpu.memory_space<vmem>> -> memref<80xi32, #tpu.memory_space<vmem>>
    %dma_wait3A_318 = tpu.memref_slice %arg3[%add3A_313] : memref<320000xi32, #tpu.memory_space<hbm>> -> memref<80xi32, #tpu.memory_space<hbm>>
    %dma_wait3A_319 = arith.constant 0 : i32
    %dma_wait3A_320 = tpu.memref_slice %arg7[%dma_wait3A_314, %dma_wait3A_319] : memref<6x80xi32, #tpu.memory_space<vmem>> -> memref<1x80xi32, #tpu.memory_space<vmem>>
    %dma_wait3A_321 = tpu.memref_squeeze %dma_wait3A_320 : memref<1x80xi32, #tpu.memory_space<vmem>> -> memref<80xi32, #tpu.memory_space<vmem>>
    %dma_wait3A_322 = tpu.memref_slice %arg3[%add3A_313] : memref<320000xi32, #tpu.memory_space<hbm>> -> memref<80xi32, #tpu.memory_space<hbm>>
    tpu.wait_dma2 semaphore(%arg14 : memref<!tpu.dma_semaphore, #tpu.memory_space<semaphore_mem>>) src(%dma_wait3A_322 : memref<80xi32, #tpu.memory_space<hbm>>) dst(%dma_wait3A_321 : memref<80xi32, #tpu.memory_space<vmem>>)
    %dma_start3A_323 = arith.constant 0 : i32
    %dma_start3A_324 = arith.constant 0 : i32
    %dma_start3A_325 = arith.constant 0 : i32
    %dma_start3A_326 = arith.constant 0 : i32
    %dma_start3A_327 = tpu.memref_slice %arg9[%dma_start3A_324, %dma_start3A_325, %dma_start3A_326] : memref<3x80x128xf32, #tpu.memory_space<vmem>> -> memref<1x80x128xf32, #tpu.memory_space<vmem>>
    %dma_start3A_328 = tpu.memref_squeeze %dma_start3A_327 : memref<1x80x128xf32, #tpu.memory_space<vmem>> -> memref<80x128xf32, #tpu.memory_space<vmem>>
    %dma_start3A_329 = arith.constant 0 : i32
    %dma_start3A_330 = tpu.memref_slice %arg7[%dma_start3A_323, %dma_start3A_329] : memref<6x80xi32, #tpu.memory_space<vmem>> -> memref<1x80xi32, #tpu.memory_space<vmem>>
    %dma_start3A_331 = tpu.memref_squeeze %dma_start3A_330 : memref<1x80xi32, #tpu.memory_space<vmem>> -> memref<80xi32, #tpu.memory_space<vmem>>
    %dma_start3A_332 = arith.constant 0 : i32
    %dma_start3A_333 = arith.constant 0 : i32
    %dma_start3A_334 = tpu.memref_slice %arg2[%dma_start3A_332, %dma_start3A_333] : memref<10000x128xf32, #tpu.memory_space<hbm>> -> memref<10000x128xf32, #tpu.memory_space<hbm>>
    tpu.enqueue_indirect_dma source(%dma_start3A_334 : memref<10000x128xf32, #tpu.memory_space<hbm>>) target(%dma_start3A_328 : memref<80x128xf32, #tpu.memory_space<vmem>>) offsets(%dma_start3A_331 : memref<80xi32, #tpu.memory_space<vmem>>) semaphore(%arg11 : memref<!tpu.dma_semaphore, #tpu.memory_space<semaphore_mem>>)
    %mul3A_335 = arith.constant 10000 : i32
    %mul3A_336 = arith.muli %add3A, %mul3A_335 : i32
    %add3A_337 = arith.constant 9920 : i32
    %add3A_338 = arith.addi %mul3A_336, %add3A_337 : i32
    %dma_start3A_339 = arith.constant 4 : i32
    %dma_start3A_340 = arith.constant 0 : i32
    %dma_start3A_341 = tpu.memref_slice %arg7[%dma_start3A_339, %dma_start3A_340] : memref<6x80xi32, #tpu.memory_space<vmem>> -> memref<1x80xi32, #tpu.memory_space<vmem>>
    %dma_start3A_342 = tpu.memref_squeeze %dma_start3A_341 : memref<1x80xi32, #tpu.memory_space<vmem>> -> memref<80xi32, #tpu.memory_space<vmem>>
    %dma_start3A_343 = tpu.memref_slice %arg3[%add3A_338] : memref<320000xi32, #tpu.memory_space<hbm>> -> memref<80xi32, #tpu.memory_space<hbm>>
    %dma_start3A_344 = arith.constant 0 : i32
    %dma_start3A_345 = tpu.memref_slice %arg7[%dma_start3A_339, %dma_start3A_344] : memref<6x80xi32, #tpu.memory_space<vmem>> -> memref<1x80xi32, #tpu.memory_space<vmem>>
    %dma_start3A_346 = tpu.memref_squeeze %dma_start3A_345 : memref<1x80xi32, #tpu.memory_space<vmem>> -> memref<80xi32, #tpu.memory_space<vmem>>
    %dma_start3A_347 = tpu.memref_slice %arg3[%add3A_338] : memref<320000xi32, #tpu.memory_space<hbm>> -> memref<80xi32, #tpu.memory_space<hbm>>
    tpu.enqueue_dma source(%dma_start3A_347 : memref<80xi32, #tpu.memory_space<hbm>>) target(%dma_start3A_346 : memref<80xi32, #tpu.memory_space<vmem>>) target_semaphore(%arg18 : memref<!tpu.dma_semaphore, #tpu.memory_space<semaphore_mem>>)
    %dma_wait3A_348 = arith.constant 5 : i32
    %dma_wait3A_349 = arith.constant 2 : i32
    %dma_wait3A_350 = arith.constant 0 : i32
    %dma_wait3A_351 = arith.constant 0 : i32
    %dma_wait3A_352 = tpu.memref_slice %arg9[%dma_wait3A_349, %dma_wait3A_350, %dma_wait3A_351] : memref<3x80x128xf32, #tpu.memory_space<vmem>> -> memref<1x80x128xf32, #tpu.memory_space<vmem>>
    %dma_wait3A_353 = tpu.memref_squeeze %dma_wait3A_352 : memref<1x80x128xf32, #tpu.memory_space<vmem>> -> memref<80x128xf32, #tpu.memory_space<vmem>>
    %dma_wait3A_354 = arith.constant 0 : i32
    %dma_wait3A_355 = tpu.memref_slice %arg7[%dma_wait3A_348, %dma_wait3A_354] : memref<6x80xi32, #tpu.memory_space<vmem>> -> memref<1x80xi32, #tpu.memory_space<vmem>>
    %dma_wait3A_356 = tpu.memref_squeeze %dma_wait3A_355 : memref<1x80xi32, #tpu.memory_space<vmem>> -> memref<80xi32, #tpu.memory_space<vmem>>
    %dma_wait3A_357 = arith.constant 0 : i32
    %dma_wait3A_358 = arith.constant 0 : i32
    %dma_wait3A_359 = tpu.memref_slice %arg2[%dma_wait3A_357, %dma_wait3A_358] : memref<10000x128xf32, #tpu.memory_space<hbm>> -> memref<10000x128xf32, #tpu.memory_space<hbm>>
    tpu.wait_indirect_dma semaphore(%arg13 : memref<!tpu.dma_semaphore, #tpu.memory_space<semaphore_mem>>) src(%dma_wait3A_359 : memref<10000x128xf32, #tpu.memory_space<hbm>>) dst(%dma_wait3A_353 : memref<80x128xf32, #tpu.memory_space<vmem>>)
    %run_scoped3A_360 = arith.constant 2 : i32
    %run_scoped3A_361 = arith.constant 119 : i32
    "tpu.region"() ({
      %run_scoped3A_537 = tpu.sem_alloc : memref<!tpu.dma_semaphore, #tpu.memory_space<semaphore_mem>>
      %dma_start3A_538 = arith.constant 0 : i32
      %dma_start3A_539 = arith.constant 0 : i32
      %dma_start3A_540 = tpu.memref_slice %arg9[%run_scoped3A_360, %dma_start3A_538, %dma_start3A_539] : memref<3x80x128xf32, #tpu.memory_space<vmem>> -> memref<1x80x128xf32, #tpu.memory_space<vmem>>
      %dma_start3A_541 = tpu.memref_squeeze %dma_start3A_540 : memref<1x80x128xf32, #tpu.memory_space<vmem>> -> memref<80x128xf32, #tpu.memory_space<vmem>>
      %dma_start3A_542 = arith.constant 0 : i32
      %dma_start3A_543 = tpu.memref_slice %arg8[%run_scoped3A_361, %dma_start3A_542] : memref<125x80xi32, #tpu.memory_space<vmem>> -> memref<1x80xi32, #tpu.memory_space<vmem>>
      %dma_start3A_544 = tpu.memref_squeeze %dma_start3A_543 : memref<1x80xi32, #tpu.memory_space<vmem>> -> memref<80xi32, #tpu.memory_space<vmem>>
      %dma_start3A_545 = arith.constant 0 : i32
      %dma_start3A_546 = arith.constant 0 : i32
      %dma_start3A_547 = tpu.memref_slice %arg10[%dma_start3A_545, %dma_start3A_546] : memref<10240x128xf32, #tpu.memory_space<vmem_shared>> -> memref<10240x128xf32, #tpu.memory_space<vmem_shared>>
      tpu.enqueue_indirect_dma source(%dma_start3A_541 : memref<80x128xf32, #tpu.memory_space<vmem>>) target(%dma_start3A_547 : memref<10240x128xf32, #tpu.memory_space<vmem_shared>>) offsets(%dma_start3A_544 : memref<80xi32, #tpu.memory_space<vmem>>) semaphore(%run_scoped3A_537 : memref<!tpu.dma_semaphore, #tpu.memory_space<semaphore_mem>>) {add = true}
      %dma_wait3A_548 = arith.constant 0 : i32
      %dma_wait3A_549 = arith.constant 0 : i32
      %dma_wait3A_550 = tpu.memref_slice %arg9[%run_scoped3A_360, %dma_wait3A_548, %dma_wait3A_549] : memref<3x80x128xf32, #tpu.memory_space<vmem>> -> memref<1x80x128xf32, #tpu.memory_space<vmem>>
      %dma_wait3A_551 = tpu.memref_squeeze %dma_wait3A_550 : memref<1x80x128xf32, #tpu.memory_space<vmem>> -> memref<80x128xf32, #tpu.memory_space<vmem>>
      %dma_wait3A_552 = arith.constant 0 : i32
      %dma_wait3A_553 = tpu.memref_slice %arg8[%run_scoped3A_361, %dma_wait3A_552] : memref<125x80xi32, #tpu.memory_space<vmem>> -> memref<1x80xi32, #tpu.memory_space<vmem>>
      %dma_wait3A_554 = tpu.memref_squeeze %dma_wait3A_553 : memref<1x80xi32, #tpu.memory_space<vmem>> -> memref<80xi32, #tpu.memory_space<vmem>>
      %dma_wait3A_555 = arith.constant 0 : i32
      %dma_wait3A_556 = arith.constant 0 : i32
      %dma_wait3A_557 = tpu.memref_slice %arg10[%dma_wait3A_555, %dma_wait3A_556] : memref<10240x128xf32, #tpu.memory_space<vmem_shared>> -> memref<10240x128xf32, #tpu.memory_space<vmem_shared>>
      tpu.wait_indirect_dma semaphore(%run_scoped3A_537 : memref<!tpu.dma_semaphore, #tpu.memory_space<semaphore_mem>>) src(%dma_wait3A_551 : memref<80x128xf32, #tpu.memory_space<vmem>>) dst(%dma_wait3A_557 : memref<10240x128xf32, #tpu.memory_space<vmem_shared>>)
      tpu.yield
    }) : () -> ()
    %mul3A_362 = arith.constant 10000 : i32
    %mul3A_363 = arith.muli %add3A, %mul3A_362 : i32
    %add3A_364 = arith.constant 9680 : i32
    %add3A_365 = arith.addi %mul3A_363, %add3A_364 : i32
    %dma_wait3A_366 = arith.constant 1 : i32
    %dma_wait3A_367 = arith.constant 0 : i32
    %dma_wait3A_368 = tpu.memref_slice %arg7[%dma_wait3A_366, %dma_wait3A_367] : memref<6x80xi32, #tpu.memory_space<vmem>> -> memref<1x80xi32, #tpu.memory_space<vmem>>
    %dma_wait3A_369 = tpu.memref_squeeze %dma_wait3A_368 : memref<1x80xi32, #tpu.memory_space<vmem>> -> memref<80xi32, #tpu.memory_space<vmem>>
    %dma_wait3A_370 = tpu.memref_slice %arg3[%add3A_365] : memref<320000xi32, #tpu.memory_space<hbm>> -> memref<80xi32, #tpu.memory_space<hbm>>
    %dma_wait3A_371 = arith.constant 0 : i32
    %dma_wait3A_372 = tpu.memref_slice %arg7[%dma_wait3A_366, %dma_wait3A_371] : memref<6x80xi32, #tpu.memory_space<vmem>> -> memref<1x80xi32, #tpu.memory_space<vmem>>
    %dma_wait3A_373 = tpu.memref_squeeze %dma_wait3A_372 : memref<1x80xi32, #tpu.memory_space<vmem>> -> memref<80xi32, #tpu.memory_space<vmem>>
    %dma_wait3A_374 = tpu.memref_slice %arg3[%add3A_365] : memref<320000xi32, #tpu.memory_space<hbm>> -> memref<80xi32, #tpu.memory_space<hbm>>
    tpu.wait_dma2 semaphore(%arg15 : memref<!tpu.dma_semaphore, #tpu.memory_space<semaphore_mem>>) src(%dma_wait3A_374 : memref<80xi32, #tpu.memory_space<hbm>>) dst(%dma_wait3A_373 : memref<80xi32, #tpu.memory_space<vmem>>)
    %dma_start3A_375 = arith.constant 1 : i32
    %dma_start3A_376 = arith.constant 1 : i32
    %dma_start3A_377 = arith.constant 0 : i32
    %dma_start3A_378 = arith.constant 0 : i32
    %dma_start3A_379 = tpu.memref_slice %arg9[%dma_start3A_376, %dma_start3A_377, %dma_start3A_378] : memref<3x80x128xf32, #tpu.memory_space<vmem>> -> memref<1x80x128xf32, #tpu.memory_space<vmem>>
    %dma_start3A_380 = tpu.memref_squeeze %dma_start3A_379 : memref<1x80x128xf32, #tpu.memory_space<vmem>> -> memref<80x128xf32, #tpu.memory_space<vmem>>
    %dma_start3A_381 = arith.constant 0 : i32
    %dma_start3A_382 = tpu.memref_slice %arg7[%dma_start3A_375, %dma_start3A_381] : memref<6x80xi32, #tpu.memory_space<vmem>> -> memref<1x80xi32, #tpu.memory_space<vmem>>
    %dma_start3A_383 = tpu.memref_squeeze %dma_start3A_382 : memref<1x80xi32, #tpu.memory_space<vmem>> -> memref<80xi32, #tpu.memory_space<vmem>>
    %dma_start3A_384 = arith.constant 0 : i32
    %dma_start3A_385 = arith.constant 0 : i32
    %dma_start3A_386 = tpu.memref_slice %arg2[%dma_start3A_384, %dma_start3A_385] : memref<10000x128xf32, #tpu.memory_space<hbm>> -> memref<10000x128xf32, #tpu.memory_space<hbm>>
    tpu.enqueue_indirect_dma source(%dma_start3A_386 : memref<10000x128xf32, #tpu.memory_space<hbm>>) target(%dma_start3A_380 : memref<80x128xf32, #tpu.memory_space<vmem>>) offsets(%dma_start3A_383 : memref<80xi32, #tpu.memory_space<vmem>>) semaphore(%arg12 : memref<!tpu.dma_semaphore, #tpu.memory_space<semaphore_mem>>)
    %dma_wait3A_387 = arith.constant 0 : i32
    %dma_wait3A_388 = arith.constant 0 : i32
    %dma_wait3A_389 = arith.constant 0 : i32
    %dma_wait3A_390 = arith.constant 0 : i32
    %dma_wait3A_391 = tpu.memref_slice %arg9[%dma_wait3A_388, %dma_wait3A_389, %dma_wait3A_390] : memref<3x80x128xf32, #tpu.memory_space<vmem>> -> memref<1x80x128xf32, #tpu.memory_space<vmem>>
    %dma_wait3A_392 = tpu.memref_squeeze %dma_wait3A_391 : memref<1x80x128xf32, #tpu.memory_space<vmem>> -> memref<80x128xf32, #tpu.memory_space<vmem>>
    %dma_wait3A_393 = arith.constant 0 : i32
    %dma_wait3A_394 = tpu.memref_slice %arg7[%dma_wait3A_387, %dma_wait3A_393] : memref<6x80xi32, #tpu.memory_space<vmem>> -> memref<1x80xi32, #tpu.memory_space<vmem>>
    %dma_wait3A_395 = tpu.memref_squeeze %dma_wait3A_394 : memref<1x80xi32, #tpu.memory_space<vmem>> -> memref<80xi32, #tpu.memory_space<vmem>>
    %dma_wait3A_396 = arith.constant 0 : i32
    %dma_wait3A_397 = arith.constant 0 : i32
    %dma_wait3A_398 = tpu.memref_slice %arg2[%dma_wait3A_396, %dma_wait3A_397] : memref<10000x128xf32, #tpu.memory_space<hbm>> -> memref<10000x128xf32, #tpu.memory_space<hbm>>
    tpu.wait_indirect_dma semaphore(%arg11 : memref<!tpu.dma_semaphore, #tpu.memory_space<semaphore_mem>>) src(%dma_wait3A_398 : memref<10000x128xf32, #tpu.memory_space<hbm>>) dst(%dma_wait3A_392 : memref<80x128xf32, #tpu.memory_space<vmem>>)
    %run_scoped3A_399 = arith.constant 0 : i32
    %run_scoped3A_400 = arith.constant 120 : i32
    "tpu.region"() ({
      %run_scoped3A_537 = tpu.sem_alloc : memref<!tpu.dma_semaphore, #tpu.memory_space<semaphore_mem>>
      %dma_start3A_538 = arith.constant 0 : i32
      %dma_start3A_539 = arith.constant 0 : i32
      %dma_start3A_540 = tpu.memref_slice %arg9[%run_scoped3A_399, %dma_start3A_538, %dma_start3A_539] : memref<3x80x128xf32, #tpu.memory_space<vmem>> -> memref<1x80x128xf32, #tpu.memory_space<vmem>>
      %dma_start3A_541 = tpu.memref_squeeze %dma_start3A_540 : memref<1x80x128xf32, #tpu.memory_space<vmem>> -> memref<80x128xf32, #tpu.memory_space<vmem>>
      %dma_start3A_542 = arith.constant 0 : i32
      %dma_start3A_543 = tpu.memref_slice %arg8[%run_scoped3A_400, %dma_start3A_542] : memref<125x80xi32, #tpu.memory_space<vmem>> -> memref<1x80xi32, #tpu.memory_space<vmem>>
      %dma_start3A_544 = tpu.memref_squeeze %dma_start3A_543 : memref<1x80xi32, #tpu.memory_space<vmem>> -> memref<80xi32, #tpu.memory_space<vmem>>
      %dma_start3A_545 = arith.constant 0 : i32
      %dma_start3A_546 = arith.constant 0 : i32
      %dma_start3A_547 = tpu.memref_slice %arg10[%dma_start3A_545, %dma_start3A_546] : memref<10240x128xf32, #tpu.memory_space<vmem_shared>> -> memref<10240x128xf32, #tpu.memory_space<vmem_shared>>
      tpu.enqueue_indirect_dma source(%dma_start3A_541 : memref<80x128xf32, #tpu.memory_space<vmem>>) target(%dma_start3A_547 : memref<10240x128xf32, #tpu.memory_space<vmem_shared>>) offsets(%dma_start3A_544 : memref<80xi32, #tpu.memory_space<vmem>>) semaphore(%run_scoped3A_537 : memref<!tpu.dma_semaphore, #tpu.memory_space<semaphore_mem>>) {add = true}
      %dma_wait3A_548 = arith.constant 0 : i32
      %dma_wait3A_549 = arith.constant 0 : i32
      %dma_wait3A_550 = tpu.memref_slice %arg9[%run_scoped3A_399, %dma_wait3A_548, %dma_wait3A_549] : memref<3x80x128xf32, #tpu.memory_space<vmem>> -> memref<1x80x128xf32, #tpu.memory_space<vmem>>
      %dma_wait3A_551 = tpu.memref_squeeze %dma_wait3A_550 : memref<1x80x128xf32, #tpu.memory_space<vmem>> -> memref<80x128xf32, #tpu.memory_space<vmem>>
      %dma_wait3A_552 = arith.constant 0 : i32
      %dma_wait3A_553 = tpu.memref_slice %arg8[%run_scoped3A_400, %dma_wait3A_552] : memref<125x80xi32, #tpu.memory_space<vmem>> -> memref<1x80xi32, #tpu.memory_space<vmem>>
      %dma_wait3A_554 = tpu.memref_squeeze %dma_wait3A_553 : memref<1x80xi32, #tpu.memory_space<vmem>> -> memref<80xi32, #tpu.memory_space<vmem>>
      %dma_wait3A_555 = arith.constant 0 : i32
      %dma_wait3A_556 = arith.constant 0 : i32
      %dma_wait3A_557 = tpu.memref_slice %arg10[%dma_wait3A_555, %dma_wait3A_556] : memref<10240x128xf32, #tpu.memory_space<vmem_shared>> -> memref<10240x128xf32, #tpu.memory_space<vmem_shared>>
      tpu.wait_indirect_dma semaphore(%run_scoped3A_537 : memref<!tpu.dma_semaphore, #tpu.memory_space<semaphore_mem>>) src(%dma_wait3A_551 : memref<80x128xf32, #tpu.memory_space<vmem>>) dst(%dma_wait3A_557 : memref<10240x128xf32, #tpu.memory_space<vmem_shared>>)
      tpu.yield
    }) : () -> ()
    %mul3A_401 = arith.constant 10000 : i32
    %mul3A_402 = arith.muli %add3A, %mul3A_401 : i32
    %add3A_403 = arith.constant 9760 : i32
    %add3A_404 = arith.addi %mul3A_402, %add3A_403 : i32
    %dma_wait3A_405 = arith.constant 2 : i32
    %dma_wait3A_406 = arith.constant 0 : i32
    %dma_wait3A_407 = tpu.memref_slice %arg7[%dma_wait3A_405, %dma_wait3A_406] : memref<6x80xi32, #tpu.memory_space<vmem>> -> memref<1x80xi32, #tpu.memory_space<vmem>>
    %dma_wait3A_408 = tpu.memref_squeeze %dma_wait3A_407 : memref<1x80xi32, #tpu.memory_space<vmem>> -> memref<80xi32, #tpu.memory_space<vmem>>
    %dma_wait3A_409 = tpu.memref_slice %arg3[%add3A_404] : memref<320000xi32, #tpu.memory_space<hbm>> -> memref<80xi32, #tpu.memory_space<hbm>>
    %dma_wait3A_410 = arith.constant 0 : i32
    %dma_wait3A_411 = tpu.memref_slice %arg7[%dma_wait3A_405, %dma_wait3A_410] : memref<6x80xi32, #tpu.memory_space<vmem>> -> memref<1x80xi32, #tpu.memory_space<vmem>>
    %dma_wait3A_412 = tpu.memref_squeeze %dma_wait3A_411 : memref<1x80xi32, #tpu.memory_space<vmem>> -> memref<80xi32, #tpu.memory_space<vmem>>
    %dma_wait3A_413 = tpu.memref_slice %arg3[%add3A_404] : memref<320000xi32, #tpu.memory_space<hbm>> -> memref<80xi32, #tpu.memory_space<hbm>>
    tpu.wait_dma2 semaphore(%arg16 : memref<!tpu.dma_semaphore, #tpu.memory_space<semaphore_mem>>) src(%dma_wait3A_413 : memref<80xi32, #tpu.memory_space<hbm>>) dst(%dma_wait3A_412 : memref<80xi32, #tpu.memory_space<vmem>>)
    %dma_start3A_414 = arith.constant 2 : i32
    %dma_start3A_415 = arith.constant 2 : i32
    %dma_start3A_416 = arith.constant 0 : i32
    %dma_start3A_417 = arith.constant 0 : i32
    %dma_start3A_418 = tpu.memref_slice %arg9[%dma_start3A_415, %dma_start3A_416, %dma_start3A_417] : memref<3x80x128xf32, #tpu.memory_space<vmem>> -> memref<1x80x128xf32, #tpu.memory_space<vmem>>
    %dma_start3A_419 = tpu.memref_squeeze %dma_start3A_418 : memref<1x80x128xf32, #tpu.memory_space<vmem>> -> memref<80x128xf32, #tpu.memory_space<vmem>>
    %dma_start3A_420 = arith.constant 0 : i32
    %dma_start3A_421 = tpu.memref_slice %arg7[%dma_start3A_414, %dma_start3A_420] : memref<6x80xi32, #tpu.memory_space<vmem>> -> memref<1x80xi32, #tpu.memory_space<vmem>>
    %dma_start3A_422 = tpu.memref_squeeze %dma_start3A_421 : memref<1x80xi32, #tpu.memory_space<vmem>> -> memref<80xi32, #tpu.memory_space<vmem>>
    %dma_start3A_423 = arith.constant 0 : i32
    %dma_start3A_424 = arith.constant 0 : i32
    %dma_start3A_425 = tpu.memref_slice %arg2[%dma_start3A_423, %dma_start3A_424] : memref<10000x128xf32, #tpu.memory_space<hbm>> -> memref<10000x128xf32, #tpu.memory_space<hbm>>
    tpu.enqueue_indirect_dma source(%dma_start3A_425 : memref<10000x128xf32, #tpu.memory_space<hbm>>) target(%dma_start3A_419 : memref<80x128xf32, #tpu.memory_space<vmem>>) offsets(%dma_start3A_422 : memref<80xi32, #tpu.memory_space<vmem>>) semaphore(%arg13 : memref<!tpu.dma_semaphore, #tpu.memory_space<semaphore_mem>>)
    %dma_wait3A_426 = arith.constant 1 : i32
    %dma_wait3A_427 = arith.constant 1 : i32
    %dma_wait3A_428 = arith.constant 0 : i32
    %dma_wait3A_429 = arith.constant 0 : i32
    %dma_wait3A_430 = tpu.memref_slice %arg9[%dma_wait3A_427, %dma_wait3A_428, %dma_wait3A_429] : memref<3x80x128xf32, #tpu.memory_space<vmem>> -> memref<1x80x128xf32, #tpu.memory_space<vmem>>
    %dma_wait3A_431 = tpu.memref_squeeze %dma_wait3A_430 : memref<1x80x128xf32, #tpu.memory_space<vmem>> -> memref<80x128xf32, #tpu.memory_space<vmem>>
    %dma_wait3A_432 = arith.constant 0 : i32
    %dma_wait3A_433 = tpu.memref_slice %arg7[%dma_wait3A_426, %dma_wait3A_432] : memref<6x80xi32, #tpu.memory_space<vmem>> -> memref<1x80xi32, #tpu.memory_space<vmem>>
    %dma_wait3A_434 = tpu.memref_squeeze %dma_wait3A_433 : memref<1x80xi32, #tpu.memory_space<vmem>> -> memref<80xi32, #tpu.memory_space<vmem>>
    %dma_wait3A_435 = arith.constant 0 : i32
    %dma_wait3A_436 = arith.constant 0 : i32
    %dma_wait3A_437 = tpu.memref_slice %arg2[%dma_wait3A_435, %dma_wait3A_436] : memref<10000x128xf32, #tpu.memory_space<hbm>> -> memref<10000x128xf32, #tpu.memory_space<hbm>>
    tpu.wait_indirect_dma semaphore(%arg12 : memref<!tpu.dma_semaphore, #tpu.memory_space<semaphore_mem>>) src(%dma_wait3A_437 : memref<10000x128xf32, #tpu.memory_space<hbm>>) dst(%dma_wait3A_431 : memref<80x128xf32, #tpu.memory_space<vmem>>)
    %run_scoped3A_438 = arith.constant 1 : i32
    %run_scoped3A_439 = arith.constant 121 : i32
    "tpu.region"() ({
      %run_scoped3A_537 = tpu.sem_alloc : memref<!tpu.dma_semaphore, #tpu.memory_space<semaphore_mem>>
      %dma_start3A_538 = arith.constant 0 : i32
      %dma_start3A_539 = arith.constant 0 : i32
      %dma_start3A_540 = tpu.memref_slice %arg9[%run_scoped3A_438, %dma_start3A_538, %dma_start3A_539] : memref<3x80x128xf32, #tpu.memory_space<vmem>> -> memref<1x80x128xf32, #tpu.memory_space<vmem>>
      %dma_start3A_541 = tpu.memref_squeeze %dma_start3A_540 : memref<1x80x128xf32, #tpu.memory_space<vmem>> -> memref<80x128xf32, #tpu.memory_space<vmem>>
      %dma_start3A_542 = arith.constant 0 : i32
      %dma_start3A_543 = tpu.memref_slice %arg8[%run_scoped3A_439, %dma_start3A_542] : memref<125x80xi32, #tpu.memory_space<vmem>> -> memref<1x80xi32, #tpu.memory_space<vmem>>
      %dma_start3A_544 = tpu.memref_squeeze %dma_start3A_543 : memref<1x80xi32, #tpu.memory_space<vmem>> -> memref<80xi32, #tpu.memory_space<vmem>>
      %dma_start3A_545 = arith.constant 0 : i32
      %dma_start3A_546 = arith.constant 0 : i32
      %dma_start3A_547 = tpu.memref_slice %arg10[%dma_start3A_545, %dma_start3A_546] : memref<10240x128xf32, #tpu.memory_space<vmem_shared>> -> memref<10240x128xf32, #tpu.memory_space<vmem_shared>>
      tpu.enqueue_indirect_dma source(%dma_start3A_541 : memref<80x128xf32, #tpu.memory_space<vmem>>) target(%dma_start3A_547 : memref<10240x128xf32, #tpu.memory_space<vmem_shared>>) offsets(%dma_start3A_544 : memref<80xi32, #tpu.memory_space<vmem>>) semaphore(%run_scoped3A_537 : memref<!tpu.dma_semaphore, #tpu.memory_space<semaphore_mem>>) {add = true}
      %dma_wait3A_548 = arith.constant 0 : i32
      %dma_wait3A_549 = arith.constant 0 : i32
      %dma_wait3A_550 = tpu.memref_slice %arg9[%run_scoped3A_438, %dma_wait3A_548, %dma_wait3A_549] : memref<3x80x128xf32, #tpu.memory_space<vmem>> -> memref<1x80x128xf32, #tpu.memory_space<vmem>>
      %dma_wait3A_551 = tpu.memref_squeeze %dma_wait3A_550 : memref<1x80x128xf32, #tpu.memory_space<vmem>> -> memref<80x128xf32, #tpu.memory_space<vmem>>
      %dma_wait3A_552 = arith.constant 0 : i32
      %dma_wait3A_553 = tpu.memref_slice %arg8[%run_scoped3A_439, %dma_wait3A_552] : memref<125x80xi32, #tpu.memory_space<vmem>> -> memref<1x80xi32, #tpu.memory_space<vmem>>
      %dma_wait3A_554 = tpu.memref_squeeze %dma_wait3A_553 : memref<1x80xi32, #tpu.memory_space<vmem>> -> memref<80xi32, #tpu.memory_space<vmem>>
      %dma_wait3A_555 = arith.constant 0 : i32
      %dma_wait3A_556 = arith.constant 0 : i32
      %dma_wait3A_557 = tpu.memref_slice %arg10[%dma_wait3A_555, %dma_wait3A_556] : memref<10240x128xf32, #tpu.memory_space<vmem_shared>> -> memref<10240x128xf32, #tpu.memory_space<vmem_shared>>
      tpu.wait_indirect_dma semaphore(%run_scoped3A_537 : memref<!tpu.dma_semaphore, #tpu.memory_space<semaphore_mem>>) src(%dma_wait3A_551 : memref<80x128xf32, #tpu.memory_space<vmem>>) dst(%dma_wait3A_557 : memref<10240x128xf32, #tpu.memory_space<vmem_shared>>)
      tpu.yield
    }) : () -> ()
    %mul3A_440 = arith.constant 10000 : i32
    %mul3A_441 = arith.muli %add3A, %mul3A_440 : i32
    %add3A_442 = arith.constant 9840 : i32
    %add3A_443 = arith.addi %mul3A_441, %add3A_442 : i32
    %dma_wait3A_444 = arith.constant 3 : i32
    %dma_wait3A_445 = arith.constant 0 : i32
    %dma_wait3A_446 = tpu.memref_slice %arg7[%dma_wait3A_444, %dma_wait3A_445] : memref<6x80xi32, #tpu.memory_space<vmem>> -> memref<1x80xi32, #tpu.memory_space<vmem>>
    %dma_wait3A_447 = tpu.memref_squeeze %dma_wait3A_446 : memref<1x80xi32, #tpu.memory_space<vmem>> -> memref<80xi32, #tpu.memory_space<vmem>>
    %dma_wait3A_448 = tpu.memref_slice %arg3[%add3A_443] : memref<320000xi32, #tpu.memory_space<hbm>> -> memref<80xi32, #tpu.memory_space<hbm>>
    %dma_wait3A_449 = arith.constant 0 : i32
    %dma_wait3A_450 = tpu.memref_slice %arg7[%dma_wait3A_444, %dma_wait3A_449] : memref<6x80xi32, #tpu.memory_space<vmem>> -> memref<1x80xi32, #tpu.memory_space<vmem>>
    %dma_wait3A_451 = tpu.memref_squeeze %dma_wait3A_450 : memref<1x80xi32, #tpu.memory_space<vmem>> -> memref<80xi32, #tpu.memory_space<vmem>>
    %dma_wait3A_452 = tpu.memref_slice %arg3[%add3A_443] : memref<320000xi32, #tpu.memory_space<hbm>> -> memref<80xi32, #tpu.memory_space<hbm>>
    tpu.wait_dma2 semaphore(%arg17 : memref<!tpu.dma_semaphore, #tpu.memory_space<semaphore_mem>>) src(%dma_wait3A_452 : memref<80xi32, #tpu.memory_space<hbm>>) dst(%dma_wait3A_451 : memref<80xi32, #tpu.memory_space<vmem>>)
    %dma_start3A_453 = arith.constant 3 : i32
    %dma_start3A_454 = arith.constant 0 : i32
    %dma_start3A_455 = arith.constant 0 : i32
    %dma_start3A_456 = arith.constant 0 : i32
    %dma_start3A_457 = tpu.memref_slice %arg9[%dma_start3A_454, %dma_start3A_455, %dma_start3A_456] : memref<3x80x128xf32, #tpu.memory_space<vmem>> -> memref<1x80x128xf32, #tpu.memory_space<vmem>>
    %dma_start3A_458 = tpu.memref_squeeze %dma_start3A_457 : memref<1x80x128xf32, #tpu.memory_space<vmem>> -> memref<80x128xf32, #tpu.memory_space<vmem>>
    %dma_start3A_459 = arith.constant 0 : i32
    %dma_start3A_460 = tpu.memref_slice %arg7[%dma_start3A_453, %dma_start3A_459] : memref<6x80xi32, #tpu.memory_space<vmem>> -> memref<1x80xi32, #tpu.memory_space<vmem>>
    %dma_start3A_461 = tpu.memref_squeeze %dma_start3A_460 : memref<1x80xi32, #tpu.memory_space<vmem>> -> memref<80xi32, #tpu.memory_space<vmem>>
    %dma_start3A_462 = arith.constant 0 : i32
    %dma_start3A_463 = arith.constant 0 : i32
    %dma_start3A_464 = tpu.memref_slice %arg2[%dma_start3A_462, %dma_start3A_463] : memref<10000x128xf32, #tpu.memory_space<hbm>> -> memref<10000x128xf32, #tpu.memory_space<hbm>>
    tpu.enqueue_indirect_dma source(%dma_start3A_464 : memref<10000x128xf32, #tpu.memory_space<hbm>>) target(%dma_start3A_458 : memref<80x128xf32, #tpu.memory_space<vmem>>) offsets(%dma_start3A_461 : memref<80xi32, #tpu.memory_space<vmem>>) semaphore(%arg11 : memref<!tpu.dma_semaphore, #tpu.memory_space<semaphore_mem>>)
    %dma_wait3A_465 = arith.constant 2 : i32
    %dma_wait3A_466 = arith.constant 2 : i32
    %dma_wait3A_467 = arith.constant 0 : i32
    %dma_wait3A_468 = arith.constant 0 : i32
    %dma_wait3A_469 = tpu.memref_slice %arg9[%dma_wait3A_466, %dma_wait3A_467, %dma_wait3A_468] : memref<3x80x128xf32, #tpu.memory_space<vmem>> -> memref<1x80x128xf32, #tpu.memory_space<vmem>>
    %dma_wait3A_470 = tpu.memref_squeeze %dma_wait3A_469 : memref<1x80x128xf32, #tpu.memory_space<vmem>> -> memref<80x128xf32, #tpu.memory_space<vmem>>
    %dma_wait3A_471 = arith.constant 0 : i32
    %dma_wait3A_472 = tpu.memref_slice %arg7[%dma_wait3A_465, %dma_wait3A_471] : memref<6x80xi32, #tpu.memory_space<vmem>> -> memref<1x80xi32, #tpu.memory_space<vmem>>
    %dma_wait3A_473 = tpu.memref_squeeze %dma_wait3A_472 : memref<1x80xi32, #tpu.memory_space<vmem>> -> memref<80xi32, #tpu.memory_space<vmem>>
    %dma_wait3A_474 = arith.constant 0 : i32
    %dma_wait3A_475 = arith.constant 0 : i32
    %dma_wait3A_476 = tpu.memref_slice %arg2[%dma_wait3A_474, %dma_wait3A_475] : memref<10000x128xf32, #tpu.memory_space<hbm>> -> memref<10000x128xf32, #tpu.memory_space<hbm>>
    tpu.wait_indirect_dma semaphore(%arg13 : memref<!tpu.dma_semaphore, #tpu.memory_space<semaphore_mem>>) src(%dma_wait3A_476 : memref<10000x128xf32, #tpu.memory_space<hbm>>) dst(%dma_wait3A_470 : memref<80x128xf32, #tpu.memory_space<vmem>>)
    %run_scoped3A_477 = arith.constant 2 : i32
    %run_scoped3A_478 = arith.constant 122 : i32
    "tpu.region"() ({
      %run_scoped3A_537 = tpu.sem_alloc : memref<!tpu.dma_semaphore, #tpu.memory_space<semaphore_mem>>
      %dma_start3A_538 = arith.constant 0 : i32
      %dma_start3A_539 = arith.constant 0 : i32
      %dma_start3A_540 = tpu.memref_slice %arg9[%run_scoped3A_477, %dma_start3A_538, %dma_start3A_539] : memref<3x80x128xf32, #tpu.memory_space<vmem>> -> memref<1x80x128xf32, #tpu.memory_space<vmem>>
      %dma_start3A_541 = tpu.memref_squeeze %dma_start3A_540 : memref<1x80x128xf32, #tpu.memory_space<vmem>> -> memref<80x128xf32, #tpu.memory_space<vmem>>
      %dma_start3A_542 = arith.constant 0 : i32
      %dma_start3A_543 = tpu.memref_slice %arg8[%run_scoped3A_478, %dma_start3A_542] : memref<125x80xi32, #tpu.memory_space<vmem>> -> memref<1x80xi32, #tpu.memory_space<vmem>>
      %dma_start3A_544 = tpu.memref_squeeze %dma_start3A_543 : memref<1x80xi32, #tpu.memory_space<vmem>> -> memref<80xi32, #tpu.memory_space<vmem>>
      %dma_start3A_545 = arith.constant 0 : i32
      %dma_start3A_546 = arith.constant 0 : i32
      %dma_start3A_547 = tpu.memref_slice %arg10[%dma_start3A_545, %dma_start3A_546] : memref<10240x128xf32, #tpu.memory_space<vmem_shared>> -> memref<10240x128xf32, #tpu.memory_space<vmem_shared>>
      tpu.enqueue_indirect_dma source(%dma_start3A_541 : memref<80x128xf32, #tpu.memory_space<vmem>>) target(%dma_start3A_547 : memref<10240x128xf32, #tpu.memory_space<vmem_shared>>) offsets(%dma_start3A_544 : memref<80xi32, #tpu.memory_space<vmem>>) semaphore(%run_scoped3A_537 : memref<!tpu.dma_semaphore, #tpu.memory_space<semaphore_mem>>) {add = true}
      %dma_wait3A_548 = arith.constant 0 : i32
      %dma_wait3A_549 = arith.constant 0 : i32
      %dma_wait3A_550 = tpu.memref_slice %arg9[%run_scoped3A_477, %dma_wait3A_548, %dma_wait3A_549] : memref<3x80x128xf32, #tpu.memory_space<vmem>> -> memref<1x80x128xf32, #tpu.memory_space<vmem>>
      %dma_wait3A_551 = tpu.memref_squeeze %dma_wait3A_550 : memref<1x80x128xf32, #tpu.memory_space<vmem>> -> memref<80x128xf32, #tpu.memory_space<vmem>>
      %dma_wait3A_552 = arith.constant 0 : i32
      %dma_wait3A_553 = tpu.memref_slice %arg8[%run_scoped3A_478, %dma_wait3A_552] : memref<125x80xi32, #tpu.memory_space<vmem>> -> memref<1x80xi32, #tpu.memory_space<vmem>>
      %dma_wait3A_554 = tpu.memref_squeeze %dma_wait3A_553 : memref<1x80xi32, #tpu.memory_space<vmem>> -> memref<80xi32, #tpu.memory_space<vmem>>
      %dma_wait3A_555 = arith.constant 0 : i32
      %dma_wait3A_556 = arith.constant 0 : i32
      %dma_wait3A_557 = tpu.memref_slice %arg10[%dma_wait3A_555, %dma_wait3A_556] : memref<10240x128xf32, #tpu.memory_space<vmem_shared>> -> memref<10240x128xf32, #tpu.memory_space<vmem_shared>>
      tpu.wait_indirect_dma semaphore(%run_scoped3A_537 : memref<!tpu.dma_semaphore, #tpu.memory_space<semaphore_mem>>) src(%dma_wait3A_551 : memref<80x128xf32, #tpu.memory_space<vmem>>) dst(%dma_wait3A_557 : memref<10240x128xf32, #tpu.memory_space<vmem_shared>>)
      tpu.yield
    }) : () -> ()
    %mul3A_479 = arith.constant 10000 : i32
    %mul3A_480 = arith.muli %add3A, %mul3A_479 : i32
    %add3A_481 = arith.constant 9920 : i32
    %add3A_482 = arith.addi %mul3A_480, %add3A_481 : i32
    %dma_wait3A_483 = arith.constant 4 : i32
    %dma_wait3A_484 = arith.constant 0 : i32
    %dma_wait3A_485 = tpu.memref_slice %arg7[%dma_wait3A_483, %dma_wait3A_484] : memref<6x80xi32, #tpu.memory_space<vmem>> -> memref<1x80xi32, #tpu.memory_space<vmem>>
    %dma_wait3A_486 = tpu.memref_squeeze %dma_wait3A_485 : memref<1x80xi32, #tpu.memory_space<vmem>> -> memref<80xi32, #tpu.memory_space<vmem>>
    %dma_wait3A_487 = tpu.memref_slice %arg3[%add3A_482] : memref<320000xi32, #tpu.memory_space<hbm>> -> memref<80xi32, #tpu.memory_space<hbm>>
    %dma_wait3A_488 = arith.constant 0 : i32
    %dma_wait3A_489 = tpu.memref_slice %arg7[%dma_wait3A_483, %dma_wait3A_488] : memref<6x80xi32, #tpu.memory_space<vmem>> -> memref<1x80xi32, #tpu.memory_space<vmem>>
    %dma_wait3A_490 = tpu.memref_squeeze %dma_wait3A_489 : memref<1x80xi32, #tpu.memory_space<vmem>> -> memref<80xi32, #tpu.memory_space<vmem>>
    %dma_wait3A_491 = tpu.memref_slice %arg3[%add3A_482] : memref<320000xi32, #tpu.memory_space<hbm>> -> memref<80xi32, #tpu.memory_space<hbm>>
    tpu.wait_dma2 semaphore(%arg18 : memref<!tpu.dma_semaphore, #tpu.memory_space<semaphore_mem>>) src(%dma_wait3A_491 : memref<80xi32, #tpu.memory_space<hbm>>) dst(%dma_wait3A_490 : memref<80xi32, #tpu.memory_space<vmem>>)
    %dma_start3A_492 = arith.constant 4 : i32
    %dma_start3A_493 = arith.constant 1 : i32
    %dma_start3A_494 = arith.constant 0 : i32
    %dma_start3A_495 = arith.constant 0 : i32
    %dma_start3A_496 = tpu.memref_slice %arg9[%dma_start3A_493, %dma_start3A_494, %dma_start3A_495] : memref<3x80x128xf32, #tpu.memory_space<vmem>> -> memref<1x80x128xf32, #tpu.memory_space<vmem>>
    %dma_start3A_497 = tpu.memref_squeeze %dma_start3A_496 : memref<1x80x128xf32, #tpu.memory_space<vmem>> -> memref<80x128xf32, #tpu.memory_space<vmem>>
    %dma_start3A_498 = arith.constant 0 : i32
    %dma_start3A_499 = tpu.memref_slice %arg7[%dma_start3A_492, %dma_start3A_498] : memref<6x80xi32, #tpu.memory_space<vmem>> -> memref<1x80xi32, #tpu.memory_space<vmem>>
    %dma_start3A_500 = tpu.memref_squeeze %dma_start3A_499 : memref<1x80xi32, #tpu.memory_space<vmem>> -> memref<80xi32, #tpu.memory_space<vmem>>
    %dma_start3A_501 = arith.constant 0 : i32
    %dma_start3A_502 = arith.constant 0 : i32
    %dma_start3A_503 = tpu.memref_slice %arg2[%dma_start3A_501, %dma_start3A_502] : memref<10000x128xf32, #tpu.memory_space<hbm>> -> memref<10000x128xf32, #tpu.memory_space<hbm>>
    tpu.enqueue_indirect_dma source(%dma_start3A_503 : memref<10000x128xf32, #tpu.memory_space<hbm>>) target(%dma_start3A_497 : memref<80x128xf32, #tpu.memory_space<vmem>>) offsets(%dma_start3A_500 : memref<80xi32, #tpu.memory_space<vmem>>) semaphore(%arg12 : memref<!tpu.dma_semaphore, #tpu.memory_space<semaphore_mem>>)
    %dma_wait3A_504 = arith.constant 3 : i32
    %dma_wait3A_505 = arith.constant 0 : i32
    %dma_wait3A_506 = arith.constant 0 : i32
    %dma_wait3A_507 = arith.constant 0 : i32
    %dma_wait3A_508 = tpu.memref_slice %arg9[%dma_wait3A_505, %dma_wait3A_506, %dma_wait3A_507] : memref<3x80x128xf32, #tpu.memory_space<vmem>> -> memref<1x80x128xf32, #tpu.memory_space<vmem>>
    %dma_wait3A_509 = tpu.memref_squeeze %dma_wait3A_508 : memref<1x80x128xf32, #tpu.memory_space<vmem>> -> memref<80x128xf32, #tpu.memory_space<vmem>>
    %dma_wait3A_510 = arith.constant 0 : i32
    %dma_wait3A_511 = tpu.memref_slice %arg7[%dma_wait3A_504, %dma_wait3A_510] : memref<6x80xi32, #tpu.memory_space<vmem>> -> memref<1x80xi32, #tpu.memory_space<vmem>>
    %dma_wait3A_512 = tpu.memref_squeeze %dma_wait3A_511 : memref<1x80xi32, #tpu.memory_space<vmem>> -> memref<80xi32, #tpu.memory_space<vmem>>
    %dma_wait3A_513 = arith.constant 0 : i32
    %dma_wait3A_514 = arith.constant 0 : i32
    %dma_wait3A_515 = tpu.memref_slice %arg2[%dma_wait3A_513, %dma_wait3A_514] : memref<10000x128xf32, #tpu.memory_space<hbm>> -> memref<10000x128xf32, #tpu.memory_space<hbm>>
    tpu.wait_indirect_dma semaphore(%arg11 : memref<!tpu.dma_semaphore, #tpu.memory_space<semaphore_mem>>) src(%dma_wait3A_515 : memref<10000x128xf32, #tpu.memory_space<hbm>>) dst(%dma_wait3A_509 : memref<80x128xf32, #tpu.memory_space<vmem>>)
    %run_scoped3A_516 = arith.constant 0 : i32
    %run_scoped3A_517 = arith.constant 123 : i32
    "tpu.region"() ({
      %run_scoped3A_537 = tpu.sem_alloc : memref<!tpu.dma_semaphore, #tpu.memory_space<semaphore_mem>>
      %dma_start3A_538 = arith.constant 0 : i32
      %dma_start3A_539 = arith.constant 0 : i32
      %dma_start3A_540 = tpu.memref_slice %arg9[%run_scoped3A_516, %dma_start3A_538, %dma_start3A_539] : memref<3x80x128xf32, #tpu.memory_space<vmem>> -> memref<1x80x128xf32, #tpu.memory_space<vmem>>
      %dma_start3A_541 = tpu.memref_squeeze %dma_start3A_540 : memref<1x80x128xf32, #tpu.memory_space<vmem>> -> memref<80x128xf32, #tpu.memory_space<vmem>>
      %dma_start3A_542 = arith.constant 0 : i32
      %dma_start3A_543 = tpu.memref_slice %arg8[%run_scoped3A_517, %dma_start3A_542] : memref<125x80xi32, #tpu.memory_space<vmem>> -> memref<1x80xi32, #tpu.memory_space<vmem>>
      %dma_start3A_544 = tpu.memref_squeeze %dma_start3A_543 : memref<1x80xi32, #tpu.memory_space<vmem>> -> memref<80xi32, #tpu.memory_space<vmem>>
      %dma_start3A_545 = arith.constant 0 : i32
      %dma_start3A_546 = arith.constant 0 : i32
      %dma_start3A_547 = tpu.memref_slice %arg10[%dma_start3A_545, %dma_start3A_546] : memref<10240x128xf32, #tpu.memory_space<vmem_shared>> -> memref<10240x128xf32, #tpu.memory_space<vmem_shared>>
      tpu.enqueue_indirect_dma source(%dma_start3A_541 : memref<80x128xf32, #tpu.memory_space<vmem>>) target(%dma_start3A_547 : memref<10240x128xf32, #tpu.memory_space<vmem_shared>>) offsets(%dma_start3A_544 : memref<80xi32, #tpu.memory_space<vmem>>) semaphore(%run_scoped3A_537 : memref<!tpu.dma_semaphore, #tpu.memory_space<semaphore_mem>>) {add = true}
      %dma_wait3A_548 = arith.constant 0 : i32
      %dma_wait3A_549 = arith.constant 0 : i32
      %dma_wait3A_550 = tpu.memref_slice %arg9[%run_scoped3A_516, %dma_wait3A_548, %dma_wait3A_549] : memref<3x80x128xf32, #tpu.memory_space<vmem>> -> memref<1x80x128xf32, #tpu.memory_space<vmem>>
      %dma_wait3A_551 = tpu.memref_squeeze %dma_wait3A_550 : memref<1x80x128xf32, #tpu.memory_space<vmem>> -> memref<80x128xf32, #tpu.memory_space<vmem>>
      %dma_wait3A_552 = arith.constant 0 : i32
      %dma_wait3A_553 = tpu.memref_slice %arg8[%run_scoped3A_517, %dma_wait3A_552] : memref<125x80xi32, #tpu.memory_space<vmem>> -> memref<1x80xi32, #tpu.memory_space<vmem>>
      %dma_wait3A_554 = tpu.memref_squeeze %dma_wait3A_553 : memref<1x80xi32, #tpu.memory_space<vmem>> -> memref<80xi32, #tpu.memory_space<vmem>>
      %dma_wait3A_555 = arith.constant 0 : i32
      %dma_wait3A_556 = arith.constant 0 : i32
      %dma_wait3A_557 = tpu.memref_slice %arg10[%dma_wait3A_555, %dma_wait3A_556] : memref<10240x128xf32, #tpu.memory_space<vmem_shared>> -> memref<10240x128xf32, #tpu.memory_space<vmem_shared>>
      tpu.wait_indirect_dma semaphore(%run_scoped3A_537 : memref<!tpu.dma_semaphore, #tpu.memory_space<semaphore_mem>>) src(%dma_wait3A_551 : memref<80x128xf32, #tpu.memory_space<vmem>>) dst(%dma_wait3A_557 : memref<10240x128xf32, #tpu.memory_space<vmem_shared>>)
      tpu.yield
    }) : () -> ()
    %dma_wait3A_518 = arith.constant 4 : i32
    %dma_wait3A_519 = arith.constant 1 : i32
    %dma_wait3A_520 = arith.constant 0 : i32
    %dma_wait3A_521 = arith.constant 0 : i32
    %dma_wait3A_522 = tpu.memref_slice %arg9[%dma_wait3A_519, %dma_wait3A_520, %dma_wait3A_521] : memref<3x80x128xf32, #tpu.memory_space<vmem>> -> memref<1x80x128xf32, #tpu.memory_space<vmem>>
    %dma_wait3A_523 = tpu.memref_squeeze %dma_wait3A_522 : memref<1x80x128xf32, #tpu.memory_space<vmem>> -> memref<80x128xf32, #tpu.memory_space<vmem>>
    %dma_wait3A_524 = arith.constant 0 : i32
    %dma_wait3A_525 = tpu.memref_slice %arg7[%dma_wait3A_518, %dma_wait3A_524] : memref<6x80xi32, #tpu.memory_space<vmem>> -> memref<1x80xi32, #tpu.memory_space<vmem>>
    %dma_wait3A_526 = tpu.memref_squeeze %dma_wait3A_525 : memref<1x80xi32, #tpu.memory_space<vmem>> -> memref<80xi32, #tpu.memory_space<vmem>>
    %dma_wait3A_527 = arith.constant 0 : i32
    %dma_wait3A_528 = arith.constant 0 : i32
    %dma_wait3A_529 = tpu.memref_slice %arg2[%dma_wait3A_527, %dma_wait3A_528] : memref<10000x128xf32, #tpu.memory_space<hbm>> -> memref<10000x128xf32, #tpu.memory_space<hbm>>
    tpu.wait_indirect_dma semaphore(%arg12 : memref<!tpu.dma_semaphore, #tpu.memory_space<semaphore_mem>>) src(%dma_wait3A_529 : memref<10000x128xf32, #tpu.memory_space<hbm>>) dst(%dma_wait3A_523 : memref<80x128xf32, #tpu.memory_space<vmem>>)
    %run_scoped3A_530 = arith.constant 1 : i32
    %run_scoped3A_531 = arith.constant 124 : i32
    "tpu.region"() ({
      %run_scoped3A_537 = tpu.sem_alloc : memref<!tpu.dma_semaphore, #tpu.memory_space<semaphore_mem>>
      %dma_start3A_538 = arith.constant 0 : i32
      %dma_start3A_539 = arith.constant 0 : i32
      %dma_start3A_540 = tpu.memref_slice %arg9[%run_scoped3A_530, %dma_start3A_538, %dma_start3A_539] : memref<3x80x128xf32, #tpu.memory_space<vmem>> -> memref<1x80x128xf32, #tpu.memory_space<vmem>>
      %dma_start3A_541 = tpu.memref_squeeze %dma_start3A_540 : memref<1x80x128xf32, #tpu.memory_space<vmem>> -> memref<80x128xf32, #tpu.memory_space<vmem>>
      %dma_start3A_542 = arith.constant 0 : i32
      %dma_start3A_543 = tpu.memref_slice %arg8[%run_scoped3A_531, %dma_start3A_542] : memref<125x80xi32, #tpu.memory_space<vmem>> -> memref<1x80xi32, #tpu.memory_space<vmem>>
      %dma_start3A_544 = tpu.memref_squeeze %dma_start3A_543 : memref<1x80xi32, #tpu.memory_space<vmem>> -> memref<80xi32, #tpu.memory_space<vmem>>
      %dma_start3A_545 = arith.constant 0 : i32
      %dma_start3A_546 = arith.constant 0 : i32
      %dma_start3A_547 = tpu.memref_slice %arg10[%dma_start3A_545, %dma_start3A_546] : memref<10240x128xf32, #tpu.memory_space<vmem_shared>> -> memref<10240x128xf32, #tpu.memory_space<vmem_shared>>
      tpu.enqueue_indirect_dma source(%dma_start3A_541 : memref<80x128xf32, #tpu.memory_space<vmem>>) target(%dma_start3A_547 : memref<10240x128xf32, #tpu.memory_space<vmem_shared>>) offsets(%dma_start3A_544 : memref<80xi32, #tpu.memory_space<vmem>>) semaphore(%run_scoped3A_537 : memref<!tpu.dma_semaphore, #tpu.memory_space<semaphore_mem>>) {add = true}
      %dma_wait3A_548 = arith.constant 0 : i32
      %dma_wait3A_549 = arith.constant 0 : i32
      %dma_wait3A_550 = tpu.memref_slice %arg9[%run_scoped3A_530, %dma_wait3A_548, %dma_wait3A_549] : memref<3x80x128xf32, #tpu.memory_space<vmem>> -> memref<1x80x128xf32, #tpu.memory_space<vmem>>
      %dma_wait3A_551 = tpu.memref_squeeze %dma_wait3A_550 : memref<1x80x128xf32, #tpu.memory_space<vmem>> -> memref<80x128xf32, #tpu.memory_space<vmem>>
      %dma_wait3A_552 = arith.constant 0 : i32
      %dma_wait3A_553 = tpu.memref_slice %arg8[%run_scoped3A_531, %dma_wait3A_552] : memref<125x80xi32, #tpu.memory_space<vmem>> -> memref<1x80xi32, #tpu.memory_space<vmem>>
      %dma_wait3A_554 = tpu.memref_squeeze %dma_wait3A_553 : memref<1x80xi32, #tpu.memory_space<vmem>> -> memref<80xi32, #tpu.memory_space<vmem>>
      %dma_wait3A_555 = arith.constant 0 : i32
      %dma_wait3A_556 = arith.constant 0 : i32
      %dma_wait3A_557 = tpu.memref_slice %arg10[%dma_wait3A_555, %dma_wait3A_556] : memref<10240x128xf32, #tpu.memory_space<vmem_shared>> -> memref<10240x128xf32, #tpu.memory_space<vmem_shared>>
      tpu.wait_indirect_dma semaphore(%run_scoped3A_537 : memref<!tpu.dma_semaphore, #tpu.memory_space<semaphore_mem>>) src(%dma_wait3A_551 : memref<80x128xf32, #tpu.memory_space<vmem>>) dst(%dma_wait3A_557 : memref<10240x128xf32, #tpu.memory_space<vmem_shared>>)
      tpu.yield
    }) : () -> ()
    %barrier3A_532 = arith.constant 0 : index
    tpu.barrier barrier_id(%barrier3A_532)
    %mul3A_533 = arith.constant 640 : i32
    %mul3A_534 = arith.muli %arg1, %mul3A_533 : i32
    %mul3A_535 = arith.constant 640 : i32
    %mul3A_536 = arith.muli %arg1, %mul3A_535 : i32
    "tpu.region"() ({
      %run_scoped3A_537 = tpu.sem_alloc : memref<!tpu.dma_semaphore, #tpu.memory_space<semaphore_mem>>
      %dma_start3A_538 = arith.constant 0 : i32
      %dma_start3A_539 = tpu.memref_slice %arg6[%arg0, %mul3A_536, %dma_start3A_538] : memref<2x10240x128xf32, #tpu.memory_space<hbm>> -> memref<1x640x128xf32, #tpu.memory_space<hbm>>
      %dma_start3A_540 = tpu.memref_squeeze %dma_start3A_539 : memref<1x640x128xf32, #tpu.memory_space<hbm>> -> memref<640x128xf32, #tpu.memory_space<hbm>>
      %dma_start3A_541 = arith.constant 0 : i32
      %dma_start3A_542 = tpu.memref_slice %arg10[%mul3A_534, %dma_start3A_541] : memref<10240x128xf32, #tpu.memory_space<vmem_shared>> -> memref<640x128xf32, #tpu.memory_space<vmem_shared>>
      tpu.enqueue_dma source(%dma_start3A_542 : memref<640x128xf32, #tpu.memory_space<vmem_shared>>) target(%dma_start3A_540 : memref<640x128xf32, #tpu.memory_space<hbm>>) target_semaphore(%run_scoped3A_537 : memref<!tpu.dma_semaphore, #tpu.memory_space<semaphore_mem>>)
      %dma_wait3A_543 = arith.constant 0 : i32
      %dma_wait3A_544 = tpu.memref_slice %arg6[%arg0, %mul3A_536, %dma_wait3A_543] : memref<2x10240x128xf32, #tpu.memory_space<hbm>> -> memref<1x640x128xf32, #tpu.memory_space<hbm>>
      %dma_wait3A_545 = tpu.memref_squeeze %dma_wait3A_544 : memref<1x640x128xf32, #tpu.memory_space<hbm>> -> memref<640x128xf32, #tpu.memory_space<hbm>>
      %dma_wait3A_546 = arith.constant 0 : i32
      %dma_wait3A_547 = tpu.memref_slice %arg10[%mul3A_534, %dma_wait3A_546] : memref<10240x128xf32, #tpu.memory_space<vmem_shared>> -> memref<640x128xf32, #tpu.memory_space<vmem_shared>>
      tpu.wait_dma2 semaphore(%run_scoped3A_537 : memref<!tpu.dma_semaphore, #tpu.memory_space<semaphore_mem>>) src(%dma_wait3A_547 : memref<640x128xf32, #tpu.memory_space<vmem_shared>>) dst(%dma_wait3A_545 : memref<640x128xf32, #tpu.memory_space<hbm>>)
      tpu.yield
    }) : () -> ()
    return
  }
}

module attributes {stable_mosaic.version = 14 : i64} {
  func.func @_node_transform_body(%arg0: memref<10000x128xf32, #tpu.memory_space<vmem>>, %arg1: memref<10000x1xi32, #tpu.memory_space<vmem>>, %arg2: memref<10000x1xf32, #tpu.memory_space<vmem>>, %arg3: memref<8x128x128xf32, #tpu.memory_space<vmem>>, %arg4: memref<10000x128xf32, #tpu.memory_space<vmem>>) attributes {dimension_semantics = [], scalar_prefetch = 0 : i64, scratch_operands = 0 : i64, tpu.core_type = #tpu.core_type<tc>} {
    %get3A = arith.constant 0 : index
    %get3A_0 = arith.constant 0 : index
    %get3A_1 = vector.load %arg0[%get3A, %get3A_0] : memref<10000x128xf32, #tpu.memory_space<vmem>>, vector<10000x128xf32>
    %get3A_2 = arith.constant 0 : index
    %get3A_3 = arith.constant 0 : index
    %get3A_4 = vector.load %arg1[%get3A_2, %get3A_3] : memref<10000x1xi32, #tpu.memory_space<vmem>>, vector<10000x1xi32>
    %get3A_5 = arith.constant 0 : index
    %get3A_6 = arith.constant 0 : index
    %get3A_7 = vector.load %arg2[%get3A_5, %get3A_6] : memref<10000x1xf32, #tpu.memory_space<vmem>>, vector<10000x1xf32>
    %broadcast_in_dim3A = arith.constant 0.000000e+00 : f32
    %broadcast_in_dim3A_8 = vector.broadcast %broadcast_in_dim3A : f32 to vector<10000x128xf32>
    %eq3A = arith.constant 0 : i32
    %eq3A_9 = vector.broadcast %eq3A : i32 to vector<10000x1xi32>
    %eq3A_10 = arith.cmpi eq, %get3A_4, %eq3A_9 : vector<10000x1xi32>
    %jit3A = arith.constant 0.000000e+00 : f32
    %broadcast_in_dim3A_11 = vector.broadcast %jit3A : f32 to vector<10000x1xf32>
    %select_n3A = arith.select %eq3A_10, %get3A_7, %broadcast_in_dim3A_11 : vector<10000x1xi1>, vector<10000x1xf32>
    %mul3A = vector.broadcast %select_n3A : vector<10000x1xf32> to vector<10000x128xf32>
    %mul3A_12 = arith.mulf %get3A_1, %mul3A : vector<10000x128xf32>
    %convert_element_type3A = arith.truncf %mul3A_12 : vector<10000x128xf32> to vector<10000x128xbf16>
    %get3A_13 = arith.constant 0 : index
    %get3A_14 = arith.constant 0 : index
    %get3A_15 = arith.constant 0 : index
    %get3A_16 = vector.load %arg3[%get3A_13, %get3A_14, %get3A_15] : memref<8x128x128xf32, #tpu.memory_space<vmem>>, vector<1x128x128xf32>
    %get3A_17 = vector.shape_cast %get3A_16 : vector<1x128x128xf32> to vector<128x128xf32>
    %convert_element_type3A_18 = arith.truncf %get3A_17 : vector<128x128xf32> to vector<128x128xbf16>
    %dot_general3A = arith.constant dense<0.000000e+00> : vector<10000x128xf32>
    %dot_general3A_19 = tpu.matmul %convert_element_type3A, %convert_element_type3A_18, %dot_general3A {dimension_numbers = #tpu.dot_dimension_numbers<[1], [0], [0], [1], [0, 0, 1, 1], [], []>, transpose_lhs_hint = false} : vector<10000x128xbf16>, vector<128x128xbf16>, vector<10000x128xf32> -> vector<10000x128xf32>
    %add3A = arith.addf %broadcast_in_dim3A_8, %dot_general3A_19 : vector<10000x128xf32>
    %eq3A_20 = arith.constant 1 : i32
    %eq3A_21 = vector.broadcast %eq3A_20 : i32 to vector<10000x1xi32>
    %eq3A_22 = arith.cmpi eq, %get3A_4, %eq3A_21 : vector<10000x1xi32>
    %jit3A_23 = arith.constant 0.000000e+00 : f32
    %broadcast_in_dim3A_24 = vector.broadcast %jit3A_23 : f32 to vector<10000x1xf32>
    %select_n3A_25 = arith.select %eq3A_22, %get3A_7, %broadcast_in_dim3A_24 : vector<10000x1xi1>, vector<10000x1xf32>
    %mul3A_26 = vector.broadcast %select_n3A_25 : vector<10000x1xf32> to vector<10000x128xf32>
    %mul3A_27 = arith.mulf %get3A_1, %mul3A_26 : vector<10000x128xf32>
    %convert_element_type3A_28 = arith.truncf %mul3A_27 : vector<10000x128xf32> to vector<10000x128xbf16>
    %get3A_29 = arith.constant 1 : index
    %get3A_30 = arith.constant 0 : index
    %get3A_31 = arith.constant 0 : index
    %get3A_32 = vector.load %arg3[%get3A_29, %get3A_30, %get3A_31] : memref<8x128x128xf32, #tpu.memory_space<vmem>>, vector<1x128x128xf32>
    %get3A_33 = vector.shape_cast %get3A_32 : vector<1x128x128xf32> to vector<128x128xf32>
    %convert_element_type3A_34 = arith.truncf %get3A_33 : vector<128x128xf32> to vector<128x128xbf16>
    %dot_general3A_35 = arith.constant dense<0.000000e+00> : vector<10000x128xf32>
    %dot_general3A_36 = tpu.matmul %convert_element_type3A_28, %convert_element_type3A_34, %dot_general3A_35 {dimension_numbers = #tpu.dot_dimension_numbers<[1], [0], [0], [1], [0, 0, 1, 1], [], []>, transpose_lhs_hint = false} : vector<10000x128xbf16>, vector<128x128xbf16>, vector<10000x128xf32> -> vector<10000x128xf32>
    %add3A_37 = arith.addf %add3A, %dot_general3A_36 : vector<10000x128xf32>
    %eq3A_38 = arith.constant 2 : i32
    %eq3A_39 = vector.broadcast %eq3A_38 : i32 to vector<10000x1xi32>
    %eq3A_40 = arith.cmpi eq, %get3A_4, %eq3A_39 : vector<10000x1xi32>
    %jit3A_41 = arith.constant 0.000000e+00 : f32
    %broadcast_in_dim3A_42 = vector.broadcast %jit3A_41 : f32 to vector<10000x1xf32>
    %select_n3A_43 = arith.select %eq3A_40, %get3A_7, %broadcast_in_dim3A_42 : vector<10000x1xi1>, vector<10000x1xf32>
    %mul3A_44 = vector.broadcast %select_n3A_43 : vector<10000x1xf32> to vector<10000x128xf32>
    %mul3A_45 = arith.mulf %get3A_1, %mul3A_44 : vector<10000x128xf32>
    %convert_element_type3A_46 = arith.truncf %mul3A_45 : vector<10000x128xf32> to vector<10000x128xbf16>
    %get3A_47 = arith.constant 2 : index
    %get3A_48 = arith.constant 0 : index
    %get3A_49 = arith.constant 0 : index
    %get3A_50 = vector.load %arg3[%get3A_47, %get3A_48, %get3A_49] : memref<8x128x128xf32, #tpu.memory_space<vmem>>, vector<1x128x128xf32>
    %get3A_51 = vector.shape_cast %get3A_50 : vector<1x128x128xf32> to vector<128x128xf32>
    %convert_element_type3A_52 = arith.truncf %get3A_51 : vector<128x128xf32> to vector<128x128xbf16>
    %dot_general3A_53 = arith.constant dense<0.000000e+00> : vector<10000x128xf32>
    %dot_general3A_54 = tpu.matmul %convert_element_type3A_46, %convert_element_type3A_52, %dot_general3A_53 {dimension_numbers = #tpu.dot_dimension_numbers<[1], [0], [0], [1], [0, 0, 1, 1], [], []>, transpose_lhs_hint = false} : vector<10000x128xbf16>, vector<128x128xbf16>, vector<10000x128xf32> -> vector<10000x128xf32>
    %add3A_55 = arith.addf %add3A_37, %dot_general3A_54 : vector<10000x128xf32>
    %eq3A_56 = arith.constant 3 : i32
    %eq3A_57 = vector.broadcast %eq3A_56 : i32 to vector<10000x1xi32>
    %eq3A_58 = arith.cmpi eq, %get3A_4, %eq3A_57 : vector<10000x1xi32>
    %jit3A_59 = arith.constant 0.000000e+00 : f32
    %broadcast_in_dim3A_60 = vector.broadcast %jit3A_59 : f32 to vector<10000x1xf32>
    %select_n3A_61 = arith.select %eq3A_58, %get3A_7, %broadcast_in_dim3A_60 : vector<10000x1xi1>, vector<10000x1xf32>
    %mul3A_62 = vector.broadcast %select_n3A_61 : vector<10000x1xf32> to vector<10000x128xf32>
    %mul3A_63 = arith.mulf %get3A_1, %mul3A_62 : vector<10000x128xf32>
    %convert_element_type3A_64 = arith.truncf %mul3A_63 : vector<10000x128xf32> to vector<10000x128xbf16>
    %get3A_65 = arith.constant 3 : index
    %get3A_66 = arith.constant 0 : index
    %get3A_67 = arith.constant 0 : index
    %get3A_68 = vector.load %arg3[%get3A_65, %get3A_66, %get3A_67] : memref<8x128x128xf32, #tpu.memory_space<vmem>>, vector<1x128x128xf32>
    %get3A_69 = vector.shape_cast %get3A_68 : vector<1x128x128xf32> to vector<128x128xf32>
    %convert_element_type3A_70 = arith.truncf %get3A_69 : vector<128x128xf32> to vector<128x128xbf16>
    %dot_general3A_71 = arith.constant dense<0.000000e+00> : vector<10000x128xf32>
    %dot_general3A_72 = tpu.matmul %convert_element_type3A_64, %convert_element_type3A_70, %dot_general3A_71 {dimension_numbers = #tpu.dot_dimension_numbers<[1], [0], [0], [1], [0, 0, 1, 1], [], []>, transpose_lhs_hint = false} : vector<10000x128xbf16>, vector<128x128xbf16>, vector<10000x128xf32> -> vector<10000x128xf32>
    %add3A_73 = arith.addf %add3A_55, %dot_general3A_72 : vector<10000x128xf32>
    %eq3A_74 = arith.constant 4 : i32
    %eq3A_75 = vector.broadcast %eq3A_74 : i32 to vector<10000x1xi32>
    %eq3A_76 = arith.cmpi eq, %get3A_4, %eq3A_75 : vector<10000x1xi32>
    %jit3A_77 = arith.constant 0.000000e+00 : f32
    %broadcast_in_dim3A_78 = vector.broadcast %jit3A_77 : f32 to vector<10000x1xf32>
    %select_n3A_79 = arith.select %eq3A_76, %get3A_7, %broadcast_in_dim3A_78 : vector<10000x1xi1>, vector<10000x1xf32>
    %mul3A_80 = vector.broadcast %select_n3A_79 : vector<10000x1xf32> to vector<10000x128xf32>
    %mul3A_81 = arith.mulf %get3A_1, %mul3A_80 : vector<10000x128xf32>
    %convert_element_type3A_82 = arith.truncf %mul3A_81 : vector<10000x128xf32> to vector<10000x128xbf16>
    %get3A_83 = arith.constant 4 : index
    %get3A_84 = arith.constant 0 : index
    %get3A_85 = arith.constant 0 : index
    %get3A_86 = vector.load %arg3[%get3A_83, %get3A_84, %get3A_85] : memref<8x128x128xf32, #tpu.memory_space<vmem>>, vector<1x128x128xf32>
    %get3A_87 = vector.shape_cast %get3A_86 : vector<1x128x128xf32> to vector<128x128xf32>
    %convert_element_type3A_88 = arith.truncf %get3A_87 : vector<128x128xf32> to vector<128x128xbf16>
    %dot_general3A_89 = arith.constant dense<0.000000e+00> : vector<10000x128xf32>
    %dot_general3A_90 = tpu.matmul %convert_element_type3A_82, %convert_element_type3A_88, %dot_general3A_89 {dimension_numbers = #tpu.dot_dimension_numbers<[1], [0], [0], [1], [0, 0, 1, 1], [], []>, transpose_lhs_hint = false} : vector<10000x128xbf16>, vector<128x128xbf16>, vector<10000x128xf32> -> vector<10000x128xf32>
    %add3A_91 = arith.addf %add3A_73, %dot_general3A_90 : vector<10000x128xf32>
    %eq3A_92 = arith.constant 5 : i32
    %eq3A_93 = vector.broadcast %eq3A_92 : i32 to vector<10000x1xi32>
    %eq3A_94 = arith.cmpi eq, %get3A_4, %eq3A_93 : vector<10000x1xi32>
    %jit3A_95 = arith.constant 0.000000e+00 : f32
    %broadcast_in_dim3A_96 = vector.broadcast %jit3A_95 : f32 to vector<10000x1xf32>
    %select_n3A_97 = arith.select %eq3A_94, %get3A_7, %broadcast_in_dim3A_96 : vector<10000x1xi1>, vector<10000x1xf32>
    %mul3A_98 = vector.broadcast %select_n3A_97 : vector<10000x1xf32> to vector<10000x128xf32>
    %mul3A_99 = arith.mulf %get3A_1, %mul3A_98 : vector<10000x128xf32>
    %convert_element_type3A_100 = arith.truncf %mul3A_99 : vector<10000x128xf32> to vector<10000x128xbf16>
    %get3A_101 = arith.constant 5 : index
    %get3A_102 = arith.constant 0 : index
    %get3A_103 = arith.constant 0 : index
    %get3A_104 = vector.load %arg3[%get3A_101, %get3A_102, %get3A_103] : memref<8x128x128xf32, #tpu.memory_space<vmem>>, vector<1x128x128xf32>
    %get3A_105 = vector.shape_cast %get3A_104 : vector<1x128x128xf32> to vector<128x128xf32>
    %convert_element_type3A_106 = arith.truncf %get3A_105 : vector<128x128xf32> to vector<128x128xbf16>
    %dot_general3A_107 = arith.constant dense<0.000000e+00> : vector<10000x128xf32>
    %dot_general3A_108 = tpu.matmul %convert_element_type3A_100, %convert_element_type3A_106, %dot_general3A_107 {dimension_numbers = #tpu.dot_dimension_numbers<[1], [0], [0], [1], [0, 0, 1, 1], [], []>, transpose_lhs_hint = false} : vector<10000x128xbf16>, vector<128x128xbf16>, vector<10000x128xf32> -> vector<10000x128xf32>
    %add3A_109 = arith.addf %add3A_91, %dot_general3A_108 : vector<10000x128xf32>
    %eq3A_110 = arith.constant 6 : i32
    %eq3A_111 = vector.broadcast %eq3A_110 : i32 to vector<10000x1xi32>
    %eq3A_112 = arith.cmpi eq, %get3A_4, %eq3A_111 : vector<10000x1xi32>
    %jit3A_113 = arith.constant 0.000000e+00 : f32
    %broadcast_in_dim3A_114 = vector.broadcast %jit3A_113 : f32 to vector<10000x1xf32>
    %select_n3A_115 = arith.select %eq3A_112, %get3A_7, %broadcast_in_dim3A_114 : vector<10000x1xi1>, vector<10000x1xf32>
    %mul3A_116 = vector.broadcast %select_n3A_115 : vector<10000x1xf32> to vector<10000x128xf32>
    %mul3A_117 = arith.mulf %get3A_1, %mul3A_116 : vector<10000x128xf32>
    %convert_element_type3A_118 = arith.truncf %mul3A_117 : vector<10000x128xf32> to vector<10000x128xbf16>
    %get3A_119 = arith.constant 6 : index
    %get3A_120 = arith.constant 0 : index
    %get3A_121 = arith.constant 0 : index
    %get3A_122 = vector.load %arg3[%get3A_119, %get3A_120, %get3A_121] : memref<8x128x128xf32, #tpu.memory_space<vmem>>, vector<1x128x128xf32>
    %get3A_123 = vector.shape_cast %get3A_122 : vector<1x128x128xf32> to vector<128x128xf32>
    %convert_element_type3A_124 = arith.truncf %get3A_123 : vector<128x128xf32> to vector<128x128xbf16>
    %dot_general3A_125 = arith.constant dense<0.000000e+00> : vector<10000x128xf32>
    %dot_general3A_126 = tpu.matmul %convert_element_type3A_118, %convert_element_type3A_124, %dot_general3A_125 {dimension_numbers = #tpu.dot_dimension_numbers<[1], [0], [0], [1], [0, 0, 1, 1], [], []>, transpose_lhs_hint = false} : vector<10000x128xbf16>, vector<128x128xbf16>, vector<10000x128xf32> -> vector<10000x128xf32>
    %add3A_127 = arith.addf %add3A_109, %dot_general3A_126 : vector<10000x128xf32>
    %eq3A_128 = arith.constant 7 : i32
    %eq3A_129 = vector.broadcast %eq3A_128 : i32 to vector<10000x1xi32>
    %eq3A_130 = arith.cmpi eq, %get3A_4, %eq3A_129 : vector<10000x1xi32>
    %jit3A_131 = arith.constant 0.000000e+00 : f32
    %broadcast_in_dim3A_132 = vector.broadcast %jit3A_131 : f32 to vector<10000x1xf32>
    %select_n3A_133 = arith.select %eq3A_130, %get3A_7, %broadcast_in_dim3A_132 : vector<10000x1xi1>, vector<10000x1xf32>
    %mul3A_134 = vector.broadcast %select_n3A_133 : vector<10000x1xf32> to vector<10000x128xf32>
    %mul3A_135 = arith.mulf %get3A_1, %mul3A_134 : vector<10000x128xf32>
    %convert_element_type3A_136 = arith.truncf %mul3A_135 : vector<10000x128xf32> to vector<10000x128xbf16>
    %get3A_137 = arith.constant 7 : index
    %get3A_138 = arith.constant 0 : index
    %get3A_139 = arith.constant 0 : index
    %get3A_140 = vector.load %arg3[%get3A_137, %get3A_138, %get3A_139] : memref<8x128x128xf32, #tpu.memory_space<vmem>>, vector<1x128x128xf32>
    %get3A_141 = vector.shape_cast %get3A_140 : vector<1x128x128xf32> to vector<128x128xf32>
    %convert_element_type3A_142 = arith.truncf %get3A_141 : vector<128x128xf32> to vector<128x128xbf16>
    %dot_general3A_143 = arith.constant dense<0.000000e+00> : vector<10000x128xf32>
    %dot_general3A_144 = tpu.matmul %convert_element_type3A_136, %convert_element_type3A_142, %dot_general3A_143 {dimension_numbers = #tpu.dot_dimension_numbers<[1], [0], [0], [1], [0, 0, 1, 1], [], []>, transpose_lhs_hint = false} : vector<10000x128xbf16>, vector<128x128xbf16>, vector<10000x128xf32> -> vector<10000x128xf32>
    %add3A_145 = arith.addf %add3A_127, %dot_general3A_144 : vector<10000x128xf32>
    %swap3A = arith.constant 0 : index
    %swap3A_146 = arith.constant 0 : index
    %swap3A_147 = vector.load %arg4[%swap3A, %swap3A_146] : memref<10000x128xf32, #tpu.memory_space<vmem>>, vector<10000x128xf32>
    tpu.vector_store %arg4[%swap3A, %swap3A_146], %add3A_145 {strides = array<i32>} : memref<10000x128xf32, #tpu.memory_space<vmem>>, vector<10000x128xf32>,
    return
  }
}

module attributes {stable_mosaic.version = 14 : i64} {
  func.func @_merge_body(%arg0: memref<2x10240x128xf32, #tpu.memory_space<vmem>>, %arg1: memref<10000x128xf32, #tpu.memory_space<vmem>>) attributes {dimension_semantics = [], scalar_prefetch = 0 : i64, scratch_operands = 0 : i64, tpu.core_type = #tpu.core_type<tc>} {
    %get3A = arith.constant 0 : index
    %get3A_0 = arith.constant 0 : index
    %get3A_1 = arith.constant 0 : index
    %get3A_2 = vector.load %arg0[%get3A, %get3A_0, %get3A_1] : memref<2x10240x128xf32, #tpu.memory_space<vmem>>, vector<1x10000x128xf32>
    %get3A_3 = vector.shape_cast %get3A_2 : vector<1x10000x128xf32> to vector<10000x128xf32>
    %get3A_4 = arith.constant 1 : index
    %get3A_5 = arith.constant 0 : index
    %get3A_6 = arith.constant 0 : index
    %get3A_7 = vector.load %arg0[%get3A_4, %get3A_5, %get3A_6] : memref<2x10240x128xf32, #tpu.memory_space<vmem>>, vector<1x10000x128xf32>
    %get3A_8 = vector.shape_cast %get3A_7 : vector<1x10000x128xf32> to vector<10000x128xf32>
    %add3A = arith.addf %get3A_3, %get3A_8 : vector<10000x128xf32>
    %swap3A = arith.constant 0 : index
    %swap3A_9 = arith.constant 0 : index
    %swap3A_10 = vector.load %arg1[%swap3A, %swap3A_9] : memref<10000x128xf32, #tpu.memory_space<vmem>>, vector<10000x128xf32>
    tpu.vector_store %arg1[%swap3A, %swap3A_9], %add3A {strides = array<i32>} : memref<10000x128xf32, #tpu.memory_space<vmem>>, vector<10000x128xf32>,
    return
  }
}

</mosaic_0001>

<sc_bundles>
// kernel: kernel.5.cloned.1.call-start
scs
__scs_entry_jumppad:
0x0: {  	(pc) =	sbr.rel $0x88, $3  }
0x1: {  	(tag) =	ssettag $0x0;
	lr =	simm.s32 $0x1  }
0x2: {  	[smem:$0x3F9C] =	sst lr;
	_ =	strace $0xD0000000  }
0x3: {  	_ = 	snop  }
0x4: {  	_ = 	snop  }
0x5: {  	_ = 	snop  }
0x6: {  	_ = 	snop  }
0x7: {  	_ = 	snop  }
__scs_overlays_trampoline_lowered:
0x8: {  	[smem:$0x3FAB] =	sst s0  }
0x9: {  	[smem:$0x3FAC] =	sst s1  }
0xa: {  	[smem:$0x3FAD] =	sst s2  }
0xb: {  	[smem:$0x3FAE] =	sst s3  }
0xc: {  	[smem:$0x3FAF] =	sst s4  }
0xd: {  	[smem:$0x3FB0] =	sst s5  }
0xe: {  	[smem:$0x3FB1] =	sst s6  }
0xf: {  	[smem:$0x3FB2] =	sst s7  }
0x10: {  	[smem:$0x3FB3] =	sst s8  }
0x11: {  	[smem:$0x3FB4] =	sst s9;
	s0 =	simm.s32 @!p0 $0x0  }
0x12: {  	s1 =	sld [smem:$0x3F9A];
	s0 =	simm.s32 @p0 $0x1  }
0x13: {  	[smem:$0x3FB5] =	sst s0;
	s0 =	simm.s32 @!p1 $0x0  }
0x14: {  	s2 =	sld [smem:$0x3F99];
	s0 =	simm.s32 @p1 $0x1  }
0x15: {  	[smem:$0x3FB6] =	sst s0;
	s0 =	simm.s32 @!p2 $0x0  }
0x16: {  	s3 =	sld [smem:$0x3FDB];
	s0 =	simm.s32 @p2 $0x1  }
0x17: {  	s4 =	simm.s32 $0x1BF5;
	[smem:$0x3FB8] =	sst s0  }
0x18: {  	s0 =	sld [smem:$0x3F9B];
	_ =	swait.ge [sflag:s4], $0x0  }
0x19: {  	s7 =	sld [smem:$0x3F9C]  }
0x1a: {  	s8 =	sadd.s32 $0xFFFFE003, lr  }
0x1b: {  	s9 =	sadd.s32 $0xFFFFFEF7, lr;
	s5 =	simm.s32 $0xFFFFFFFF;
	p2 =	slt.u32 s8, $0xFFFFF086  }
0x1c: {  	p1 =	slt.u32 s9, $0xF7A;
	s5 =	simm.s32 @!p2 $0x0  }
0x1d: {  	s5 =	simm.s32 @p1 $0x1;
	p0 =	seq.s32 s7, s2  }
0x1e: {  	s7 =	smul.u32 @!p0 $0xF7A, s2;
	p2 =	seq.s32 @!p0 s5, $0x0  }
0x1f: {  	s9 =	smul.u32 $0xF7A, s1;
	s8 =	simm.s32 @!p0 $0x1BF5;
	p2 =	por !p2, p0  }
0x20: {  	[sflag:s8] =	ssyncset.s32 @!p0 $0xFFFFF086;
	s6 =	sadd.s32 @!p0 s3, s7;
	s7 =	simm.s32 @!p0 $0x108  }
0x21: {  	s3 =	sadd.s32 s3, s9;
	s6 =	sadd.s32 @!p0 $0x88, s6;
	s7 =	simm.s32 @p2 $0x1082  }
0x22: {  	[simem:s7], [sflag:s8] =	dma.local @!p0 [hbm:s6], $0xF7A  }
0x23: {  	s9 =	sor.u32 $0xD0000000, s2;
	s6 =	simm.s32 $0x108;
	_ =	swait.ge @!p0 [sflag:s8], $0x0  }
0x24: {  	s3 =	sadd.s32 $0x88, s3;
	s6 =	simm.s32 @!p1 $0x1082;
	[sflag:s4] =	ssyncset.s32 $0xFFFFF086  }
0x25: {  	[simem:s6], [sflag:s4] =	dma.local [hbm:s3], $0xF7A  }
0x26: {  	[smem:$0x3F9C] =	sst s1;
	(tag) =	ssettag s2;
	_ =	strace s9  }
0x27: {  	s1 =	sld [smem:$0x3FAC]  }
0x28: {  	s2 =	sld [smem:$0x3FAD]  }
0x29: {  	s4 =	sld [smem:$0x3FAF]  }
0x2a: {  	p0 =	seq.s32 s5, $0x0;
	s5 =	sld [smem:$0x3FB0]  }
0x2b: {  	s6 =	sld [smem:$0x3FB1]  }
0x2c: {  	s7 =	sld [smem:$0x3FB2]  }
0x2d: {  	s3 =	simm.s32 $0x108;
	s8 =	sld [smem:$0x3FB3]  }
0x2e: {  	s3 =	simm.s32 @!p0 $0x1082;
	s9 =	sld [smem:$0x3FB4]  }
0x2f: {  	lr =	sadd.s32 s0, s3;
	s0 =	sld [smem:$0x3FAB]  }
0x30: {  	s3 =	sld [smem:$0x3FAE]  }
0x31: {  	[smem:$0x3FB7] =	sst s10  }
0x32: {  	s10 =	sld [smem:$0x3FB5];
	_ =	sdelay $0x3  }
0x33: {  	p0 =	seq.s32 s10, $0x1;
	s10 =	sld [smem:$0x3FB7];
	_ =	sdelay $0x3  }
0x34: {  	[smem:$0x3FB7] =	sst s10  }
0x35: {  	s10 =	sld [smem:$0x3FB6];
	_ =	sdelay $0x3  }
0x36: {  	p1 =	seq.s32 s10, $0x1;
	s10 =	sld [smem:$0x3FB7];
	_ =	sdelay $0x3  }
0x37: {  	[smem:$0x3FB7] =	sst s10  }
0x38: {  	s10 =	sld [smem:$0x3FB8]  }
0x39: {  	_ = 	snop;
	(pc) =	sbr.ind lr, $3  }
0x3a: {  	_ = 	snop  }
0x3b: {  	_ = 	snop  }
0x3c: {  	p2 =	seq.s32 s10, $0x1;
	s10 =	sld [smem:$0x3FB7]  }
0x3d: {  	_ =	shalt  }
0x3e: {  	_ =	shalt  }
0x3f: {  	_ =	shalt  }
0x40: {  	_ =	shalt  }
0x41: {  	_ =	shalt  }
0x42: {  	_ =	shalt  }
0x43: {  	_ =	shalt  }
0x44: {  	_ =	shalt  }
0x45: {  	_ =	shalt  }
0x46: {  	_ =	shalt  }
0x47: {  	_ =	shalt  }
0x48: {  	_ =	shalt  }
0x49: {  	_ =	shalt  }
0x4a: {  	_ =	shalt  }
0x4b: {  	_ =	shalt  }
0x4c: {  	_ =	shalt  }
0x4d: {  	_ =	shalt  }
0x4e: {  	_ =	shalt  }
0x4f: {  	_ =	shalt  }
0x50: {  	_ =	shalt  }
0x51: {  	_ =	shalt  }
0x52: {  	_ =	shalt  }
0x53: {  	_ =	shalt  }
0x54: {  	_ =	shalt  }
0x55: {  	_ =	shalt  }
0x56: {  	_ =	shalt  }
0x57: {  	_ =	shalt  }
0x58: {  	_ =	shalt  }
0x59: {  	_ =	shalt  }
0x5a: {  	_ =	shalt  }
0x5b: {  	_ =	shalt  }
0x5c: {  	_ =	shalt  }
0x5d: {  	_ =	shalt  }
0x5e: {  	_ =	shalt  }
0x5f: {  	_ =	shalt  }
0x60: {  	_ =	shalt  }
0x61: {  	_ =	shalt  }
0x62: {  	_ =	shalt  }
0x63: {  	_ =	shalt  }
0x64: {  	_ =	shalt  }
0x65: {  	_ =	shalt  }
0x66: {  	_ =	shalt  }
0x67: {  	_ =	shalt  }
0x68: {  	_ =	shalt  }
0x69: {  	_ =	shalt  }
0x6a: {  	_ =	shalt  }
0x6b: {  	_ =	shalt  }
0x6c: {  	_ =	shalt  }
0x6d: {  	_ =	shalt  }
0x6e: {  	_ =	shalt  }
0x6f: {  	_ =	shalt  }
0x70: {  	_ =	shalt  }
0x71: {  	_ =	shalt  }
0x72: {  	_ =	shalt  }
0x73: {  	_ =	shalt  }
0x74: {  	_ =	shalt  }
0x75: {  	_ =	shalt  }
0x76: {  	_ =	shalt  }
0x77: {  	_ =	shalt  }
0x78: {  	_ =	shalt  }
0x79: {  	_ =	shalt  }
0x7a: {  	_ =	shalt  }
0x7b: {  	_ =	shalt  }
0x7c: {  	_ =	shalt  }
0x7d: {  	_ =	shalt  }
0x7e: {  	_ =	shalt  }
0x7f: {  	_ =	shalt  }
0x80: {  	_ =	shalt  }
0x81: {  	_ =	shalt  }
0x82: {  	_ =	shalt  }
0x83: {  	_ =	shalt  }
0x84: {  	_ =	shalt  }
0x85: {  	_ =	shalt  }
0x86: {  	_ =	shalt  }
0x87: {  	_ =	shalt  }
.Lfunc_end0:
.L_simem_size_0:
called_computation_lowered:
.L_overlay_start_0:
0x88: {  	s2 =	sld [smem:$0x3FD9]  }
0x89: {  	s3 =	sld [smem:$0x3FFE];
	_ =	sdelay $0x1  }
0x8a: {  	s1 =	srdreg.scid  }
0x8b: {  	s0 =	sand.u32 $0x1, s1  }
0x8c: {  	s17 =	sshll.u32 s0, $0xA;
	s2 =	sadd.s32 s3, s2  }
0x8d: {  	s2 =	sadd.s32 s2, s17  }
0x8e: {  	[smem:$0x3FC3] =	sst s2  }
0x8f: {  	_ = 	snop  }
0x90: {  	s2 =	sld [smem:$0x3FD0];
	(tm) =	ssettm $0x1  }
0x91: {  	s18 =	sld [smem:$0x3FFB];
	_ =	sdelay $0x3  }
0x92: {  	_ =	strace s18  }
0x93: {  	s3 =	sld [smem:$0x3FFC];
	_ =	sdelay $0x3  }
0x94: {  	_ =	strace s3  }
0x95: {  	s3 =	sld [smem:$0x3FFD];
	_ =	sdelay $0x3  }
0x96: {  	_ =	strace s3  }
0x97: {  	_ =	strace $0x8FFFFFFF  }
0x98: {  	s19 =	sld [smem:$0x3FDB];
	_ =	sdelay $0x1  }
0x99: {  	s4 =	simm.s32 $_scs_section_size  }
0x9a: {  	s5 =	simm.s32 $_size__tile_overlayer_lowered;
	s6 =	simm.s32 $_tile_overlayer_lowered  }
0x9b: {  	s22 =	simm.s32 $0x1BFF;
	s21 =	sshll.u32 s6, $0x1;
	s3 =	sadd.s32 s4, s19  }
0x9c: {  	s7 =	simm.s32 $0x0;
	s20 =	sshll.u32 s5, $0x1;
	s5 =	sadd.s32 s21, s3  }
0x9d: {  	[timem:s7], [sflag:s22] =	dma.local [hbm:s5], s20  }
0x9e: {  	_ =	swait.ge [sflag:s22], s20  }
0x9f: {  	s4 =	ssub.s32 $0x0, s20;
	[sflag:s22] =	ssyncset.done $0x0  }
0xa0: {  	[sflag:s22] =	ssyncadd.s32 s4;
	_ =	sdelay $0x1  }
0xa1: {  	s23 =	simm.s32 $0x1B8B  }
0xa2: {  	_ =	swait.ge [sflag:s23], $0x1  }
0xa3: {  	[sflag:s23] =	ssyncset.done $0x0  }
0xa4: {  	s25 =	simm.s32 $0x1B8E;
	s24 =	sld [smem:$0x3FFE];
	[sflag:s23] =	ssyncadd.s32 $0xFFFFFFFF  }
0xa5: {  	s26 =	simm.s32 $execute0_lowered;
	[smem:$0x3FD2] =	sst s25  }
0xa6: {  	s5 =	sshll.u32 s26, $0x1;
	_ =	strace $0x80000046;
	[dreg:$0x1] =	wrdreg $0xFFFFFFFF  }
0xa7: {  	s28 =	simm.s32 $_size_execute0_lowered;
	s3 =	sadd.s32 s3, s5;
	[dreg:$0x0] =	wrdreg $0x0  }
0xa8: {  	s5 =	sshll.u32 s28, $0x1;
	[dreg:$0x2] =	wrdreg s3  }
0xa9: {  	[dreg:$0x3] =	wrdreg s5  }
0xaa: {  	[dreg:$0x4] =	wrdreg $0xC0  }
0xab: {  	_ =	task [dreg:s7], $0x5FFFF  }
0xac: {  	[dreg:$0x1] =	wrdreg $0xFFFFFFFF  }
0xad: {  	[dreg:$0x0] =	wrdreg $0x60  }
0xae: {  	[dreg:$0x2] =	wrdreg s2  }
0xaf: {  	[dreg:$0x3] =	wrdreg s24  }
0xb0: {  	[dreg:$0x4] =	wrdreg $0xBC000  }
0xb1: {  	[dreg:$0x5] =	wrdreg $0x9  }
0xb2: {  	_ =	task.clear_ibuf [dreg:s7], $0x6FFFF;
	_ =	strace $0x90000046  }
0xb3: {  	s29 =	simm.s32 $0x9;
	_ =	strace $0x80000048  }
0xb4: {  	_ =	swait.ge [sflag:s29], $0x1  }
0xb5: {  	[sflag:s29] =	ssyncadd.s32 $0xFFFFFFFF  }
0xb6: {  	_ =	strace $0x90000048  }
0xb7: {  	_ =	sfence  }
0xb8: {  	s30 =	sld [smem:$0x0];
	_ =	sdelay $0x2  }
0xb9: {  	s31 =	sshll.u32 s1, $0xD;
	s1 =	sshrl.u32 s1, $0x2  }
0xba: {  	s3 =	sand.u32 $0x4000, s31;
	s1 =	sadd.s32 s1, s30  }
0xbb: {  	s0 =	sor.u32 s3, s0;
	s1 =	sshll.u32 s1, $0x11  }
0xbc: {  	s0 =	sor.u32 s1, s0  }
0xbd: {  	s0 =	sadd.s32 $0x8F2B, s0  }
0xbe: {  	[sflag:s0] =	ssyncadd.remote.s32 $0x1  }
0xbf: {  	_ =	sfence.sel $0xFFFF  }
0xc0: {  	[dreg:$0x0] =	wrdreg $0xFFFFFFFF;
	(pc) =	sbr.abs _section_cstart, $3  }
0xc1: {  	[dreg:$0x1] =	wrdreg $0xFFFFFFFF  }
0xc2: {  	_ =	task.clear_ibuf [dreg:s7], $0x2FFFF;
	_ =	strace $0x9FFFFFFF  }
0xc3: {  	(tm) =	ssettm $0x7FFFFFFF  }
tec
execute0_lowered:
.L_overlay_start_1:
0x0: {  	(tag) =	ssettag $0x1  }
0x1: {  	s1 =	rddreg [dreg:$0x0]  }
0x2: {  	s0 =	rddreg [dreg:$0x1]  }
0x3: {  	s3 =	rddreg [dreg:$0x2]  }
0x4: {  	s2 =	srdreg.scid;
	s11 =	stileid.u32;
	s4 =	simm.s32 $0x0  }
0x5: {  	s30 =	simm.s32 $0xA;
	s28 =	simm.s32 $0x4;
	s29 =	simm.s32 $0x5  }
0x6: {  	s31 =	simm.s32 $0x80;
	s2 =	sand.u32 $0x1, s2;
	s8 =	smul.u32 $0x14000, s11  }
0x7: {  	s5 =	sshll.u32 s11, $0x1;
	[smem:$0x7FF] =	sst s4;
	s16 =	smul.u32 $0x50000, s11  }
0x8: {  	s20 =	sadd.s32 $0xE00, s0;
	s9 =	sadd.s32 $0x1AC00, s0;
	s21 =	smul.u32 $0x4E20, s11  }
0x9: {  	s19 =	sshll.u32 s11, $0x6;
	s5 =	sor.u32 s2, s5;
	s6 =	smul.u32 $0x140000, s2  }
0xa: {  	_ =	strace $0x80000047;
	[dreg:$0x5] =	wrdreg s9;
	s15 =	ssub.s32 $0x2, s2  }
0xb: {  	s2 =	smul.u32 $0x2710, s2;
	[dreg:$0x4] =	wrdreg s20;
	s7 =	sshll.u32 s5, $0xB  }
0xc: {  	s10 =	sshrl.u32 s15, $0x1;
	s5 =	smul.u32 $0x2710, s5;
	s18 =	sshrl.u32 s16, $0x2  }
0xd: {  	s7 =	sadd.s32 s7, s0;
	s6 =	sadd.s32 s8, s6;
	s17 =	ssub.s32 s15, s10  }
0xe: {  	s8 =	sadd.s32 s18, s3;
	s2 =	sadd.s32 s2, s21;
	s6 =	sshrl.u32 s6, $0x3  }
0xf: {  	[dreg:$0x6] =	wrdreg s8;
	s5 =	sshrl.u32 s5, $0x3;
	s7 =	sadd.s32 $0xAC00, s7  }
0x10: {  	s8 =	sor.u32 $0x1C0A, s19;
	s12 =	sadd.s32 $0x370, s2;
	[dreg:$0x9] =	wrdreg s7  }
0x11: {  	s0 =	sadd.s32 s6, s0;
	s6 =	smax.u32 s17, $0x1;
	[dreg:$0x7] =	wrdreg s8  }
0x12: {  	s13 =	sadd.s32 $0x320, s2;
	s9 =	sadd.s32 s20, s5;
	[dreg:$0x12] =	wrdreg s6  }
0x13: {  	s18 =	sadd.s32 $0x280, s2;
	s22 =	sadd.s32 $0xA, s9;
	[dreg:$0x8] =	wrdreg s9  }
0x14: {  	s19 =	sadd.s32 $0x230, s2;
	s23 =	sadd.s32 $0x14, s9;
	[dreg:$0xa] =	wrdreg s22  }
0x15: {  	s14 =	sshrl.u32 s12, $0x3;
	s24 =	sadd.s32 $0x1E, s9;
	[dreg:$0xb] =	wrdreg s23  }
0x16: {  	s15 =	sshrl.u32 s13, $0x3;
	s25 =	sadd.s32 $0x28, s9;
	[dreg:$0xc] =	wrdreg s24  }
0x17: {  	s17 =	sadd.s32 $0x2D0, s2;
	s26 =	sadd.s32 $0x32, s9;
	[dreg:$0xd] =	wrdreg s25  }
0x18: {  	s5 =	sshrl.u32 s18, $0x3;
	s10 =	sadd.s32 $0x4B0, s9;
	[dreg:$0xe] =	wrdreg s26  }
0x19: {  	s12 =	simm.s32 $0x6C00;
	s11 =	sadd.s32 $0x4BA, s9;
	[dreg:$0xf] =	wrdreg s10  }
0x1a: {  	s13 =	simm.s32 $0x1;
	s0 =	sadd.s32 $0x1D400, s0;
	[dreg:$0x10] =	wrdreg s11  }
0x1b: {  	s18 =	simm.s32 $0x3;
	s16 =	sadd.s32 s15, s20;
	[dreg:$0x11] =	wrdreg s0  }
0x1c: {  	s6 =	sshrl.u32 s19, $0x3;
	s21 =	sadd.s32 s5, s20;
	[dreg:$0x14] =	wrdreg s16  }
0x1d: {  	s15 =	simm.s32 $0x9400;
	s0 =	sadd.s32 s14, s20;
	[dreg:$0x16] =	wrdreg s21  }
0x1e: {  	s19 =	simm.s32 $0x8;
	s22 =	sadd.s32 s6, s20;
	[dreg:$0x13] =	wrdreg s0  }
0x1f: {  	s23 =	sadd.s32 $0x1E0, s2;
	s24 =	sadd.s32 $0x4C4, s9;
	[dreg:$0x17] =	wrdreg s22  }
0x20: {  	s25 =	sadd.s32 $0x4CE, s9;
	s26 =	sadd.s32 $0x4D8, s9;
	[dreg:$0x18] =	wrdreg s23  }
0x21: {  	s10 =	simm.s32 $0x50;
	s11 =	simm.s32 $0x4400;
	[dreg:$0x19] =	wrdreg s24  }
0x22: {  	s16 =	simm.s32 $0x2;
	s0 =	sshrl.u32 s17, $0x3;
	[dreg:$0x1a] =	wrdreg s25  }
0x23: {  	s2 =	simm.s32 $0x0;
	[dreg:$0x1b] =	wrdreg s26;
	s0 =	sadd.s32 s0, s20  }
0x24: {  	s17 =	simm.s32 $0x7;
	s26 =	simm.s32 $0x9;
	[dreg:$0x15] =	wrdreg s0  }
.LBB2_1:
0x25: {  	[dreg:$0x1c] =	wrdreg s2  }
0x26: {  	s0 =	rddreg [dreg:$0x6]  }
0x27: {  	s23 =	rddreg [dreg:$0x5];
	s22 =	sshrl.u32 s0, $0x3  }
0x28: {  	[dreg:$0x1d] =	wrdreg s22  }
0x29: {  	[spmem:s22], [sflag:s8] =	dma.local [hbm:s23], $0x2800  }
0x2a: {  	_ =	swait.ge [sflag:s30], $0x2800  }
0x2b: {  	[sflag:s30] =	ssyncset.done $0x0  }
0x2c: {  	s25 =	simm.s32 $0x400;
	s24 =	rddreg [dreg:$0x9];
	[sflag:s30] =	ssyncadd.s32 $0xFFFFD800  }
0x2d: {  	[tilespmem:s25], [sflag:$0xA] =	stream.linear.gather [hbm4b:s24+s4], $0x3E80, $0x38;
	[tilespmem:$0x1FC00] =	vst v63  }
0x2e: {  	_ =	swait.ge [sflag:s30], $0x3E80  }
0x2f: {  	[sflag:s30] =	ssyncset.done $0x0  }
0x30: {  	[sflag:s30] =	ssyncadd.s32 $0xFFFFC180  }
0x31: {  	[bflag:$0x0] =	sbarrier.arrive $0xFFFF  }
0x32: {  	s5 =	rddreg [dreg:$0x8]  }
0x33: {  	[tilespmem:s4], [sflag:$0xA] =	stream.linear.gather [hbm4b:s5+s4], $0x50, $0x38;
	[tilespmem:$0x1FC00] =	vst v63  }
0x34: {  	_ =	swait.ge [sflag:s30], $0x50  }
0x35: {  	[sflag:s30] =	ssyncset.done $0x0  }
0x36: {  	s2 =	simm.s32 $0x80;
	s6 =	rddreg [dreg:$0xa];
	[sflag:s30] =	ssyncadd.s32 $0xFFFFFFB0  }
0x37: {  	[tilespmem:s2], [sflag:$0xA] =	stream.linear.gather [hbm4b:s6+s4], $0x50, $0x38;
	[tilespmem:$0x1FC00] =	vst v63  }
0x38: {  	_ =	swait.ge [sflag:s30], $0x50  }
0x39: {  	[sflag:s30] =	ssyncset.done $0x0  }
0x3a: {  	s8 =	simm.s32 $0x100;
	s7 =	rddreg [dreg:$0xb];
	[sflag:s30] =	ssyncadd.s32 $0xFFFFFFB0  }
0x3b: {  	[tilespmem:s8], [sflag:$0x6] =	stream.linear.gather [hbm4b:s7+s4], $0x50, $0x38;
	[tilespmem:$0x1FC00] =	vst v63  }
0x3c: {  	s6 =	simm.s32 $0x180;
	s9 =	rddreg [dreg:$0xc]  }
0x3d: {  	[tilespmem:s6], [sflag:$0x7] =	stream.linear.gather [hbm4b:s9+s4], $0x50, $0x38;
	[tilespmem:$0x1FC00] =	vst v63  }
0x3e: {  	s14 =	rddreg [dreg:$0xd];
	s7 =	simm.s32 $0x200  }
0x3f: {  	[tilespmem:s7], [sflag:$0x8] =	stream.linear.gather [hbm4b:s14+s4], $0x50, $0x38;
	[tilespmem:$0x1FC00] =	vst v63  }
0x40: {  	s21 =	rddreg [dreg:$0xe];
	s14 =	simm.s32 $0x280  }
0x41: {  	[tilespmem:s14], [sflag:$0x9] =	stream.linear.gather [hbm4b:s21+s4], $0x50, $0x38;
	[tilespmem:$0x1FC00] =	vst v63  }
0x42: {  	_ = 	snop  }
0x43: {  	[tilespmem:s11], [sflag:$0x1] =	stream.indirect.gather [hbm4b:s1+s10], $0x80, s4, s10, $0xb8;
	[tilespmem:$0x1FC00] =	vst v63  }
0x44: {  	_ = 	snop  }
0x45: {  	[tilespmem:s12], [sflag:$0x2] =	stream.indirect.gather [hbm4b:s1+s10], $0x80, s2, s10, $0xb8;
	[tilespmem:$0x1FC00] =	vst v63  }
0x46: {  	_ =	swait.ge [sflag:s13], $0x2800  }
0x47: {  	[sflag:s13] =	ssyncset.done $0x0  }
0x48: {  	s5 =	simm.s32 $0x400;
	[sflag:s13] =	ssyncadd.s32 $0xFFFFD800  }
0x49: {  	[spmem:s3] =	stream.indirect.scatter.add.f32 [tilespmem:s11], [sflag:$0xA], $0x80, s5, s10, $0xb8;
	[tilespmem:$0x1FC00] =	vst v63  }
0x4a: {  	_ =	swait.ge [sflag:s30], $0x2800  }
0x4b: {  	[sflag:s30] =	ssyncset.done $0x0  }
0x4c: {  	s22 =	simm.s32 $0x6;
	[sflag:s30] =	ssyncadd.s32 $0xFFFFD800  }
0x4d: {  	_ =	swait.ge [sflag:s22], $0x50  }
0x4e: {  	[sflag:s22] =	ssyncset.done $0x0  }
0x4f: {  	[sflag:s22] =	ssyncadd.s32 $0xFFFFFFB0;
	s22 =	rddreg [dreg:$0x18]  }
0x50: {  	s23 =	sshrl.u32 s22, $0x3  }
0x51: {  	[tilespmem:s15], [sflag:$0x3] =	stream.indirect.gather [hbm4b:s1+s10], $0x80, s8, s10, $0xb8;
	[tilespmem:$0x1FC00] =	vst v63  }
0x52: {  	s5 =	sadd.s32 s20, s23  }
0x53: {  	[tilespmem:s4], [sflag:$0x4] =	stream.linear.gather [hbm4b:s5+s4], $0x50, $0x38;
	[tilespmem:$0x1FC00] =	vst v63  }
0x54: {  	_ =	swait.ge [sflag:s16], $0x2800  }
0x55: {  	[sflag:s16] =	ssyncset.done $0x0  }
0x56: {  	s24 =	simm.s32 $0x480;
	[sflag:s16] =	ssyncadd.s32 $0xFFFFD800  }
0x57: {  	[spmem:s3] =	stream.indirect.scatter.add.f32 [tilespmem:s12], [sflag:$0xA], $0x80, s24, s10, $0xb8;
	[tilespmem:$0x1FC00] =	vst v63  }
0x58: {  	_ =	swait.ge [sflag:s30], $0x2800  }
0x59: {  	[sflag:s30] =	ssyncset.done $0x0  }
0x5a: {  	[sflag:s30] =	ssyncadd.s32 $0xFFFFD800  }
0x5b: {  	_ =	swait.ge [sflag:s17], $0x50  }
0x5c: {  	[sflag:s17] =	ssyncset.done $0x0  }
0x5d: {  	[sflag:s17] =	ssyncadd.s32 $0xFFFFFFB0  }
0x5e: {  	[tilespmem:s11], [sflag:$0x1] =	stream.indirect.gather [hbm4b:s1+s10], $0x80, s6, s10, $0xb8;
	[tilespmem:$0x1FC00] =	vst v63  }
0x5f: {  	s23 =	rddreg [dreg:$0x17]  }
0x60: {  	[tilespmem:s2], [sflag:$0x5] =	stream.linear.gather [hbm4b:s23+s4], $0x50, $0x38;
	[tilespmem:$0x1FC00] =	vst v63  }
0x61: {  	_ =	swait.ge [sflag:s18], $0x2800  }
0x62: {  	[sflag:s18] =	ssyncset.done $0x0  }
0x63: {  	s25 =	simm.s32 $0x500;
	[sflag:s18] =	ssyncadd.s32 $0xFFFFD800  }
0x64: {  	[spmem:s3] =	stream.indirect.scatter.add.f32 [tilespmem:s15], [sflag:$0xA], $0x80, s25, s10, $0xb8;
	[tilespmem:$0x1FC00] =	vst v63  }
0x65: {  	_ =	swait.ge [sflag:s30], $0x2800  }
0x66: {  	[sflag:s30] =	ssyncset.done $0x0  }
0x67: {  	[sflag:s30] =	ssyncadd.s32 $0xFFFFD800  }
0x68: {  	_ =	swait.ge [sflag:s19], $0x50  }
0x69: {  	[sflag:s19] =	ssyncset.done $0x0  }
0x6a: {  	[sflag:s19] =	ssyncadd.s32 $0xFFFFFFB0  }
0x6b: {  	[tilespmem:s12], [sflag:$0x2] =	stream.indirect.gather [hbm4b:s1+s10], $0x80, s7, s10, $0xb8;
	[tilespmem:$0x1FC00] =	vst v63  }
0x6c: {  	s9 =	rddreg [dreg:$0x16]  }
0x6d: {  	[tilespmem:s8], [sflag:$0x6] =	stream.linear.gather [hbm4b:s9+s4], $0x50, $0x38;
	[tilespmem:$0x1FC00] =	vst v63  }
0x6e: {  	_ =	swait.ge [sflag:s13], $0x2800  }
0x6f: {  	[sflag:s13] =	ssyncset.done $0x0  }
0x70: {  	s0 =	simm.s32 $0x580;
	[sflag:s13] =	ssyncadd.s32 $0xFFFFD800  }
0x71: {  	[spmem:s3] =	stream.indirect.scatter.add.f32 [tilespmem:s11], [sflag:$0xA], $0x80, s0, s10, $0xb8;
	[tilespmem:$0x1FC00] =	vst v63  }
0x72: {  	_ =	swait.ge [sflag:s30], $0x2800  }
0x73: {  	[sflag:s30] =	ssyncset.done $0x0  }
0x74: {  	[sflag:s30] =	ssyncadd.s32 $0xFFFFD800  }
0x75: {  	_ =	swait.ge [sflag:s26], $0x50  }
0x76: {  	[sflag:s26] =	ssyncset.done $0x0  }
0x77: {  	[sflag:s26] =	ssyncadd.s32 $0xFFFFFFB0  }
0x78: {  	[tilespmem:s15], [sflag:$0x3] =	stream.indirect.gather [hbm4b:s1+s10], $0x80, s14, s10, $0xb8;
	[tilespmem:$0x1FC00] =	vst v63  }
0x79: {  	s8 =	rddreg [dreg:$0x15]  }
0x7a: {  	[tilespmem:s6], [sflag:$0x7] =	stream.linear.gather [hbm4b:s8+s4], $0x50, $0x38;
	[tilespmem:$0x1FC00] =	vst v63  }
0x7b: {  	_ =	swait.ge [sflag:s16], $0x2800  }
0x7c: {  	[sflag:s16] =	ssyncset.done $0x0  }
0x7d: {  	s6 =	simm.s32 $0x600;
	[sflag:s16] =	ssyncadd.s32 $0xFFFFD800  }
0x7e: {  	[spmem:s3] =	stream.indirect.scatter.add.f32 [tilespmem:s12], [sflag:$0xA], $0x80, s6, s10, $0xb8;
	[tilespmem:$0x1FC00] =	vst v63  }
0x7f: {  	_ =	swait.ge [sflag:s30], $0x2800  }
0x80: {  	[sflag:s30] =	ssyncset.done $0x0  }
0x81: {  	[sflag:s30] =	ssyncadd.s32 $0xFFFFD800  }
0x82: {  	_ =	swait.ge [sflag:s28], $0x50  }
0x83: {  	[sflag:s28] =	ssyncset.done $0x0  }
0x84: {  	[sflag:s28] =	ssyncadd.s32 $0xFFFFFFB0  }
0x85: {  	[tilespmem:s11], [sflag:$0x1] =	stream.indirect.gather [hbm4b:s1+s10], $0x80, s4, s10, $0xb8;
	[tilespmem:$0x1FC00] =	vst v63  }
0x86: {  	s14 =	rddreg [dreg:$0x14]  }
0x87: {  	[tilespmem:s7], [sflag:$0x8] =	stream.linear.gather [hbm4b:s14+s4], $0x50, $0x38;
	[tilespmem:$0x1FC00] =	vst v63  }
0x88: {  	_ =	swait.ge [sflag:s18], $0x2800  }
0x89: {  	[sflag:s18] =	ssyncset.done $0x0  }
0x8a: {  	s25 =	simm.s32 $0x680;
	[sflag:s18] =	ssyncadd.s32 $0xFFFFD800  }
0x8b: {  	[spmem:s3] =	stream.indirect.scatter.add.f32 [tilespmem:s15], [sflag:$0xA], $0x80, s25, s10, $0xb8;
	[tilespmem:$0x1FC00] =	vst v63  }
0x8c: {  	_ =	swait.ge [sflag:s30], $0x2800  }
0x8d: {  	[sflag:s30] =	ssyncset.done $0x0  }
0x8e: {  	s21 =	simm.s32 $0xC00;
	s20 =	sadd.s32 $0x1E0, s22;
	[sflag:s30] =	ssyncadd.s32 $0xFFFFD800  }
0x8f: {  	s23 =	sadd.s32 $0x3C, s23;
	s22 =	sadd.s32 $0x3C, s9;
	_ =	swait.ge [sflag:s29], $0x50  }
0x90: {  	s8 =	sadd.s32 $0x3C, s8;
	[sflag:s29] =	ssyncset.done $0x0;
	s9 =	rddreg [dreg:$0x13]  }
0x91: {  	s25 =	sadd.s32 $0x3C, s14;
	[sflag:s29] =	ssyncadd.s32 $0xFFFFFFB0;
	s24 =	sadd.s32 $0x3C, s9  }
0x92: {  	[tilespmem:s12], [sflag:$0x2] =	stream.indirect.gather [hbm4b:s1+s10], $0x80, s2, s10, $0xb8;
	[tilespmem:$0x1FC00] =	vst v63  }
.LBB2_2:
0x93: {  	s14 =	simm.s32 $0x280  }
0x94: {  	[tilespmem:s14], [sflag:$0x9] =	stream.linear.gather [hbm4b:s9+s4], $0x50, $0x38;
	[tilespmem:$0x1FC00] =	vst v63  }
0x95: {  	s5 =	smov.u32 s21;
	_ =	swait.ge [sflag:s13], $0x2800  }
0x96: {  	s5 =	sshra.s32 s5, $0x2;
	[sflag:s13] =	ssyncset.done $0x0  }
0x97: {  	s0 =	sadd.s32 $0x400, s5;
	[sflag:s13] =	ssyncadd.s32 $0xFFFFD800  }
0x98: {  	[spmem:s3] =	stream.indirect.scatter.add.f32 [tilespmem:s11], [sflag:$0xA], $0x80, s0, s10, $0xb8;
	[tilespmem:$0x1FC00] =	vst v63  }
0x99: {  	_ =	swait.ge [sflag:s30], $0x2800  }
0x9a: {  	[sflag:s30] =	ssyncset.done $0x0  }
0x9b: {  	s6 =	simm.s32 $0x6;
	[sflag:s30] =	ssyncadd.s32 $0xFFFFD800  }
0x9c: {  	_ =	swait.ge [sflag:s6], $0x50  }
0x9d: {  	s7 =	sshrl.u32 s20, $0x3;
	[sflag:s6] =	ssyncset.done $0x0  }
0x9e: {  	s2 =	rddreg [dreg:$0x4];
	[sflag:s6] =	ssyncadd.s32 $0xFFFFFFB0;
	s6 =	simm.s32 $0x100  }
0x9f: {  	[tilespmem:s15], [sflag:$0x3] =	stream.indirect.gather [hbm4b:s1+s10], $0x80, s6, s10, $0xb8;
	[tilespmem:$0x1FC00] =	vst v63  }
0xa0: {  	s0 =	sadd.s32 s2, s7  }
0xa1: {  	[tilespmem:s4], [sflag:$0x4] =	stream.linear.gather [hbm4b:s0+s4], $0x50, $0x38;
	[tilespmem:$0x1FC00] =	vst v63  }
0xa2: {  	_ =	swait.ge [sflag:s16], $0x2800  }
0xa3: {  	[sflag:s16] =	ssyncset.done $0x0  }
0xa4: {  	s7 =	sadd.s32 $0x480, s5;
	[sflag:s16] =	ssyncadd.s32 $0xFFFFD800  }
0xa5: {  	[spmem:s3] =	stream.indirect.scatter.add.f32 [tilespmem:s12], [sflag:$0xA], $0x80, s7, s10, $0xb8;
	[tilespmem:$0x1FC00] =	vst v63  }
0xa6: {  	_ =	swait.ge [sflag:s30], $0x2800  }
0xa7: {  	[sflag:s30] =	ssyncset.done $0x0  }
0xa8: {  	[sflag:s30] =	ssyncadd.s32 $0xFFFFD800  }
0xa9: {  	_ =	swait.ge [sflag:s17], $0x50  }
0xaa: {  	[sflag:s17] =	ssyncset.done $0x0  }
0xab: {  	s7 =	simm.s32 $0x180;
	[sflag:s17] =	ssyncadd.s32 $0xFFFFFFB0  }
0xac: {  	[tilespmem:s11], [sflag:$0x1] =	stream.indirect.gather [hbm4b:s1+s10], $0x80, s7, s10, $0xb8;
	[tilespmem:$0x1FC00] =	vst v63  }
0xad: {  	_ = 	snop  }
0xae: {  	[tilespmem:s31], [sflag:$0x5] =	stream.linear.gather [hbm4b:s23+s4], $0x50, $0x38;
	[tilespmem:$0x1FC00] =	vst v63  }
0xaf: {  	_ =	swait.ge [sflag:s18], $0x2800  }
0xb0: {  	[sflag:s18] =	ssyncset.done $0x0  }
0xb1: {  	s2 =	sadd.s32 $0x500, s5;
	[sflag:s18] =	ssyncadd.s32 $0xFFFFD800  }
0xb2: {  	[spmem:s3] =	stream.indirect.scatter.add.f32 [tilespmem:s15], [sflag:$0xA], $0x80, s2, s10, $0xb8;
	[tilespmem:$0x1FC00] =	vst v63  }
0xb3: {  	_ =	swait.ge [sflag:s30], $0x2800  }
0xb4: {  	[sflag:s30] =	ssyncset.done $0x0  }
0xb5: {  	[sflag:s30] =	ssyncadd.s32 $0xFFFFD800  }
0xb6: {  	_ =	swait.ge [sflag:s19], $0x50  }
0xb7: {  	[sflag:s19] =	ssyncset.done $0x0  }
0xb8: {  	s2 =	simm.s32 $0x200;
	[sflag:s19] =	ssyncadd.s32 $0xFFFFFFB0  }
0xb9: {  	[tilespmem:s12], [sflag:$0x2] =	stream.indirect.gather [hbm4b:s1+s10], $0x80, s2, s10, $0xb8;
	[tilespmem:$0x1FC00] =	vst v63  }
0xba: {  	_ = 	snop  }
0xbb: {  	[tilespmem:s6], [sflag:$0x6] =	stream.linear.gather [hbm4b:s22+s4], $0x50, $0x38;
	[tilespmem:$0x1FC00] =	vst v63  }
0xbc: {  	_ =	swait.ge [sflag:s13], $0x2800  }
0xbd: {  	[sflag:s13] =	ssyncset.done $0x0  }
0xbe: {  	s6 =	sadd.s32 $0x580, s5;
	[sflag:s13] =	ssyncadd.s32 $0xFFFFD800  }
0xbf: {  	[spmem:s3] =	stream.indirect.scatter.add.f32 [tilespmem:s11], [sflag:$0xA], $0x80, s6, s10, $0xb8;
	[tilespmem:$0x1FC00] =	vst v63  }
0xc0: {  	_ =	swait.ge [sflag:s30], $0x2800  }
0xc1: {  	[sflag:s30] =	ssyncset.done $0x0  }
0xc2: {  	[sflag:s30] =	ssyncadd.s32 $0xFFFFD800  }
0xc3: {  	_ =	swait.ge [sflag:s26], $0x50  }
0xc4: {  	[sflag:s26] =	ssyncset.done $0x0  }
0xc5: {  	[sflag:s26] =	ssyncadd.s32 $0xFFFFFFB0  }
0xc6: {  	[tilespmem:s15], [sflag:$0x3] =	stream.indirect.gather [hbm4b:s1+s10], $0x80, s14, s10, $0xb8;
	[tilespmem:$0x1FC00] =	vst v63  }
0xc7: {  	_ = 	snop  }
0xc8: {  	[tilespmem:s7], [sflag:$0x7] =	stream.linear.gather [hbm4b:s8+s4], $0x50, $0x38;
	[tilespmem:$0x1FC00] =	vst v63  }
0xc9: {  	_ =	swait.ge [sflag:s16], $0x2800  }
0xca: {  	[sflag:s16] =	ssyncset.done $0x0  }
0xcb: {  	s7 =	sadd.s32 $0x600, s5;
	[sflag:s16] =	ssyncadd.s32 $0xFFFFD800  }
0xcc: {  	[spmem:s3] =	stream.indirect.scatter.add.f32 [tilespmem:s12], [sflag:$0xA], $0x80, s7, s10, $0xb8;
	[tilespmem:$0x1FC00] =	vst v63  }
0xcd: {  	_ =	swait.ge [sflag:s30], $0x2800  }
0xce: {  	[sflag:s30] =	ssyncset.done $0x0  }
0xcf: {  	[sflag:s30] =	ssyncadd.s32 $0xFFFFD800  }
0xd0: {  	_ =	swait.ge [sflag:s28], $0x50  }
0xd1: {  	[sflag:s28] =	ssyncset.done $0x0  }
0xd2: {  	[sflag:s28] =	ssyncadd.s32 $0xFFFFFFB0  }
0xd3: {  	[tilespmem:s11], [sflag:$0x1] =	stream.indirect.gather [hbm4b:s1+s10], $0x80, s4, s10, $0xb8;
	[tilespmem:$0x1FC00] =	vst v63  }
0xd4: {  	_ = 	snop  }
0xd5: {  	[tilespmem:s2], [sflag:$0x8] =	stream.linear.gather [hbm4b:s25+s4], $0x50, $0x38;
	[tilespmem:$0x1FC00] =	vst v63  }
0xd6: {  	_ =	swait.ge [sflag:s18], $0x2800  }
0xd7: {  	[sflag:s18] =	ssyncset.done $0x0  }
0xd8: {  	s14 =	sadd.s32 $0x680, s5;
	[sflag:s18] =	ssyncadd.s32 $0xFFFFD800  }
0xd9: {  	[spmem:s3] =	stream.indirect.scatter.add.f32 [tilespmem:s15], [sflag:$0xA], $0x80, s14, s10, $0xb8;
	[tilespmem:$0x1FC00] =	vst v63  }
0xda: {  	_ =	swait.ge [sflag:s30], $0x2800  }
0xdb: {  	p0 =	sne.s32 s21, $0xD800;
	s21 =	sadd.s32 $0xC00, s21;
	[sflag:s30] =	ssyncset.done $0x0  }
.Ltmp0:
0xdc: {  	s20 =	sadd.s32 $0x1E0, s20;
	[sflag:s30] =	ssyncadd.s32 $0xFFFFD800;
	(pc) =	sbr.rel @p0 .LBB2_2-.Ltmp0, $4  }
0xdd: {  	s9 =	smov.u32 s24;
	s24 =	sadd.s32 $0x3C, s24;
	_ =	swait.ge [sflag:s29], $0x50  }
0xde: {  	s23 =	sadd.s32 $0x3C, s23;
	s22 =	sadd.s32 $0x3C, s22;
	[sflag:s29] =	ssyncset.done $0x0  }
0xdf: {  	s8 =	sadd.s32 $0x3C, s8;
	s25 =	sadd.s32 $0x3C, s25;
	[sflag:s29] =	ssyncadd.s32 $0xFFFFFFB0  }
0xe0: {  	[tilespmem:s12], [sflag:$0x2] =	stream.indirect.gather [hbm4b:s1+s10], $0x80, s31, s10, $0xb8;
	[tilespmem:$0x1FC00] =	vst v63  }
0xe1: {  	s2 =	simm.s32 $0x280  }
0xe2: {  	[tilespmem:s2], [sflag:$0x9] =	stream.linear.gather [hbm4b:s9+s4], $0x50, $0x38;
	[tilespmem:$0x1FC00] =	vst v63  }
0xe3: {  	_ =	swait.ge [sflag:s13], $0x2800  }
0xe4: {  	[sflag:s13] =	ssyncset.done $0x0  }
0xe5: {  	s0 =	simm.s32 $0x3D00;
	[sflag:s13] =	ssyncadd.s32 $0xFFFFD800  }
0xe6: {  	[spmem:s3] =	stream.indirect.scatter.add.f32 [tilespmem:s11], [sflag:$0xA], $0x80, s0, s10, $0xb8;
	[tilespmem:$0x1FC00] =	vst v63  }
0xe7: {  	_ =	swait.ge [sflag:s30], $0x2800  }
0xe8: {  	[sflag:s30] =	ssyncset.done $0x0  }
0xe9: {  	s9 =	simm.s32 $0x6;
	[sflag:s30] =	ssyncadd.s32 $0xFFFFD800  }
0xea: {  	_ =	swait.ge [sflag:s9], $0x50  }
0xeb: {  	[sflag:s9] =	ssyncset.done $0x0  }
0xec: {  	s8 =	simm.s32 $0x100;
	[sflag:s9] =	ssyncadd.s32 $0xFFFFFFB0  }
0xed: {  	[tilespmem:s15], [sflag:$0x3] =	stream.indirect.gather [hbm4b:s1+s10], $0x80, s8, s10, $0xb8;
	[tilespmem:$0x1FC00] =	vst v63  }
0xee: {  	s6 =	rddreg [dreg:$0xf]  }
0xef: {  	[tilespmem:s4], [sflag:$0x4] =	stream.linear.gather [hbm4b:s6+s4], $0x50, $0x38;
	[tilespmem:$0x1FC00] =	vst v63  }
0xf0: {  	_ =	swait.ge [sflag:s16], $0x2800  }
0xf1: {  	[sflag:s16] =	ssyncset.done $0x0  }
0xf2: {  	s7 =	simm.s32 $0x3D80;
	[sflag:s16] =	ssyncadd.s32 $0xFFFFD800  }
0xf3: {  	[spmem:s3] =	stream.indirect.scatter.add.f32 [tilespmem:s12], [sflag:$0xA], $0x80, s7, s10, $0xb8;
	[tilespmem:$0x1FC00] =	vst v63  }
0xf4: {  	_ =	swait.ge [sflag:s30], $0x2800  }
0xf5: {  	[sflag:s30] =	ssyncset.done $0x0  }
0xf6: {  	[sflag:s30] =	ssyncadd.s32 $0xFFFFD800  }
0xf7: {  	_ =	swait.ge [sflag:s17], $0x50  }
0xf8: {  	[sflag:s17] =	ssyncset.done $0x0  }
0xf9: {  	s6 =	simm.s32 $0x180;
	[sflag:s17] =	ssyncadd.s32 $0xFFFFFFB0  }
0xfa: {  	[tilespmem:s11], [sflag:$0x1] =	stream.indirect.gather [hbm4b:s1+s10], $0x80, s6, s10, $0xb8;
	[tilespmem:$0x1FC00] =	vst v63  }
0xfb: {  	s5 =	simm.s32 $0x80;
	s14 =	rddreg [dreg:$0x10]  }
0xfc: {  	[tilespmem:s5], [sflag:$0x5] =	stream.linear.gather [hbm4b:s14+s4], $0x50, $0x38;
	[tilespmem:$0x1FC00] =	vst v63  }
0xfd: {  	_ =	swait.ge [sflag:s18], $0x2800  }
0xfe: {  	[sflag:s18] =	ssyncset.done $0x0  }
0xff: {  	s20 =	simm.s32 $0x3E00;
	[sflag:s18] =	ssyncadd.s32 $0xFFFFD800  }
0x100: {  	[spmem:s3] =	stream.indirect.scatter.add.f32 [tilespmem:s15], [sflag:$0xA], $0x80, s20, s10, $0xb8;
	[tilespmem:$0x1FC00] =	vst v63  }
0x101: {  	_ =	swait.ge [sflag:s30], $0x2800  }
0x102: {  	[sflag:s30] =	ssyncset.done $0x0  }
0x103: {  	[sflag:s30] =	ssyncadd.s32 $0xFFFFD800  }
0x104: {  	_ =	swait.ge [sflag:s19], $0x50  }
0x105: {  	[sflag:s19] =	ssyncset.done $0x0  }
0x106: {  	s7 =	simm.s32 $0x200;
	[sflag:s19] =	ssyncadd.s32 $0xFFFFFFB0  }
0x107: {  	[tilespmem:s12], [sflag:$0x2] =	stream.indirect.gather [hbm4b:s1+s10], $0x80, s7, s10, $0xb8;
	[tilespmem:$0x1FC00] =	vst v63  }
0x108: {  	s21 =	rddreg [dreg:$0x19]  }
0x109: {  	[tilespmem:s8], [sflag:$0x6] =	stream.linear.gather [hbm4b:s21+s4], $0x50, $0x38;
	[tilespmem:$0x1FC00] =	vst v63  }
0x10a: {  	_ =	swait.ge [sflag:s13], $0x2800  }
0x10b: {  	[sflag:s13] =	ssyncset.done $0x0  }
0x10c: {  	s22 =	simm.s32 $0x3E80;
	[sflag:s13] =	ssyncadd.s32 $0xFFFFD800  }
0x10d: {  	[spmem:s3] =	stream.indirect.scatter.add.f32 [tilespmem:s11], [sflag:$0xA], $0x80, s22, s10, $0xb8;
	[tilespmem:$0x1FC00] =	vst v63  }
0x10e: {  	_ =	swait.ge [sflag:s30], $0x2800  }
0x10f: {  	[sflag:s30] =	ssyncset.done $0x0  }
0x110: {  	[sflag:s30] =	ssyncadd.s32 $0xFFFFD800  }
0x111: {  	_ =	swait.ge [sflag:s26], $0x50  }
0x112: {  	[sflag:s26] =	ssyncset.done $0x0  }
0x113: {  	[sflag:s26] =	ssyncadd.s32 $0xFFFFFFB0  }
0x114: {  	[tilespmem:s15], [sflag:$0x3] =	stream.indirect.gather [hbm4b:s1+s10], $0x80, s2, s10, $0xb8;
	[tilespmem:$0x1FC00] =	vst v63  }
0x115: {  	s23 =	rddreg [dreg:$0x1a]  }
0x116: {  	[tilespmem:s6], [sflag:$0x7] =	stream.linear.gather [hbm4b:s23+s4], $0x50, $0x38;
	[tilespmem:$0x1FC00] =	vst v63  }
0x117: {  	_ =	swait.ge [sflag:s16], $0x2800  }
0x118: {  	[sflag:s16] =	ssyncset.done $0x0  }
0x119: {  	s24 =	simm.s32 $0x3F00;
	[sflag:s16] =	ssyncadd.s32 $0xFFFFD800  }
0x11a: {  	[spmem:s3] =	stream.indirect.scatter.add.f32 [tilespmem:s12], [sflag:$0xA], $0x80, s24, s10, $0xb8;
	[tilespmem:$0x1FC00] =	vst v63  }
0x11b: {  	_ =	swait.ge [sflag:s30], $0x2800  }
0x11c: {  	[sflag:s30] =	ssyncset.done $0x0  }
0x11d: {  	[sflag:s30] =	ssyncadd.s32 $0xFFFFD800  }
0x11e: {  	_ =	swait.ge [sflag:s28], $0x50  }
0x11f: {  	[sflag:s28] =	ssyncset.done $0x0  }
0x120: {  	[sflag:s28] =	ssyncadd.s32 $0xFFFFFFB0  }
0x121: {  	[tilespmem:s11], [sflag:$0x1] =	stream.indirect.gather [hbm4b:s1+s10], $0x80, s4, s10, $0xb8;
	[tilespmem:$0x1FC00] =	vst v63  }
0x122: {  	s25 =	rddreg [dreg:$0x1b]  }
0x123: {  	[tilespmem:s7], [sflag:$0x8] =	stream.linear.gather [hbm4b:s25+s4], $0x50, $0x38;
	[tilespmem:$0x1FC00] =	vst v63  }
0x124: {  	_ =	swait.ge [sflag:s18], $0x2800  }
0x125: {  	[sflag:s18] =	ssyncset.done $0x0  }
0x126: {  	s2 =	simm.s32 $0x3F80;
	[sflag:s18] =	ssyncadd.s32 $0xFFFFD800  }
0x127: {  	[spmem:s3] =	stream.indirect.scatter.add.f32 [tilespmem:s15], [sflag:$0xA], $0x80, s2, s10, $0xb8;
	[tilespmem:$0x1FC00] =	vst v63  }
0x128: {  	_ =	swait.ge [sflag:s30], $0x2800  }
0x129: {  	[sflag:s30] =	ssyncset.done $0x0  }
0x12a: {  	[sflag:s30] =	ssyncadd.s32 $0xFFFFD800  }
0x12b: {  	_ =	swait.ge [sflag:s29], $0x50  }
0x12c: {  	[sflag:s29] =	ssyncset.done $0x0  }
0x12d: {  	[sflag:s29] =	ssyncadd.s32 $0xFFFFFFB0  }
0x12e: {  	[tilespmem:s12], [sflag:$0x2] =	stream.indirect.gather [hbm4b:s1+s10], $0x80, s5, s10, $0xb8;
	[tilespmem:$0x1FC00] =	vst v63  }
0x12f: {  	_ =	swait.ge [sflag:s13], $0x2800  }
0x130: {  	[sflag:s13] =	ssyncset.done $0x0  }
0x131: {  	s5 =	simm.s32 $0x4000;
	[sflag:s13] =	ssyncadd.s32 $0xFFFFD800  }
0x132: {  	[spmem:s3] =	stream.indirect.scatter.add.f32 [tilespmem:s11], [sflag:$0xA], $0x80, s5, s10, $0xb8;
	[tilespmem:$0x1FC00] =	vst v63  }
0x133: {  	_ =	swait.ge [sflag:s30], $0x2800  }
0x134: {  	[sflag:s30] =	ssyncset.done $0x0  }
0x135: {  	[sflag:s30] =	ssyncadd.s32 $0xFFFFD800  }
0x136: {  	_ =	swait.ge [sflag:s9], $0x50  }
0x137: {  	[sflag:s9] =	ssyncset.done $0x0  }
0x138: {  	[sflag:s9] =	ssyncadd.s32 $0xFFFFFFB0  }
0x139: {  	[tilespmem:s15], [sflag:$0x3] =	stream.indirect.gather [hbm4b:s1+s10], $0x80, s8, s10, $0xb8;
	[tilespmem:$0x1FC00] =	vst v63  }
0x13a: {  	_ =	swait.ge [sflag:s16], $0x2800  }
0x13b: {  	[sflag:s16] =	ssyncset.done $0x0  }
0x13c: {  	s9 =	simm.s32 $0x4080;
	[sflag:s16] =	ssyncadd.s32 $0xFFFFD800  }
0x13d: {  	[spmem:s3] =	stream.indirect.scatter.add.f32 [tilespmem:s12], [sflag:$0xA], $0x80, s9, s10, $0xb8;
	[tilespmem:$0x1FC00] =	vst v63  }
0x13e: {  	_ =	swait.ge [sflag:s30], $0x2800  }
0x13f: {  	[sflag:s30] =	ssyncset.done $0x0  }
0x140: {  	[sflag:s30] =	ssyncadd.s32 $0xFFFFD800  }
0x141: {  	_ =	swait.ge [sflag:s17], $0x50  }
0x142: {  	[sflag:s17] =	ssyncset.done $0x0  }
0x143: {  	[sflag:s17] =	ssyncadd.s32 $0xFFFFFFB0  }
0x144: {  	[tilespmem:s11], [sflag:$0x1] =	stream.indirect.gather [hbm4b:s1+s10], $0x80, s6, s10, $0xb8;
	[tilespmem:$0x1FC00] =	vst v63  }
0x145: {  	_ =	swait.ge [sflag:s18], $0x2800  }
0x146: {  	[sflag:s18] =	ssyncset.done $0x0  }
0x147: {  	s14 =	simm.s32 $0x4100;
	[sflag:s18] =	ssyncadd.s32 $0xFFFFD800  }
0x148: {  	[spmem:s3] =	stream.indirect.scatter.add.f32 [tilespmem:s15], [sflag:$0xA], $0x80, s14, s10, $0xb8;
	[tilespmem:$0x1FC00] =	vst v63  }
0x149: {  	_ =	swait.ge [sflag:s30], $0x2800  }
0x14a: {  	[sflag:s30] =	ssyncset.done $0x0  }
0x14b: {  	[sflag:s30] =	ssyncadd.s32 $0xFFFFD800  }
0x14c: {  	_ =	swait.ge [sflag:s19], $0x50  }
0x14d: {  	[sflag:s19] =	ssyncset.done $0x0  }
0x14e: {  	[sflag:s19] =	ssyncadd.s32 $0xFFFFFFB0  }
0x14f: {  	[tilespmem:s12], [sflag:$0x2] =	stream.indirect.gather [hbm4b:s1+s10], $0x80, s7, s10, $0xb8;
	[tilespmem:$0x1FC00] =	vst v63  }
0x150: {  	_ =	swait.ge [sflag:s13], $0x2800  }
0x151: {  	[sflag:s13] =	ssyncset.done $0x0  }
0x152: {  	s20 =	simm.s32 $0x4180;
	[sflag:s13] =	ssyncadd.s32 $0xFFFFD800  }
0x153: {  	[spmem:s3] =	stream.indirect.scatter.add.f32 [tilespmem:s11], [sflag:$0xA], $0x80, s20, s10, $0xb8;
	[tilespmem:$0x1FC00] =	vst v63  }
0x154: {  	_ =	swait.ge [sflag:s30], $0x2800  }
0x155: {  	[sflag:s30] =	ssyncset.done $0x0  }
0x156: {  	[sflag:s30] =	ssyncadd.s32 $0xFFFFD800  }
0x157: {  	_ =	swait.ge [sflag:s16], $0x2800  }
0x158: {  	[sflag:s16] =	ssyncset.done $0x0  }
0x159: {  	s21 =	simm.s32 $0x4200;
	[sflag:s16] =	ssyncadd.s32 $0xFFFFD800  }
0x15a: {  	[spmem:s3] =	stream.indirect.scatter.add.f32 [tilespmem:s12], [sflag:$0xA], $0x80, s21, s10, $0xb8;
	[tilespmem:$0x1FC00] =	vst v63  }
0x15b: {  	_ =	swait.ge [sflag:s30], $0x2800  }
0x15c: {  	[sflag:s30] =	ssyncset.done $0x0  }
0x15d: {  	[sflag:s30] =	ssyncadd.s32 $0xFFFFD800  }
0x15e: {  	[bflag:$0x0] =	sbarrier.arrive $0xFFFF  }
0x15f: {  	s8 =	rddreg [dreg:$0x7]  }
0x160: {  	s22 =	rddreg [dreg:$0x11]  }
0x161: {  	s23 =	rddreg [dreg:$0x1d]  }
0x162: {  	[hbm:s22], [sflag:s8] =	dma.local [spmem:s23], $0x2800  }
0x163: {  	_ =	swait.ge [sflag:s30], $0x2800  }
0x164: {  	s24 =	rddreg [dreg:$0x1c]  }
0x165: {  	s25 =	rddreg [dreg:$0x12];
	s2 =	sadd.s32 $0x1, s24  }
0x166: {  	p0 =	sne.s32 s2, s25  }
.Ltmp1:
0x167: {  	_ = 	snop;
	(pc) =	sbr.rel @p0 .LBB2_1-.Ltmp1, $3  }
0x168: {  	_ =	sdelay $0x1  }
0x169: {  	[sflag:s30] =	ssyncset.done $0x0  }
0x16a: {  	s20 =	rddreg [dreg:$0x4];
	[sflag:s30] =	ssyncadd.s32 $0xFFFFD800  }
0x16b: {  	_ =	sfence.sel $0x180000  }
0x16c: {  	[bflag:$0x0] =	sbarrier.arrive $0xFFFF  }
0x16d: {  	_ =	strace $0x90000047  }
0x16e: {  	s0 =	stileid.u32;
	[bflag:$0x2] =	sbarrier.arrive $0xFFFF  }
0x16f: {  	p0 =	sne.s32 s0, $0x0;
	s0 =	rddreg [dreg:$0x3]  }
0x170: {  	s0 =	sadd.s32 @!p0 $0x100000, s0  }
0x171: {  	[sflag:s0] =	ssyncadd.tile.s32 @!p0 $0x1;
	_ =	shalt  }
.Lfunc_end2:
_tile_overlayer_lowered:
.L_overlay_start_2:
0x172: {  	(tag) =	ssettag $0x2  }
0x173: {  	s0 =	rddreg [dreg:$0x0];
	s2 =	stileid.u32  }
0x174: {  	s1 =	rddreg [dreg:$0x1];
	p0 =	sne.s32 s2, $0x0  }
0x175: {  	s3 =	rddreg [dreg:$0x2];
	[bflag:$0x3] =	sbarrier.arrive $0xFFFF;
	s2 =	simm.s32 @!p0 $0x1C0A  }
0x176: {  	[timem:s3], [sflag:s2] =	dma.local @!p0 [hbm:s0], s1  }
0x177: {  	s0 =	simm.s32 @!p0 $0xA  }
0x178: {  	_ =	swait.ge @!p0 [sflag:s0], s1  }
0x179: {  	s1 =	ssub.s32 @!p0 $0x0, s1;
	[sflag:s0] =	ssyncset.done @!p0 $0x0  }
0x17a: {  	[sflag:s0] =	ssyncadd.s32 @!p0 s1  }
0x17b: {  	[bflag:$0x3] =	sbarrier.arrive $0xFFFF  }
0x17c: {  	_ =	shalt  }

</sc_bundles>
